<compile_context>
chip_gen: v7x
topology: tpu7x:2x2x1
jax: 0.10.2.dev20260603
libtpu: 0.0.44.dev20260713+nightly
codegen_flags: <defaults>
</compile_context>

<pallas_src>
import functools

import jax
import jax.numpy as jnp
from jax import lax
from jax.experimental import pallas as pl
from jax.experimental.pallas import tpu as pltpu
from jax.experimental.pallas import tpu_sc as plsc

_B = 512
_NEG_INF = float("-inf")


def _sc_counts(idx):
    n = idx.shape[0]
    per = (n // 512) * 16
    nlast = n - 31 * per
    mesh = plsc.VectorSubcoreMesh(core_axis_name="c", subcore_axis_name="s")

    @functools.partial(
        pl.kernel, mesh=mesh,
        out_type=[jax.ShapeDtypeStruct((_B, 128), jnp.float32),
                  jax.ShapeDtypeStruct((_B, 128), jnp.float32)],
        scratch_types=[
            pltpu.VMEM((_B, 128), jnp.float32),
            pltpu.VMEM((nlast,), jnp.int32),
            pltpu.VMEM((_B // 128, 128), jnp.int32),
            pltpu.VMEM_SHARED((_B, 128), jnp.float32),
        ],
    )
    def k(idx_hbm, cnt_out0, cnt_out1, cnt, idxb, ident, shcnt):
        c = lax.axis_index("c")
        s = lax.axis_index("s")
        wid = c * 16 + s
        zero16 = jnp.zeros((16,), jnp.float32)
        one16 = jnp.ones((16,), jnp.float32)

        def zb(b, cz):
            for g in range(8):
                cnt[b, pl.ds(g * 16, 16)] = zero16
            return cz
        lax.fori_loop(0, _B, zb, 0)

        ii = lax.iota(jnp.int32, 16)
        for j in range(_B // 128):
            for t in range(8):
                ident[j, pl.ds(t * 16, 16)] = ii + (j * 128 + t * 16)

        @pl.when(s == 0)
        def _():
            pltpu.sync_copy(cnt, shcnt)
        plsc.subcore_barrier()

        pltpu.sync_copy(idx_hbm.at[pl.ds(wid * per, nlast)], idxb)

        def group(g16, cz):
            iv = idxb[pl.ds(g16 * 16, 16)]
            for j in range(16):
                plsc.addupdate(cnt.at[iv[j], pl.ds((j % 8) * 16, 16)], one16)
            return cz
        lax.fori_loop(0, per // 16, group, 0)

        @pl.when(wid == 31)
        def _():
            lax.fori_loop(per // 16, nlast // 16, group, 0)

        plsc.subcore_barrier()
        for j in range(_B // 128):
            pltpu.sync_copy(cnt.at[pl.ds(j * 128, 128)],
                            shcnt.at[ident.at[j]], add=True)
        plsc.subcore_barrier()

        @pl.when((s == 0) & (c == 0))
        def _():
            pltpu.sync_copy(shcnt, cnt_out0)

        @pl.when((s == 0) & (c != 0))
        def _():
            pltpu.sync_copy(shcnt, cnt_out1)

    return k(idx)


def _sig(x):
    return 1.0 / (1.0 + jnp.exp(-x))


def _pick_t(n, candidates=(1280, 640, 512, 500, 400, 320, 256, 128, 64, 32,
                           16, 8)):
    for t in candidates:
        if n % t == 0:
            return t
    return n


def _seg_range(idx):
    return jnp.min(idx), jnp.max(idx)


def _stats_body(f_ref, idx_ref, w1t_ref, b1_ref,
                hsum_ref, hsq_ref, ssum_ref, ssq_ref, cnt_ref,
                sacc_ref, qacc_ref, cacc_ref):
    i = pl.program_id(0)
    nsteps = pl.num_programs(0)

    @pl.when(i == 0)
    def _():
        hsum_ref[...] = jnp.zeros_like(hsum_ref)
        hsq_ref[...] = jnp.zeros_like(hsq_ref)
        sacc_ref[...] = jnp.zeros_like(sacc_ref)
        qacc_ref[...] = jnp.zeros_like(qacc_ref)
        cacc_ref[...] = jnp.zeros_like(cacc_ref)

    f = f_ref[...]
    h = jnp.dot(f, w1t_ref[...], preferred_element_type=jnp.float32) + b1_ref[...]
    hsum_ref[...] += jnp.sum(h, axis=0, keepdims=True)
    hsq_ref[...] += jnp.sum(h * h, axis=0, keepdims=True)

    idx = idx_ref[...]
    f2 = f * f
    smin, smax = _seg_range(idx)
    iota_w = lax.broadcasted_iota(jnp.int32, (1, _W), 1)

    def win(w, carry):
        base = smin + w * _W
        oh = ((idx - base) == iota_w).astype(jnp.float32)
        dng = lambda x: lax.dot_general(oh, x, (((0,), (0,)), ((), ())),
                                        preferred_element_type=jnp.float32)
        sacc_ref[pl.ds(base, _W), :] += dng(f)
        qacc_ref[pl.ds(base, _W), :] += dng(f2)
        cacc_ref[pl.ds(base, _W), :] += dng(jnp.ones_like(idx, jnp.float32))
        return carry

    lax.fori_loop(0, (smax - smin) // _W + 1, win, 0)

    @pl.when(i == nsteps - 1)
    def _():
        ssum_ref[...] = sacc_ref[:_B, :]
        ssq_ref[...] = qacc_ref[:_B, :]
        cnt_ref[...] = cacc_ref[:_B, :]


_W = 32


def _seg_softmax_window(oh, e, inw, lam, lneg, f, u2, base,
                        m_ref, den_ref, nums_ref, numf_ref, numu_ref):
    bmax = jnp.max(jnp.where(inw, e, _NEG_INF))
    safe_b = jnp.where(bmax == _NEG_INF, 0.0, bmax)
    exb = jnp.where(inw, jnp.exp(jnp.minimum(e - safe_b, 0.0)), 0.0)
    exn = exb * lneg
    dng = lambda x: lax.dot_general(oh, x, (((0,), (0,)), ((), ())),
                                    preferred_element_type=jnp.float32)
    den_add = dng(exb)
    nums_add = dng(exn)
    numf_add = dng((exb * lam) * f)
    numu_add = dng(exn * u2)
    present = den_add > 0.0
    m_old = m_ref[pl.ds(base, _W), :]
    m_new = jnp.where(present, jnp.maximum(m_old, safe_b), m_old)
    scale = jnp.where(present, jnp.exp(m_old - m_new), 1.0)
    corr = jnp.where(present, jnp.exp(safe_b - m_new), 0.0)
    den_ref[pl.ds(base, _W), :] = den_ref[pl.ds(base, _W), :] * scale + \
        den_add * corr
    nums_ref[pl.ds(base, _W), :] = nums_ref[pl.ds(base, _W), :] * scale + \
        nums_add * corr
    numf_ref[pl.ds(base, _W), :] = numf_ref[pl.ds(base, _W), :] * scale + \
        numf_add * corr
    numu_ref[pl.ds(base, _W), :] = numu_ref[pl.ds(base, _W), :] * scale + \
        numu_add * corr
    m_ref[pl.ds(base, _W), :] = m_new


def _s2s1_body(f_ref, u2_ref, idx_ref, noise_ref, a_ref, c_ref, w2_ref,
               b2_ref, mean_ref, std_ref,
               bih_ref, bhh_ref,
               lam_ref, pres_ref, r1_ref, s_out_ref, k_out_ref,
               q1_ref, m_ref, den_ref, nums_ref, numf_ref, numu_ref,
               sacc_ref, kacc_ref):
    i = pl.program_id(0)
    nsteps = pl.num_programs(0)
    t, d = f_ref.shape

    @pl.when(i == 0)
    def _():
        gates = bih_ref[...] + bhh_ref[...]
        ig = _sig(gates[:, 0:d])
        gg = jnp.tanh(gates[:, 2 * d:3 * d])
        og = _sig(gates[:, 3 * d:4 * d])
        cx1 = ig * gg
        q1_ref[...] = og * jnp.tanh(cx1)
        m_ref[...] = jnp.full_like(m_ref, _NEG_INF)
        den_ref[...] = jnp.zeros_like(den_ref)
        nums_ref[...] = jnp.zeros_like(nums_ref)
        numf_ref[...] = jnp.zeros_like(numf_ref)
        numu_ref[...] = jnp.zeros_like(numu_ref)
        sacc_ref[...] = jnp.zeros_like(sacc_ref)
        kacc_ref[...] = jnp.zeros_like(kacc_ref)
        pres_ref[...] = jnp.zeros_like(pres_ref)

    f = f_ref[...]
    u2 = u2_ref[...]
    hh = jnp.maximum(
        jnp.dot(f, a_ref[...], preferred_element_type=jnp.float32) + c_ref[...],
        0.0)
    p = jnp.sum(hh * w2_ref[...], axis=1, keepdims=True) + b2_ref[...]
    lam = _sig(noise_ref[...] + p)
    lam_ref[...] = lam
    pres_ref[...] += jnp.sum((p > 0.0).astype(jnp.float32), keepdims=True)
    lneg = 1.0 - lam
    lneg2 = lneg * lneg
    idx = idx_ref[...]
    q1 = q1_ref[...]
    dotfq = jnp.sum(f * q1, axis=1, keepdims=True)
    smin, smax = _seg_range(idx)
    iota_w = lax.broadcasted_iota(jnp.int32, (1, _W), 1)

    def win(w, carry):
        base = smin + w * _W
        loc = idx - base
        oh = (loc == iota_w).astype(jnp.float32)
        mu_n = jnp.dot(oh, mean_ref[pl.ds(base, _W), :],
                       preferred_element_type=jnp.float32)
        sg_n = jnp.dot(oh, std_ref[pl.ds(base, _W), :],
                       preferred_element_type=jnp.float32)
        muq = jnp.sum(mu_n * q1, axis=1, keepdims=True)
        u2dot = jnp.sum(u2 * (sg_n * q1), axis=1, keepdims=True)
        e = lam * dotfq + lneg * (muq + u2dot)
        inw = (loc >= 0) & (loc < _W)
        _seg_softmax_window(oh, e, inw, lam, lneg, f, u2, base,
                            m_ref, den_ref, nums_ref, numf_ref, numu_ref)
        dng = lambda x: lax.dot_general(oh, x, (((0,), (0,)), ((), ())),
                                        preferred_element_type=jnp.float32)
        sacc_ref[pl.ds(base, _W), :] += dng(lneg2)
        df = (lam * f + lneg * mu_n) - mu_n
        kacc_ref[pl.ds(base, _W), :] += dng(df * df)
        return carry

    lax.fori_loop(0, (smax - smin) // _W + 1, win, 0)

    @pl.when(i == nsteps - 1)
    def _():
        r1_ref[...] = (numf_ref[:_B, :] + nums_ref[:_B, :] * mean_ref[:_B, :] +
                       numu_ref[:_B, :] * std_ref[:_B, :]) / \
            (den_ref[:_B, :] + 1e-16)
        s_out_ref[...] = sacc_ref[:_B, :]
        k_out_ref[...] = kacc_ref[:_B, :]
        pres_ref[...] = pres_ref[...] * (1.0 / (nsteps * t))


def _s2s2_body(f_ref, u2_ref, idx_ref, lam_ref, mean_ref, std_ref,
               r1_ref, s_in_ref, k_in_ref,
               bih_ref, bhh_ref, wihlt_ref, wihrt_ref, whht_ref,
               w3lt_ref, w3rt_ref, b3_ref, w4t_ref, b4_ref, w5t_ref, b5_ref,
               preds_ref, kl_ref,
               q2_ref, m_ref, den_ref, nums_ref, numf_ref, numu_ref):
    i = pl.program_id(0)
    nsteps = pl.num_programs(0)
    d = f_ref.shape[1]

    @pl.when(i == 0)
    def _():
        gates0 = bih_ref[...] + bhh_ref[...]
        ig0 = _sig(gates0[:, 0:d])
        gg0 = jnp.tanh(gates0[:, 2 * d:3 * d])
        og0 = _sig(gates0[:, 3 * d:4 * d])
        cx1 = ig0 * gg0
        q1 = og0 * jnp.tanh(cx1)
        row = (jnp.dot(q1, wihlt_ref[...], preferred_element_type=jnp.float32)
               + jnp.dot(q1, whht_ref[...], preferred_element_type=jnp.float32)
               + bih_ref[...] + bhh_ref[...])
        gates = jnp.dot(r1_ref[...], wihrt_ref[...],
                        preferred_element_type=jnp.float32) + row
        ig = _sig(gates[:, 0:d])
        fg = _sig(gates[:, d:2 * d])
        gg = jnp.tanh(gates[:, 2 * d:3 * d])
        og = _sig(gates[:, 3 * d:4 * d])
        cx2 = fg * cx1 + ig * gg
        q2_ref[:_B, :] = og * jnp.tanh(cx2)
        q2_ref[_B:, :] = jnp.zeros_like(q2_ref[_B:, :])
        m_ref[...] = jnp.full_like(m_ref, _NEG_INF)
        den_ref[...] = jnp.zeros_like(den_ref)
        nums_ref[...] = jnp.zeros_like(nums_ref)
        numf_ref[...] = jnp.zeros_like(numf_ref)
        numu_ref[...] = jnp.zeros_like(numu_ref)

    f = f_ref[...]
    u2 = u2_ref[...]
    lam = lam_ref[...]
    lneg = 1.0 - lam
    idx = idx_ref[...]
    smin, smax = _seg_range(idx)
    iota_w = lax.broadcasted_iota(jnp.int32, (1, _W), 1)

    def win(w, carry):
        base = smin + w * _W
        loc = idx - base
        oh = (loc == iota_w).astype(jnp.float32)
        mu_n = jnp.dot(oh, mean_ref[pl.ds(base, _W), :],
                       preferred_element_type=jnp.float32)
        sg_n = jnp.dot(oh, std_ref[pl.ds(base, _W), :],
                       preferred_element_type=jnp.float32)
        q_n = jnp.dot(oh, q2_ref[pl.ds(base, _W), :],
                      preferred_element_type=jnp.float32)
        dotfq = jnp.sum(f * q_n, axis=1, keepdims=True)
        muq = jnp.sum(mu_n * q_n, axis=1, keepdims=True)
        u2dot = jnp.sum(u2 * (sg_n * q_n), axis=1, keepdims=True)
        e = lam * dotfq + lneg * (muq + u2dot)
        inw = (loc >= 0) & (loc < _W)
        _seg_softmax_window(oh, e, inw, lam, lneg, f, u2, base,
                            m_ref, den_ref, nums_ref, numf_ref, numu_ref)
        return carry

    lax.fori_loop(0, (smax - smin) // _W + 1, win, 0)

    @pl.when(i == nsteps - 1)
    def _():
        r2 = (numf_ref[:_B, :] + nums_ref[:_B, :] * mean_ref[:_B, :] +
              numu_ref[:_B, :] * std_ref[:_B, :]) / (den_ref[:_B, :] + 1e-16)
        q2 = q2_ref[:_B, :]
        x = jnp.maximum(
            jnp.dot(q2, w3lt_ref[...], preferred_element_type=jnp.float32) +
            jnp.dot(r2, w3rt_ref[...], preferred_element_type=jnp.float32) +
            b3_ref[...], 0.0)
        x = jnp.maximum(
            jnp.dot(x, w4t_ref[...], preferred_element_type=jnp.float32) +
            b4_ref[...], 0.0)
        preds_ref[...] = jnp.dot(x, w5t_ref[...],
                                 preferred_element_type=jnp.float32) + b5_ref[...]
        sg = std_ref[:_B, :]
        sge = (sg + 1e-07) * (sg + 1e-07)
        ms = jnp.mean((sg * sg) / sge, axis=1, keepdims=True)
        kl1 = 0.5 * s_in_ref[...] * ms
        kl2 = k_in_ref[...] / sge
        kl_ref[...] = jnp.mean(kl1 + kl2, keepdims=True)


def kernel(features, batch_index, W1, b1, gamma, beta, W2, b2,
           W_ih, W_hh, b_ih, b_hh, W3, b3, W4, b4, W5, b5):
    n, d = features.shape
    fdt = jnp.float32
    idx2 = batch_index.astype(jnp.int32).reshape(n, 1)

    bias = 0.0 + 0.0001
    u = jax.random.uniform(jax.random.key(42), (n, 1), fdt)
    eps_g = (bias - (1.0 - bias)) * u + (1.0 - bias)
    noise = jnp.log(eps_g) - jnp.log(1.0 - eps_g)
    u2 = jax.random.uniform(jax.random.key(43), (n, d), fdt)

    ta = _pick_t(n)
    nba = n // ta
    seq = pltpu.CompilerParams(dimension_semantics=("arbitrary",))

    row = lambda bs: pl.BlockSpec(bs, lambda i: (0, 0))
    blk = lambda t, w: pl.BlockSpec((t, w), lambda i: (i, 0))

    cnt0, cnt1 = _sc_counts(idx2.reshape(n))
    cnts = (jnp.sum(cnt0[:, ::16], axis=1) +
            jnp.sum(cnt1[:, ::16], axis=1))[:, None]

    bww = _B + _W
    hsum, hsq, ssum, ssq, _cnt_unused = pl.pallas_call(
        _stats_body,
        grid=(nba,),
        in_specs=[blk(ta, d), blk(ta, 1), row((d, d)), row((1, d))],
        out_specs=[row((1, d)), row((1, d)), row((_B, d)), row((_B, d)),
                   row((_B, 1))],
        out_shape=[jax.ShapeDtypeStruct((1, d), fdt),
                   jax.ShapeDtypeStruct((1, d), fdt),
                   jax.ShapeDtypeStruct((_B, d), fdt),
                   jax.ShapeDtypeStruct((_B, d), fdt),
                   jax.ShapeDtypeStruct((_B, 1), fdt)],
        scratch_shapes=[pltpu.VMEM((bww, d), fdt), pltpu.VMEM((bww, d), fdt),
                        pltpu.VMEM((bww, 1), fdt)],
        compiler_params=seq,
    )(features, idx2, W1.T, b1.reshape(1, d))

    mu_h = hsum / n
    var_h = hsq / n - mu_h * mu_h
    ginv = (gamma.reshape(1, d)) / jnp.sqrt(var_h + 1e-5)
    a_mat = W1.T * ginv
    c_vec = (b1.reshape(1, d) - mu_h) * ginv + beta.reshape(1, d)

    cntc = jnp.maximum(cnts, 1.0)
    mean_seg = ssum / cntc
    var_seg = (ssq - cntc * mean_seg * mean_seg) / jnp.maximum(cntc - 1.0, 1.0)
    std_seg = jnp.sqrt(jnp.maximum(var_seg, 0.0))
    mean_pad = jnp.pad(mean_seg, ((0, _W), (0, 0)))
    std_pad = jnp.pad(std_seg, ((0, _W), (0, 0)))
    bw = _B + _W

    d4 = 4 * d
    bih = b_ih.reshape(1, d4)
    bhh = b_hh.reshape(1, d4)

    lam, pres, r1, s_acc, k_acc = pl.pallas_call(
        _s2s1_body,
        grid=(nba,),
        in_specs=[blk(ta, d), blk(ta, d), blk(ta, 1), blk(ta, 1),
                  row((d, d)), row((1, d)), row((1, d)), row((1, 1)),
                  row((bw, d)), row((bw, d)), row((1, d4)), row((1, d4))],
        out_specs=[blk(ta, 1), row((1, 1)),
                   row((_B, d)), row((_B, 1)), row((_B, d))],
        out_shape=[jax.ShapeDtypeStruct((n, 1), fdt),
                   jax.ShapeDtypeStruct((1, 1), fdt),
                   jax.ShapeDtypeStruct((_B, d), fdt),
                   jax.ShapeDtypeStruct((_B, 1), fdt),
                   jax.ShapeDtypeStruct((_B, d), fdt)],
        scratch_shapes=[pltpu.VMEM((1, d), fdt), pltpu.VMEM((bw, 1), fdt),
                        pltpu.VMEM((bw, 1), fdt), pltpu.VMEM((bw, 1), fdt),
                        pltpu.VMEM((bw, d), fdt), pltpu.VMEM((bw, d), fdt),
                        pltpu.VMEM((bw, 1), fdt), pltpu.VMEM((bw, d), fdt)],
        compiler_params=seq,
    )(features, u2, idx2, noise, a_mat, c_vec, W2.reshape(1, d),
      b2.reshape(1, 1), mean_pad, std_pad, bih, bhh)

    preds, kl = pl.pallas_call(
        _s2s2_body,
        grid=(nba,),
        in_specs=[blk(ta, d), blk(ta, d), blk(ta, 1), blk(ta, 1),
                  row((bw, d)), row((bw, d)), row((_B, d)),
                  row((_B, 1)), row((_B, d)),
                  row((1, d4)), row((1, d4)),
                  row((d, d4)), row((d, d4)), row((d, d4)),
                  row((d, 2 * d)), row((d, 2 * d)), row((1, 2 * d)),
                  row((2 * d, d)), row((1, d)), row((d, d // 2)),
                  row((1, d // 2))],
        out_specs=[row((_B, d // 2)), row((1, 1))],
        out_shape=[jax.ShapeDtypeStruct((_B, d // 2), fdt),
                   jax.ShapeDtypeStruct((1, 1), fdt)],
        scratch_shapes=[pltpu.VMEM((bw, d), fdt), pltpu.VMEM((bw, 1), fdt),
                        pltpu.VMEM((bw, 1), fdt), pltpu.VMEM((bw, 1), fdt),
                        pltpu.VMEM((bw, d), fdt), pltpu.VMEM((bw, d), fdt)],
        compiler_params=seq,
    )(features, u2, idx2, lam, mean_pad, std_pad, r1, s_acc, k_acc,
      bih, bhh, W_ih[:, :d].T, W_ih[:, d:].T, W_hh.T,
      W3[:, :d].T, W3[:, d:].T, b3.reshape(1, 2 * d),
      W4.T, b4.reshape(1, d), W5.T, b5.reshape(1, d // 2))

    return (preds, kl[0, 0], pres[0, 0], lam)

# --- scband reference (transcript-rebuilt; emitter-appended) ---
"""Pipeline reference for scband-graph-information-bottleneck-module-80779744903957 (READ-ONLY COPY).

The authoritative reference and input builder live on the scoring server;
editing this copy changes nothing except your own understanding.
"""

import jax, jax.numpy as jnp
import numpy as np

N = 160000
D = 128
B = 512
STEPS = 2

def setup_inputs(seed: int = 0):
    key = jax.random.key(seed)
    ks = jax.random.split(key, 12)
    s = 1.0 / np.sqrt(D)
    inp = {}
    inp["features"] = jax.random.normal(ks[0], (N, D), dtype=jnp.float32)
    inp["batch_index"] = jnp.sort(jax.random.randint(ks[1], (N,), 0, B))
    inp["W1"] = jax.random.uniform(ks[2], (D, D), jnp.float32, -s, s)
    inp["b1"] = jnp.zeros((D,), jnp.float32)
    inp["gamma"] = jnp.ones((D,), jnp.float32)
    inp["beta"] = jnp.zeros((D,), jnp.float32)
    inp["W2"] = jax.random.uniform(ks[3], (1, D), jnp.float32, -s, s)
    inp["b2"] = jnp.zeros((1,), jnp.float32)
    inp["W_ih"] = jax.random.uniform(ks[4], (4 * D, 2 * D), jnp.float32, -s, s)
    inp["W_hh"] = jax.random.uniform(ks[5], (4 * D, D), jnp.float32, -s, s)
    inp["b_ih"] = jnp.zeros((4 * D,), jnp.float32)
    inp["b_hh"] = jnp.zeros((4 * D,), jnp.float32)
    s3 = 1.0 / np.sqrt(2 * D)
    inp["W3"] = jax.random.uniform(ks[6], (256, 2 * D), jnp.float32, -s3, s3)
    inp["b3"] = jnp.zeros((256,), jnp.float32)
    s4 = 1.0 / np.sqrt(256)
    inp["W4"] = jax.random.uniform(ks[7], (128, 256), jnp.float32, -s4, s4)
    inp["b4"] = jnp.zeros((128,), jnp.float32)
    s5 = 1.0 / np.sqrt(128)
    inp["W5"] = jax.random.uniform(ks[8], (64, 128), jnp.float32, -s5, s5)
    inp["b5"] = jnp.zeros((64,), jnp.float32)
    return inp

def reference(features, batch_index, W1, b1, gamma, beta, W2, b2,
              W_ih, W_hh, b_ih, b_hh, W3, b3, W4, b4, W5, b5):
    # compressor: Linear -> BatchNorm1d (batch stats, training mode) -> ReLU -> Linear
    h = features @ W1.T + b1
    mu = h.mean(axis=0)
    var = h.var(axis=0)
    h = (h - mu) / jnp.sqrt(var + 1e-5) * gamma + beta
    h = jax.nn.relu(h)
    p = h @ W2.T + b2  # [N, 1]
    # concrete gate with logistic noise
    bias = 0.0 + 0.0001
    u = jax.random.uniform(jax.random.key(42), p.shape, jnp.float32)
    eps_g = (bias - (1.0 - bias)) * u + (1.0 - bias)
    gate_inputs = jnp.log(eps_g) - jnp.log(1.0 - eps_g)
    gate_inputs = jax.nn.sigmoid((gate_inputs + p) / 1.0)
    lambda_pos = gate_inputs.reshape(-1, 1)
    lambda_neg = 1.0 - lambda_pos
    preserve_rate = (jax.nn.sigmoid(p) > 0.5).astype(jnp.float32).mean()
    static = jax.lax.stop_gradient(features)
    # scatter_mean / scatter_std over segments
    ones = jnp.ones((N,), jnp.float32)
    counts = jax.ops.segment_sum(ones, batch_index, num_segments=B)
    cnt = jnp.maximum(counts, 1.0)
    seg_sum = jax.ops.segment_sum(static, batch_index, num_segments=B)
    mean_seg = seg_sum / cnt[:, None]
    seg_sumsq = jax.ops.segment_sum(static * static, batch_index, num_segments=B)
    var_seg = (seg_sumsq - cnt[:, None] * mean_seg * mean_seg) / jnp.maximum(cnt - 1.0, 1.0)[:, None]
    std_seg = jnp.sqrt(jnp.maximum(var_seg, 0.0))
    node_mean = mean_seg[batch_index]
    node_std = std_seg[batch_index]
    noisy_mean = lambda_pos * features + lambda_neg * node_mean
    noisy_std = lambda_neg * node_std
    u2 = jax.random.uniform(jax.random.key(43), noisy_mean.shape, jnp.float32)
    noisy = noisy_mean + u2 * noisy_std
    # Set2Set over segments
    hx = jnp.zeros((B, D), jnp.float32)
    cx = jnp.zeros((B, D), jnp.float32)
    q_star = jnp.zeros((B, 2 * D), jnp.float32)
    for _ in range(STEPS):
        gates = q_star @ W_ih.T + b_ih + hx @ W_hh.T + b_hh
        i_g, f_g, g_g, o_g = jnp.split(gates, 4, axis=1)
        i_g = jax.nn.sigmoid(i_g)
        f_g = jax.nn.sigmoid(f_g)
        g_g = jnp.tanh(g_g)
        o_g = jax.nn.sigmoid(o_g)
        cx = f_g * cx + i_g * g_g
        hx = o_g * jnp.tanh(cx)
        q = hx
        e = (noisy * q[batch_index]).sum(axis=-1, keepdims=True)
        e_max = jax.ops.segment_max(e, batch_index, num_segments=B)
        e_max = jnp.where(jnp.isfinite(e_max), e_max, 0.0)
        ex = jnp.exp(e - e_max[batch_index])
        denom = jax.ops.segment_sum(ex, batch_index, num_segments=B)
        a = ex / (denom[batch_index] + 1e-16)
        r = jax.ops.segment_sum(a * noisy, batch_index, num_segments=B)
        q_star = jnp.concatenate([q, r], axis=-1)
    epsilon = 1e-07
    kl1 = 0.5 * jax.ops.segment_sum(((noisy_std ** 2) / (node_std + epsilon) ** 2).mean(axis=1),
                                    batch_index, num_segments=B).reshape(-1, 1)
    kl2 = jax.ops.segment_sum(((noisy_mean - node_mean) / (node_std + epsilon)) ** 2,
                              batch_index, num_segments=B)
    KL_Loss = jnp.mean(kl1 + kl2)
    # predictor
    x = jax.nn.relu(q_star @ W3.T + b3)
    x = jax.nn.relu(x @ W4.T + b4)
    predictions = x @ W5.T + b5
    return (predictions, KL_Loss, preserve_rate, lambda_pos)

if __name__ == "__main__":
    import jax
    _d = setup_inputs()
    print(jax.jit(kernel)(*tuple(_d.values())))

</pallas_src>

<mosaic_0001>
#map = affine_map<(d0, d1) -> (0)>
#map1 = affine_map<(d0, d1) -> (0, 0)>
module attributes {stable_mosaic.version = 14 : i64} {
  func.func @k(%arg0: i32, %arg1: i32, %arg2: memref<160000xi32, #tpu.memory_space<hbm>>, %arg3: memref<512x128xf32, #tpu.memory_space<hbm>>, %arg4: memref<512x128xf32, #tpu.memory_space<hbm>>, %arg5: memref<512x128xf32, #tpu.memory_space<vmem>>, %arg6: memref<5248xi32, #tpu.memory_space<vmem>>, %arg7: memref<4x128xi32, #tpu.memory_space<vmem>>, %arg8: memref<512x128xf32, #tpu.memory_space<vmem_shared>>) attributes {dimension_semantics = [#tpu.dimension_semantics<core_parallel>, #tpu.dimension_semantics<subcore_parallel>], iteration_bounds = array<i64: 2, 16>, scalar_prefetch = 0 : i64, scratch_operands = 4 : i64, tpu.core_type = #tpu.core_type<sc_vector_subcore>, window_params = [{transform_indices = #map}, {transform_indices = #map1}, {transform_indices = #map1}]} {
    %mul3A = arith.constant 16 : i32
    %mul3A_0 = arith.muli %arg0, %mul3A : i32
    %add3A = arith.addi %mul3A_0, %arg1 : i32
    %broadcast_in_dim3A = arith.constant 0.000000e+00 : f32
    %broadcast_in_dim3A_1 = vector.broadcast %broadcast_in_dim3A : f32 to vector<16xf32>
    %broadcast_in_dim3A_2 = arith.constant 1.000000e+00 : f32
    %broadcast_in_dim3A_3 = vector.broadcast %broadcast_in_dim3A_2 : f32 to vector<16xf32>
    %scan3A = arith.constant 0 : i32
    %scan3A_4 = arith.constant 0 : i32
    %scan3A_5 = arith.constant 512 : i32
    %scan3A_6 = arith.addi %scan3A_4, %scan3A_5 : i32
    %scan3A_7 = arith.constant 1 : i32
    scf.for %scan3A_330 = %scan3A_4 to %scan3A_6 step %scan3A_7  : i32 {
      %swap3A_331 = arith.index_cast %scan3A_330 : i32 to index
      %swap3A_332 = arith.constant 0 : index
      %swap3A_333 = tpu.vector_load %arg5[%swap3A_331, %swap3A_332] {strides = array<i32>} : memref<512x128xf32, #tpu.memory_space<vmem>>, vector<1x16xf32>,
      %swap3A_334 = vector.shape_cast %swap3A_333 : vector<1x16xf32> to vector<16xf32>
      %swap3A_335 = vector.shape_cast %broadcast_in_dim3A_1 : vector<16xf32> to vector<1x16xf32>
      tpu.vector_store %arg5[%swap3A_331, %swap3A_332], %swap3A_335 {strides = array<i32>} : memref<512x128xf32, #tpu.memory_space<vmem>>, vector<1x16xf32>,
      %swap3A_336 = arith.index_cast %scan3A_330 : i32 to index
      %swap3A_337 = arith.constant 16 : index
      %swap3A_338 = tpu.vector_load %arg5[%swap3A_336, %swap3A_337] {strides = array<i32>} : memref<512x128xf32, #tpu.memory_space<vmem>>, vector<1x16xf32>,
      %swap3A_339 = vector.shape_cast %swap3A_338 : vector<1x16xf32> to vector<16xf32>
      %swap3A_340 = vector.shape_cast %broadcast_in_dim3A_1 : vector<16xf32> to vector<1x16xf32>
      tpu.vector_store %arg5[%swap3A_336, %swap3A_337], %swap3A_340 {strides = array<i32>} : memref<512x128xf32, #tpu.memory_space<vmem>>, vector<1x16xf32>,
      %swap3A_341 = arith.index_cast %scan3A_330 : i32 to index
      %swap3A_342 = arith.constant 32 : index
      %swap3A_343 = tpu.vector_load %arg5[%swap3A_341, %swap3A_342] {strides = array<i32>} : memref<512x128xf32, #tpu.memory_space<vmem>>, vector<1x16xf32>,
      %swap3A_344 = vector.shape_cast %swap3A_343 : vector<1x16xf32> to vector<16xf32>
      %swap3A_345 = vector.shape_cast %broadcast_in_dim3A_1 : vector<16xf32> to vector<1x16xf32>
      tpu.vector_store %arg5[%swap3A_341, %swap3A_342], %swap3A_345 {strides = array<i32>} : memref<512x128xf32, #tpu.memory_space<vmem>>, vector<1x16xf32>,
      %swap3A_346 = arith.index_cast %scan3A_330 : i32 to index
      %swap3A_347 = arith.constant 48 : index
      %swap3A_348 = tpu.vector_load %arg5[%swap3A_346, %swap3A_347] {strides = array<i32>} : memref<512x128xf32, #tpu.memory_space<vmem>>, vector<1x16xf32>,
      %swap3A_349 = vector.shape_cast %swap3A_348 : vector<1x16xf32> to vector<16xf32>
      %swap3A_350 = vector.shape_cast %broadcast_in_dim3A_1 : vector<16xf32> to vector<1x16xf32>
      tpu.vector_store %arg5[%swap3A_346, %swap3A_347], %swap3A_350 {strides = array<i32>} : memref<512x128xf32, #tpu.memory_space<vmem>>, vector<1x16xf32>,
      %swap3A_351 = arith.index_cast %scan3A_330 : i32 to index
      %swap3A_352 = arith.constant 64 : index
      %swap3A_353 = tpu.vector_load %arg5[%swap3A_351, %swap3A_352] {strides = array<i32>} : memref<512x128xf32, #tpu.memory_space<vmem>>, vector<1x16xf32>,
      %swap3A_354 = vector.shape_cast %swap3A_353 : vector<1x16xf32> to vector<16xf32>
      %swap3A_355 = vector.shape_cast %broadcast_in_dim3A_1 : vector<16xf32> to vector<1x16xf32>
      tpu.vector_store %arg5[%swap3A_351, %swap3A_352], %swap3A_355 {strides = array<i32>} : memref<512x128xf32, #tpu.memory_space<vmem>>, vector<1x16xf32>,
      %swap3A_356 = arith.index_cast %scan3A_330 : i32 to index
      %swap3A_357 = arith.constant 80 : index
      %swap3A_358 = tpu.vector_load %arg5[%swap3A_356, %swap3A_357] {strides = array<i32>} : memref<512x128xf32, #tpu.memory_space<vmem>>, vector<1x16xf32>,
      %swap3A_359 = vector.shape_cast %swap3A_358 : vector<1x16xf32> to vector<16xf32>
      %swap3A_360 = vector.shape_cast %broadcast_in_dim3A_1 : vector<16xf32> to vector<1x16xf32>
      tpu.vector_store %arg5[%swap3A_356, %swap3A_357], %swap3A_360 {strides = array<i32>} : memref<512x128xf32, #tpu.memory_space<vmem>>, vector<1x16xf32>,
      %swap3A_361 = arith.index_cast %scan3A_330 : i32 to index
      %swap3A_362 = arith.constant 96 : index
      %swap3A_363 = tpu.vector_load %arg5[%swap3A_361, %swap3A_362] {strides = array<i32>} : memref<512x128xf32, #tpu.memory_space<vmem>>, vector<1x16xf32>,
      %swap3A_364 = vector.shape_cast %swap3A_363 : vector<1x16xf32> to vector<16xf32>
      %swap3A_365 = vector.shape_cast %broadcast_in_dim3A_1 : vector<16xf32> to vector<1x16xf32>
      tpu.vector_store %arg5[%swap3A_361, %swap3A_362], %swap3A_365 {strides = array<i32>} : memref<512x128xf32, #tpu.memory_space<vmem>>, vector<1x16xf32>,
      %swap3A_366 = arith.index_cast %scan3A_330 : i32 to index
      %swap3A_367 = arith.constant 112 : index
      %swap3A_368 = tpu.vector_load %arg5[%swap3A_366, %swap3A_367] {strides = array<i32>} : memref<512x128xf32, #tpu.memory_space<vmem>>, vector<1x16xf32>,
      %swap3A_369 = vector.shape_cast %swap3A_368 : vector<1x16xf32> to vector<16xf32>
      %swap3A_370 = vector.shape_cast %broadcast_in_dim3A_1 : vector<16xf32> to vector<1x16xf32>
      tpu.vector_store %arg5[%swap3A_366, %swap3A_367], %swap3A_370 {strides = array<i32>} : memref<512x128xf32, #tpu.memory_space<vmem>>, vector<1x16xf32>,
    }
    %scan3A_8 = arith.constant 512 : i32
    %iota3A = tpu.iota {dimensions = array<i32: 0>} : vector<16xi32>
    %add3A_9 = arith.constant 0 : i32
    %add3A_10 = vector.broadcast %add3A_9 : i32 to vector<16xi32>
    %add3A_11 = arith.addi %iota3A, %add3A_10 : vector<16xi32>
    %swap3A = arith.constant 0 : i32
    %swap3A_12 = arith.index_cast %swap3A : i32 to index
    %swap3A_13 = arith.constant 0 : index
    %swap3A_14 = tpu.vector_load %arg7[%swap3A_12, %swap3A_13] {strides = array<i32>} : memref<4x128xi32, #tpu.memory_space<vmem>>, vector<1x16xi32>,
    %swap3A_15 = vector.shape_cast %swap3A_14 : vector<1x16xi32> to vector<16xi32>
    %swap3A_16 = vector.shape_cast %add3A_11 : vector<16xi32> to vector<1x16xi32>
    tpu.vector_store %arg7[%swap3A_12, %swap3A_13], %swap3A_16 {strides = array<i32>} : memref<4x128xi32, #tpu.memory_space<vmem>>, vector<1x16xi32>,
    %add3A_17 = arith.constant 16 : i32
    %add3A_18 = vector.broadcast %add3A_17 : i32 to vector<16xi32>
    %add3A_19 = arith.addi %iota3A, %add3A_18 : vector<16xi32>
    %swap3A_20 = arith.constant 0 : i32
    %swap3A_21 = arith.index_cast %swap3A_20 : i32 to index
    %swap3A_22 = arith.constant 16 : index
    %swap3A_23 = tpu.vector_load %arg7[%swap3A_21, %swap3A_22] {strides = array<i32>} : memref<4x128xi32, #tpu.memory_space<vmem>>, vector<1x16xi32>,
    %swap3A_24 = vector.shape_cast %swap3A_23 : vector<1x16xi32> to vector<16xi32>
    %swap3A_25 = vector.shape_cast %add3A_19 : vector<16xi32> to vector<1x16xi32>
    tpu.vector_store %arg7[%swap3A_21, %swap3A_22], %swap3A_25 {strides = array<i32>} : memref<4x128xi32, #tpu.memory_space<vmem>>, vector<1x16xi32>,
    %add3A_26 = arith.constant 32 : i32
    %add3A_27 = vector.broadcast %add3A_26 : i32 to vector<16xi32>
    %add3A_28 = arith.addi %iota3A, %add3A_27 : vector<16xi32>
    %swap3A_29 = arith.constant 0 : i32
    %swap3A_30 = arith.index_cast %swap3A_29 : i32 to index
    %swap3A_31 = arith.constant 32 : index
    %swap3A_32 = tpu.vector_load %arg7[%swap3A_30, %swap3A_31] {strides = array<i32>} : memref<4x128xi32, #tpu.memory_space<vmem>>, vector<1x16xi32>,
    %swap3A_33 = vector.shape_cast %swap3A_32 : vector<1x16xi32> to vector<16xi32>
    %swap3A_34 = vector.shape_cast %add3A_28 : vector<16xi32> to vector<1x16xi32>
    tpu.vector_store %arg7[%swap3A_30, %swap3A_31], %swap3A_34 {strides = array<i32>} : memref<4x128xi32, #tpu.memory_space<vmem>>, vector<1x16xi32>,
    %add3A_35 = arith.constant 48 : i32
    %add3A_36 = vector.broadcast %add3A_35 : i32 to vector<16xi32>
    %add3A_37 = arith.addi %iota3A, %add3A_36 : vector<16xi32>
    %swap3A_38 = arith.constant 0 : i32
    %swap3A_39 = arith.index_cast %swap3A_38 : i32 to index
    %swap3A_40 = arith.constant 48 : index
    %swap3A_41 = tpu.vector_load %arg7[%swap3A_39, %swap3A_40] {strides = array<i32>} : memref<4x128xi32, #tpu.memory_space<vmem>>, vector<1x16xi32>,
    %swap3A_42 = vector.shape_cast %swap3A_41 : vector<1x16xi32> to vector<16xi32>
    %swap3A_43 = vector.shape_cast %add3A_37 : vector<16xi32> to vector<1x16xi32>
    tpu.vector_store %arg7[%swap3A_39, %swap3A_40], %swap3A_43 {strides = array<i32>} : memref<4x128xi32, #tpu.memory_space<vmem>>, vector<1x16xi32>,
    %add3A_44 = arith.constant 64 : i32
    %add3A_45 = vector.broadcast %add3A_44 : i32 to vector<16xi32>
    %add3A_46 = arith.addi %iota3A, %add3A_45 : vector<16xi32>
    %swap3A_47 = arith.constant 0 : i32
    %swap3A_48 = arith.index_cast %swap3A_47 : i32 to index
    %swap3A_49 = arith.constant 64 : index
    %swap3A_50 = tpu.vector_load %arg7[%swap3A_48, %swap3A_49] {strides = array<i32>} : memref<4x128xi32, #tpu.memory_space<vmem>>, vector<1x16xi32>,
    %swap3A_51 = vector.shape_cast %swap3A_50 : vector<1x16xi32> to vector<16xi32>
    %swap3A_52 = vector.shape_cast %add3A_46 : vector<16xi32> to vector<1x16xi32>
    tpu.vector_store %arg7[%swap3A_48, %swap3A_49], %swap3A_52 {strides = array<i32>} : memref<4x128xi32, #tpu.memory_space<vmem>>, vector<1x16xi32>,
    %add3A_53 = arith.constant 80 : i32
    %add3A_54 = vector.broadcast %add3A_53 : i32 to vector<16xi32>
    %add3A_55 = arith.addi %iota3A, %add3A_54 : vector<16xi32>
    %swap3A_56 = arith.constant 0 : i32
    %swap3A_57 = arith.index_cast %swap3A_56 : i32 to index
    %swap3A_58 = arith.constant 80 : index
    %swap3A_59 = tpu.vector_load %arg7[%swap3A_57, %swap3A_58] {strides = array<i32>} : memref<4x128xi32, #tpu.memory_space<vmem>>, vector<1x16xi32>,
    %swap3A_60 = vector.shape_cast %swap3A_59 : vector<1x16xi32> to vector<16xi32>
    %swap3A_61 = vector.shape_cast %add3A_55 : vector<16xi32> to vector<1x16xi32>
    tpu.vector_store %arg7[%swap3A_57, %swap3A_58], %swap3A_61 {strides = array<i32>} : memref<4x128xi32, #tpu.memory_space<vmem>>, vector<1x16xi32>,
    %add3A_62 = arith.constant 96 : i32
    %add3A_63 = vector.broadcast %add3A_62 : i32 to vector<16xi32>
    %add3A_64 = arith.addi %iota3A, %add3A_63 : vector<16xi32>
    %swap3A_65 = arith.constant 0 : i32
    %swap3A_66 = arith.index_cast %swap3A_65 : i32 to index
    %swap3A_67 = arith.constant 96 : index
    %swap3A_68 = tpu.vector_load %arg7[%swap3A_66, %swap3A_67] {strides = array<i32>} : memref<4x128xi32, #tpu.memory_space<vmem>>, vector<1x16xi32>,
    %swap3A_69 = vector.shape_cast %swap3A_68 : vector<1x16xi32> to vector<16xi32>
    %swap3A_70 = vector.shape_cast %add3A_64 : vector<16xi32> to vector<1x16xi32>
    tpu.vector_store %arg7[%swap3A_66, %swap3A_67], %swap3A_70 {strides = array<i32>} : memref<4x128xi32, #tpu.memory_space<vmem>>, vector<1x16xi32>,
    %add3A_71 = arith.constant 112 : i32
    %add3A_72 = vector.broadcast %add3A_71 : i32 to vector<16xi32>
    %add3A_73 = arith.addi %iota3A, %add3A_72 : vector<16xi32>
    %swap3A_74 = arith.constant 0 : i32
    %swap3A_75 = arith.index_cast %swap3A_74 : i32 to index
    %swap3A_76 = arith.constant 112 : index
    %swap3A_77 = tpu.vector_load %arg7[%swap3A_75, %swap3A_76] {strides = array<i32>} : memref<4x128xi32, #tpu.memory_space<vmem>>, vector<1x16xi32>,
    %swap3A_78 = vector.shape_cast %swap3A_77 : vector<1x16xi32> to vector<16xi32>
    %swap3A_79 = vector.shape_cast %add3A_73 : vector<16xi32> to vector<1x16xi32>
    tpu.vector_store %arg7[%swap3A_75, %swap3A_76], %swap3A_79 {strides = array<i32>} : memref<4x128xi32, #tpu.memory_space<vmem>>, vector<1x16xi32>,
    %add3A_80 = arith.constant 128 : i32
    %add3A_81 = vector.broadcast %add3A_80 : i32 to vector<16xi32>
    %add3A_82 = arith.addi %iota3A, %add3A_81 : vector<16xi32>
    %swap3A_83 = arith.constant 1 : i32
    %swap3A_84 = arith.index_cast %swap3A_83 : i32 to index
    %swap3A_85 = arith.constant 0 : index
    %swap3A_86 = tpu.vector_load %arg7[%swap3A_84, %swap3A_85] {strides = array<i32>} : memref<4x128xi32, #tpu.memory_space<vmem>>, vector<1x16xi32>,
    %swap3A_87 = vector.shape_cast %swap3A_86 : vector<1x16xi32> to vector<16xi32>
    %swap3A_88 = vector.shape_cast %add3A_82 : vector<16xi32> to vector<1x16xi32>
    tpu.vector_store %arg7[%swap3A_84, %swap3A_85], %swap3A_88 {strides = array<i32>} : memref<4x128xi32, #tpu.memory_space<vmem>>, vector<1x16xi32>,
    %add3A_89 = arith.constant 144 : i32
    %add3A_90 = vector.broadcast %add3A_89 : i32 to vector<16xi32>
    %add3A_91 = arith.addi %iota3A, %add3A_90 : vector<16xi32>
    %swap3A_92 = arith.constant 1 : i32
    %swap3A_93 = arith.index_cast %swap3A_92 : i32 to index
    %swap3A_94 = arith.constant 16 : index
    %swap3A_95 = tpu.vector_load %arg7[%swap3A_93, %swap3A_94] {strides = array<i32>} : memref<4x128xi32, #tpu.memory_space<vmem>>, vector<1x16xi32>,
    %swap3A_96 = vector.shape_cast %swap3A_95 : vector<1x16xi32> to vector<16xi32>
    %swap3A_97 = vector.shape_cast %add3A_91 : vector<16xi32> to vector<1x16xi32>
    tpu.vector_store %arg7[%swap3A_93, %swap3A_94], %swap3A_97 {strides = array<i32>} : memref<4x128xi32, #tpu.memory_space<vmem>>, vector<1x16xi32>,
    %add3A_98 = arith.constant 160 : i32
    %add3A_99 = vector.broadcast %add3A_98 : i32 to vector<16xi32>
    %add3A_100 = arith.addi %iota3A, %add3A_99 : vector<16xi32>
    %swap3A_101 = arith.constant 1 : i32
    %swap3A_102 = arith.index_cast %swap3A_101 : i32 to index
    %swap3A_103 = arith.constant 32 : index
    %swap3A_104 = tpu.vector_load %arg7[%swap3A_102, %swap3A_103] {strides = array<i32>} : memref<4x128xi32, #tpu.memory_space<vmem>>, vector<1x16xi32>,
    %swap3A_105 = vector.shape_cast %swap3A_104 : vector<1x16xi32> to vector<16xi32>
    %swap3A_106 = vector.shape_cast %add3A_100 : vector<16xi32> to vector<1x16xi32>
    tpu.vector_store %arg7[%swap3A_102, %swap3A_103], %swap3A_106 {strides = array<i32>} : memref<4x128xi32, #tpu.memory_space<vmem>>, vector<1x16xi32>,
    %add3A_107 = arith.constant 176 : i32
    %add3A_108 = vector.broadcast %add3A_107 : i32 to vector<16xi32>
    %add3A_109 = arith.addi %iota3A, %add3A_108 : vector<16xi32>
    %swap3A_110 = arith.constant 1 : i32
    %swap3A_111 = arith.index_cast %swap3A_110 : i32 to index
    %swap3A_112 = arith.constant 48 : index
    %swap3A_113 = tpu.vector_load %arg7[%swap3A_111, %swap3A_112] {strides = array<i32>} : memref<4x128xi32, #tpu.memory_space<vmem>>, vector<1x16xi32>,
    %swap3A_114 = vector.shape_cast %swap3A_113 : vector<1x16xi32> to vector<16xi32>
    %swap3A_115 = vector.shape_cast %add3A_109 : vector<16xi32> to vector<1x16xi32>
    tpu.vector_store %arg7[%swap3A_111, %swap3A_112], %swap3A_115 {strides = array<i32>} : memref<4x128xi32, #tpu.memory_space<vmem>>, vector<1x16xi32>,
    %add3A_116 = arith.constant 192 : i32
    %add3A_117 = vector.broadcast %add3A_116 : i32 to vector<16xi32>
    %add3A_118 = arith.addi %iota3A, %add3A_117 : vector<16xi32>
    %swap3A_119 = arith.constant 1 : i32
    %swap3A_120 = arith.index_cast %swap3A_119 : i32 to index
    %swap3A_121 = arith.constant 64 : index
    %swap3A_122 = tpu.vector_load %arg7[%swap3A_120, %swap3A_121] {strides = array<i32>} : memref<4x128xi32, #tpu.memory_space<vmem>>, vector<1x16xi32>,
    %swap3A_123 = vector.shape_cast %swap3A_122 : vector<1x16xi32> to vector<16xi32>
    %swap3A_124 = vector.shape_cast %add3A_118 : vector<16xi32> to vector<1x16xi32>
    tpu.vector_store %arg7[%swap3A_120, %swap3A_121], %swap3A_124 {strides = array<i32>} : memref<4x128xi32, #tpu.memory_space<vmem>>, vector<1x16xi32>,
    %add3A_125 = arith.constant 208 : i32
    %add3A_126 = vector.broadcast %add3A_125 : i32 to vector<16xi32>
    %add3A_127 = arith.addi %iota3A, %add3A_126 : vector<16xi32>
    %swap3A_128 = arith.constant 1 : i32
    %swap3A_129 = arith.index_cast %swap3A_128 : i32 to index
    %swap3A_130 = arith.constant 80 : index
    %swap3A_131 = tpu.vector_load %arg7[%swap3A_129, %swap3A_130] {strides = array<i32>} : memref<4x128xi32, #tpu.memory_space<vmem>>, vector<1x16xi32>,
    %swap3A_132 = vector.shape_cast %swap3A_131 : vector<1x16xi32> to vector<16xi32>
    %swap3A_133 = vector.shape_cast %add3A_127 : vector<16xi32> to vector<1x16xi32>
    tpu.vector_store %arg7[%swap3A_129, %swap3A_130], %swap3A_133 {strides = array<i32>} : memref<4x128xi32, #tpu.memory_space<vmem>>, vector<1x16xi32>,
    %add3A_134 = arith.constant 224 : i32
    %add3A_135 = vector.broadcast %add3A_134 : i32 to vector<16xi32>
    %add3A_136 = arith.addi %iota3A, %add3A_135 : vector<16xi32>
    %swap3A_137 = arith.constant 1 : i32
    %swap3A_138 = arith.index_cast %swap3A_137 : i32 to index
    %swap3A_139 = arith.constant 96 : index
    %swap3A_140 = tpu.vector_load %arg7[%swap3A_138, %swap3A_139] {strides = array<i32>} : memref<4x128xi32, #tpu.memory_space<vmem>>, vector<1x16xi32>,
    %swap3A_141 = vector.shape_cast %swap3A_140 : vector<1x16xi32> to vector<16xi32>
    %swap3A_142 = vector.shape_cast %add3A_136 : vector<16xi32> to vector<1x16xi32>
    tpu.vector_store %arg7[%swap3A_138, %swap3A_139], %swap3A_142 {strides = array<i32>} : memref<4x128xi32, #tpu.memory_space<vmem>>, vector<1x16xi32>,
    %add3A_143 = arith.constant 240 : i32
    %add3A_144 = vector.broadcast %add3A_143 : i32 to vector<16xi32>
    %add3A_145 = arith.addi %iota3A, %add3A_144 : vector<16xi32>
    %swap3A_146 = arith.constant 1 : i32
    %swap3A_147 = arith.index_cast %swap3A_146 : i32 to index
    %swap3A_148 = arith.constant 112 : index
    %swap3A_149 = tpu.vector_load %arg7[%swap3A_147, %swap3A_148] {strides = array<i32>} : memref<4x128xi32, #tpu.memory_space<vmem>>, vector<1x16xi32>,
    %swap3A_150 = vector.shape_cast %swap3A_149 : vector<1x16xi32> to vector<16xi32>
    %swap3A_151 = vector.shape_cast %add3A_145 : vector<16xi32> to vector<1x16xi32>
    tpu.vector_store %arg7[%swap3A_147, %swap3A_148], %swap3A_151 {strides = array<i32>} : memref<4x128xi32, #tpu.memory_space<vmem>>, vector<1x16xi32>,
    %add3A_152 = arith.constant 256 : i32
    %add3A_153 = vector.broadcast %add3A_152 : i32 to vector<16xi32>
    %add3A_154 = arith.addi %iota3A, %add3A_153 : vector<16xi32>
    %swap3A_155 = arith.constant 2 : i32
    %swap3A_156 = arith.index_cast %swap3A_155 : i32 to index
    %swap3A_157 = arith.constant 0 : index
    %swap3A_158 = tpu.vector_load %arg7[%swap3A_156, %swap3A_157] {strides = array<i32>} : memref<4x128xi32, #tpu.memory_space<vmem>>, vector<1x16xi32>,
    %swap3A_159 = vector.shape_cast %swap3A_158 : vector<1x16xi32> to vector<16xi32>
    %swap3A_160 = vector.shape_cast %add3A_154 : vector<16xi32> to vector<1x16xi32>
    tpu.vector_store %arg7[%swap3A_156, %swap3A_157], %swap3A_160 {strides = array<i32>} : memref<4x128xi32, #tpu.memory_space<vmem>>, vector<1x16xi32>,
    %add3A_161 = arith.constant 272 : i32
    %add3A_162 = vector.broadcast %add3A_161 : i32 to vector<16xi32>
    %add3A_163 = arith.addi %iota3A, %add3A_162 : vector<16xi32>
    %swap3A_164 = arith.constant 2 : i32
    %swap3A_165 = arith.index_cast %swap3A_164 : i32 to index
    %swap3A_166 = arith.constant 16 : index
    %swap3A_167 = tpu.vector_load %arg7[%swap3A_165, %swap3A_166] {strides = array<i32>} : memref<4x128xi32, #tpu.memory_space<vmem>>, vector<1x16xi32>,
    %swap3A_168 = vector.shape_cast %swap3A_167 : vector<1x16xi32> to vector<16xi32>
    %swap3A_169 = vector.shape_cast %add3A_163 : vector<16xi32> to vector<1x16xi32>
    tpu.vector_store %arg7[%swap3A_165, %swap3A_166], %swap3A_169 {strides = array<i32>} : memref<4x128xi32, #tpu.memory_space<vmem>>, vector<1x16xi32>,
    %add3A_170 = arith.constant 288 : i32
    %add3A_171 = vector.broadcast %add3A_170 : i32 to vector<16xi32>
    %add3A_172 = arith.addi %iota3A, %add3A_171 : vector<16xi32>
    %swap3A_173 = arith.constant 2 : i32
    %swap3A_174 = arith.index_cast %swap3A_173 : i32 to index
    %swap3A_175 = arith.constant 32 : index
    %swap3A_176 = tpu.vector_load %arg7[%swap3A_174, %swap3A_175] {strides = array<i32>} : memref<4x128xi32, #tpu.memory_space<vmem>>, vector<1x16xi32>,
    %swap3A_177 = vector.shape_cast %swap3A_176 : vector<1x16xi32> to vector<16xi32>
    %swap3A_178 = vector.shape_cast %add3A_172 : vector<16xi32> to vector<1x16xi32>
    tpu.vector_store %arg7[%swap3A_174, %swap3A_175], %swap3A_178 {strides = array<i32>} : memref<4x128xi32, #tpu.memory_space<vmem>>, vector<1x16xi32>,
    %add3A_179 = arith.constant 304 : i32
    %add3A_180 = vector.broadcast %add3A_179 : i32 to vector<16xi32>
    %add3A_181 = arith.addi %iota3A, %add3A_180 : vector<16xi32>
    %swap3A_182 = arith.constant 2 : i32
    %swap3A_183 = arith.index_cast %swap3A_182 : i32 to index
    %swap3A_184 = arith.constant 48 : index
    %swap3A_185 = tpu.vector_load %arg7[%swap3A_183, %swap3A_184] {strides = array<i32>} : memref<4x128xi32, #tpu.memory_space<vmem>>, vector<1x16xi32>,
    %swap3A_186 = vector.shape_cast %swap3A_185 : vector<1x16xi32> to vector<16xi32>
    %swap3A_187 = vector.shape_cast %add3A_181 : vector<16xi32> to vector<1x16xi32>
    tpu.vector_store %arg7[%swap3A_183, %swap3A_184], %swap3A_187 {strides = array<i32>} : memref<4x128xi32, #tpu.memory_space<vmem>>, vector<1x16xi32>,
    %add3A_188 = arith.constant 320 : i32
    %add3A_189 = vector.broadcast %add3A_188 : i32 to vector<16xi32>
    %add3A_190 = arith.addi %iota3A, %add3A_189 : vector<16xi32>
    %swap3A_191 = arith.constant 2 : i32
    %swap3A_192 = arith.index_cast %swap3A_191 : i32 to index
    %swap3A_193 = arith.constant 64 : index
    %swap3A_194 = tpu.vector_load %arg7[%swap3A_192, %swap3A_193] {strides = array<i32>} : memref<4x128xi32, #tpu.memory_space<vmem>>, vector<1x16xi32>,
    %swap3A_195 = vector.shape_cast %swap3A_194 : vector<1x16xi32> to vector<16xi32>
    %swap3A_196 = vector.shape_cast %add3A_190 : vector<16xi32> to vector<1x16xi32>
    tpu.vector_store %arg7[%swap3A_192, %swap3A_193], %swap3A_196 {strides = array<i32>} : memref<4x128xi32, #tpu.memory_space<vmem>>, vector<1x16xi32>,
    %add3A_197 = arith.constant 336 : i32
    %add3A_198 = vector.broadcast %add3A_197 : i32 to vector<16xi32>
    %add3A_199 = arith.addi %iota3A, %add3A_198 : vector<16xi32>
    %swap3A_200 = arith.constant 2 : i32
    %swap3A_201 = arith.index_cast %swap3A_200 : i32 to index
    %swap3A_202 = arith.constant 80 : index
    %swap3A_203 = tpu.vector_load %arg7[%swap3A_201, %swap3A_202] {strides = array<i32>} : memref<4x128xi32, #tpu.memory_space<vmem>>, vector<1x16xi32>,
    %swap3A_204 = vector.shape_cast %swap3A_203 : vector<1x16xi32> to vector<16xi32>
    %swap3A_205 = vector.shape_cast %add3A_199 : vector<16xi32> to vector<1x16xi32>
    tpu.vector_store %arg7[%swap3A_201, %swap3A_202], %swap3A_205 {strides = array<i32>} : memref<4x128xi32, #tpu.memory_space<vmem>>, vector<1x16xi32>,
    %add3A_206 = arith.constant 352 : i32
    %add3A_207 = vector.broadcast %add3A_206 : i32 to vector<16xi32>
    %add3A_208 = arith.addi %iota3A, %add3A_207 : vector<16xi32>
    %swap3A_209 = arith.constant 2 : i32
    %swap3A_210 = arith.index_cast %swap3A_209 : i32 to index
    %swap3A_211 = arith.constant 96 : index
    %swap3A_212 = tpu.vector_load %arg7[%swap3A_210, %swap3A_211] {strides = array<i32>} : memref<4x128xi32, #tpu.memory_space<vmem>>, vector<1x16xi32>,
    %swap3A_213 = vector.shape_cast %swap3A_212 : vector<1x16xi32> to vector<16xi32>
    %swap3A_214 = vector.shape_cast %add3A_208 : vector<16xi32> to vector<1x16xi32>
    tpu.vector_store %arg7[%swap3A_210, %swap3A_211], %swap3A_214 {strides = array<i32>} : memref<4x128xi32, #tpu.memory_space<vmem>>, vector<1x16xi32>,
    %add3A_215 = arith.constant 368 : i32
    %add3A_216 = vector.broadcast %add3A_215 : i32 to vector<16xi32>
    %add3A_217 = arith.addi %iota3A, %add3A_216 : vector<16xi32>
    %swap3A_218 = arith.constant 2 : i32
    %swap3A_219 = arith.index_cast %swap3A_218 : i32 to index
    %swap3A_220 = arith.constant 112 : index
    %swap3A_221 = tpu.vector_load %arg7[%swap3A_219, %swap3A_220] {strides = array<i32>} : memref<4x128xi32, #tpu.memory_space<vmem>>, vector<1x16xi32>,
    %swap3A_222 = vector.shape_cast %swap3A_221 : vector<1x16xi32> to vector<16xi32>
    %swap3A_223 = vector.shape_cast %add3A_217 : vector<16xi32> to vector<1x16xi32>
    tpu.vector_store %arg7[%swap3A_219, %swap3A_220], %swap3A_223 {strides = array<i32>} : memref<4x128xi32, #tpu.memory_space<vmem>>, vector<1x16xi32>,
    %add3A_224 = arith.constant 384 : i32
    %add3A_225 = vector.broadcast %add3A_224 : i32 to vector<16xi32>
    %add3A_226 = arith.addi %iota3A, %add3A_225 : vector<16xi32>
    %swap3A_227 = arith.constant 3 : i32
    %swap3A_228 = arith.index_cast %swap3A_227 : i32 to index
    %swap3A_229 = arith.constant 0 : index
    %swap3A_230 = tpu.vector_load %arg7[%swap3A_228, %swap3A_229] {strides = array<i32>} : memref<4x128xi32, #tpu.memory_space<vmem>>, vector<1x16xi32>,
    %swap3A_231 = vector.shape_cast %swap3A_230 : vector<1x16xi32> to vector<16xi32>
    %swap3A_232 = vector.shape_cast %add3A_226 : vector<16xi32> to vector<1x16xi32>
    tpu.vector_store %arg7[%swap3A_228, %swap3A_229], %swap3A_232 {strides = array<i32>} : memref<4x128xi32, #tpu.memory_space<vmem>>, vector<1x16xi32>,
    %add3A_233 = arith.constant 400 : i32
    %add3A_234 = vector.broadcast %add3A_233 : i32 to vector<16xi32>
    %add3A_235 = arith.addi %iota3A, %add3A_234 : vector<16xi32>
    %swap3A_236 = arith.constant 3 : i32
    %swap3A_237 = arith.index_cast %swap3A_236 : i32 to index
    %swap3A_238 = arith.constant 16 : index
    %swap3A_239 = tpu.vector_load %arg7[%swap3A_237, %swap3A_238] {strides = array<i32>} : memref<4x128xi32, #tpu.memory_space<vmem>>, vector<1x16xi32>,
    %swap3A_240 = vector.shape_cast %swap3A_239 : vector<1x16xi32> to vector<16xi32>
    %swap3A_241 = vector.shape_cast %add3A_235 : vector<16xi32> to vector<1x16xi32>
    tpu.vector_store %arg7[%swap3A_237, %swap3A_238], %swap3A_241 {strides = array<i32>} : memref<4x128xi32, #tpu.memory_space<vmem>>, vector<1x16xi32>,
    %add3A_242 = arith.constant 416 : i32
    %add3A_243 = vector.broadcast %add3A_242 : i32 to vector<16xi32>
    %add3A_244 = arith.addi %iota3A, %add3A_243 : vector<16xi32>
    %swap3A_245 = arith.constant 3 : i32
    %swap3A_246 = arith.index_cast %swap3A_245 : i32 to index
    %swap3A_247 = arith.constant 32 : index
    %swap3A_248 = tpu.vector_load %arg7[%swap3A_246, %swap3A_247] {strides = array<i32>} : memref<4x128xi32, #tpu.memory_space<vmem>>, vector<1x16xi32>,
    %swap3A_249 = vector.shape_cast %swap3A_248 : vector<1x16xi32> to vector<16xi32>
    %swap3A_250 = vector.shape_cast %add3A_244 : vector<16xi32> to vector<1x16xi32>
    tpu.vector_store %arg7[%swap3A_246, %swap3A_247], %swap3A_250 {strides = array<i32>} : memref<4x128xi32, #tpu.memory_space<vmem>>, vector<1x16xi32>,
    %add3A_251 = arith.constant 432 : i32
    %add3A_252 = vector.broadcast %add3A_251 : i32 to vector<16xi32>
    %add3A_253 = arith.addi %iota3A, %add3A_252 : vector<16xi32>
    %swap3A_254 = arith.constant 3 : i32
    %swap3A_255 = arith.index_cast %swap3A_254 : i32 to index
    %swap3A_256 = arith.constant 48 : index
    %swap3A_257 = tpu.vector_load %arg7[%swap3A_255, %swap3A_256] {strides = array<i32>} : memref<4x128xi32, #tpu.memory_space<vmem>>, vector<1x16xi32>,
    %swap3A_258 = vector.shape_cast %swap3A_257 : vector<1x16xi32> to vector<16xi32>
    %swap3A_259 = vector.shape_cast %add3A_253 : vector<16xi32> to vector<1x16xi32>
    tpu.vector_store %arg7[%swap3A_255, %swap3A_256], %swap3A_259 {strides = array<i32>} : memref<4x128xi32, #tpu.memory_space<vmem>>, vector<1x16xi32>,
    %add3A_260 = arith.constant 448 : i32
    %add3A_261 = vector.broadcast %add3A_260 : i32 to vector<16xi32>
    %add3A_262 = arith.addi %iota3A, %add3A_261 : vector<16xi32>
    %swap3A_263 = arith.constant 3 : i32
    %swap3A_264 = arith.index_cast %swap3A_263 : i32 to index
    %swap3A_265 = arith.constant 64 : index
    %swap3A_266 = tpu.vector_load %arg7[%swap3A_264, %swap3A_265] {strides = array<i32>} : memref<4x128xi32, #tpu.memory_space<vmem>>, vector<1x16xi32>,
    %swap3A_267 = vector.shape_cast %swap3A_266 : vector<1x16xi32> to vector<16xi32>
    %swap3A_268 = vector.shape_cast %add3A_262 : vector<16xi32> to vector<1x16xi32>
    tpu.vector_store %arg7[%swap3A_264, %swap3A_265], %swap3A_268 {strides = array<i32>} : memref<4x128xi32, #tpu.memory_space<vmem>>, vector<1x16xi32>,
    %add3A_269 = arith.constant 464 : i32
    %add3A_270 = vector.broadcast %add3A_269 : i32 to vector<16xi32>
    %add3A_271 = arith.addi %iota3A, %add3A_270 : vector<16xi32>
    %swap3A_272 = arith.constant 3 : i32
    %swap3A_273 = arith.index_cast %swap3A_272 : i32 to index
    %swap3A_274 = arith.constant 80 : index
    %swap3A_275 = tpu.vector_load %arg7[%swap3A_273, %swap3A_274] {strides = array<i32>} : memref<4x128xi32, #tpu.memory_space<vmem>>, vector<1x16xi32>,
    %swap3A_276 = vector.shape_cast %swap3A_275 : vector<1x16xi32> to vector<16xi32>
    %swap3A_277 = vector.shape_cast %add3A_271 : vector<16xi32> to vector<1x16xi32>
    tpu.vector_store %arg7[%swap3A_273, %swap3A_274], %swap3A_277 {strides = array<i32>} : memref<4x128xi32, #tpu.memory_space<vmem>>, vector<1x16xi32>,
    %add3A_278 = arith.constant 480 : i32
    %add3A_279 = vector.broadcast %add3A_278 : i32 to vector<16xi32>
    %add3A_280 = arith.addi %iota3A, %add3A_279 : vector<16xi32>
    %swap3A_281 = arith.constant 3 : i32
    %swap3A_282 = arith.index_cast %swap3A_281 : i32 to index
    %swap3A_283 = arith.constant 96 : index
    %swap3A_284 = tpu.vector_load %arg7[%swap3A_282, %swap3A_283] {strides = array<i32>} : memref<4x128xi32, #tpu.memory_space<vmem>>, vector<1x16xi32>,
    %swap3A_285 = vector.shape_cast %swap3A_284 : vector<1x16xi32> to vector<16xi32>
    %swap3A_286 = vector.shape_cast %add3A_280 : vector<16xi32> to vector<1x16xi32>
    tpu.vector_store %arg7[%swap3A_282, %swap3A_283], %swap3A_286 {strides = array<i32>} : memref<4x128xi32, #tpu.memory_space<vmem>>, vector<1x16xi32>,
    %add3A_287 = arith.constant 496 : i32
    %add3A_288 = vector.broadcast %add3A_287 : i32 to vector<16xi32>
    %add3A_289 = arith.addi %iota3A, %add3A_288 : vector<16xi32>
    %swap3A_290 = arith.constant 3 : i32
    %swap3A_291 = arith.index_cast %swap3A_290 : i32 to index
    %swap3A_292 = arith.constant 112 : index
    %swap3A_293 = tpu.vector_load %arg7[%swap3A_291, %swap3A_292] {strides = array<i32>} : memref<4x128xi32, #tpu.memory_space<vmem>>, vector<1x16xi32>,
    %swap3A_294 = vector.shape_cast %swap3A_293 : vector<1x16xi32> to vector<16xi32>
    %swap3A_295 = vector.shape_cast %add3A_289 : vector<16xi32> to vector<1x16xi32>
    tpu.vector_store %arg7[%swap3A_291, %swap3A_292], %swap3A_295 {strides = array<i32>} : memref<4x128xi32, #tpu.memory_space<vmem>>, vector<1x16xi32>,
    %eq3A = arith.constant 0 : i32
    %eq3A_296 = arith.cmpi eq, %arg1, %eq3A : i32
    %convert_element_type3A = arith.extui %eq3A_296 : i1 to i32
    %cond3A = arith.constant 0 : i32
    %cond3A_297 = arith.cmpi ne, %convert_element_type3A, %cond3A : i32
    scf.if %cond3A_297 {
      "tpu.region"() ({
        %run_scoped3A_330 = tpu.sem_alloc : memref<!tpu.dma_semaphore, #tpu.memory_space<semaphore_mem>>
        tpu.enqueue_dma source(%arg5 : memref<512x128xf32, #tpu.memory_space<vmem>>) target(%arg8 : memref<512x128xf32, #tpu.memory_space<vmem_shared>>) target_semaphore(%run_scoped3A_330 : memref<!tpu.dma_semaphore, #tpu.memory_space<semaphore_mem>>)
        tpu.wait_dma2 semaphore(%run_scoped3A_330 : memref<!tpu.dma_semaphore, #tpu.memory_space<semaphore_mem>>) src(%arg5 : memref<512x128xf32, #tpu.memory_space<vmem>>) dst(%arg8 : memref<512x128xf32, #tpu.memory_space<vmem_shared>>)
        tpu.yield
      }) : () -> ()
    } else {
    }
    %barrier3A = arith.constant 0 : index
    tpu.barrier barrier_id(%barrier3A)
    %mul3A_298 = arith.constant 4992 : i32
    %mul3A_299 = arith.muli %add3A, %mul3A_298 : i32
    "tpu.region"() ({
      %run_scoped3A_330 = tpu.sem_alloc : memref<!tpu.dma_semaphore, #tpu.memory_space<semaphore_mem>>
      %dma_start3A = tpu.memref_slice %arg2[%mul3A_299] : memref<160000xi32, #tpu.memory_space<hbm>> -> memref<5248xi32, #tpu.memory_space<hbm>>
      %dma_start3A_331 = tpu.memref_slice %arg2[%mul3A_299] : memref<160000xi32, #tpu.memory_space<hbm>> -> memref<5248xi32, #tpu.memory_space<hbm>>
      tpu.enqueue_dma source(%dma_start3A_331 : memref<5248xi32, #tpu.memory_space<hbm>>) target(%arg6 : memref<5248xi32, #tpu.memory_space<vmem>>) target_semaphore(%run_scoped3A_330 : memref<!tpu.dma_semaphore, #tpu.memory_space<semaphore_mem>>)
      %dma_wait3A = tpu.memref_slice %arg2[%mul3A_299] : memref<160000xi32, #tpu.memory_space<hbm>> -> memref<5248xi32, #tpu.memory_space<hbm>>
      %dma_wait3A_332 = tpu.memref_slice %arg2[%mul3A_299] : memref<160000xi32, #tpu.memory_space<hbm>> -> memref<5248xi32, #tpu.memory_space<hbm>>
      tpu.wait_dma2 semaphore(%run_scoped3A_330 : memref<!tpu.dma_semaphore, #tpu.memory_space<semaphore_mem>>) src(%dma_wait3A_332 : memref<5248xi32, #tpu.memory_space<hbm>>) dst(%arg6 : memref<5248xi32, #tpu.memory_space<vmem>>)
      tpu.yield
    }) : () -> ()
    %scan3A_300 = arith.constant 0 : i32
    %scan3A_301 = arith.constant 0 : i32
    %scan3A_302 = arith.constant 312 : i32
    %scan3A_303 = arith.addi %scan3A_301, %scan3A_302 : i32
    %scan3A_304 = arith.constant 1 : i32
    scf.for %scan3A_330 = %scan3A_301 to %scan3A_303 step %scan3A_304  : i32 {
      %mul3A_331 = arith.constant 16 : i32
      %mul3A_332 = arith.muli %scan3A_330, %mul3A_331 : i32
      %get3A = arith.index_cast %mul3A_332 : i32 to index
      %get3A_333 = tpu.vector_load %arg6[%get3A] {strides = array<i32>} : memref<5248xi32, #tpu.memory_space<vmem>>, vector<16xi32>,
      %get3A_334 = vector.shape_cast %get3A_333 : vector<16xi32> to vector<16xi32>
      %slice3A = vector.extract_strided_slice %get3A_334 {offsets = [0], sizes = [1], strides = [1]} : vector<16xi32> to vector<1xi32>
      %squeeze3A = vector.extract %slice3A[0] : i32 from vector<1xi32>
      %swap3A_335 = arith.index_cast %squeeze3A : i32 to index
      %swap3A_336 = arith.constant 0 : index
      %swap3A_337 = tpu.vector_load %arg5[%swap3A_335, %swap3A_336] {strides = array<i32>} : memref<512x128xf32, #tpu.memory_space<vmem>>, vector<1x16xf32>,
      %swap3A_338 = vector.shape_cast %swap3A_337 : vector<1x16xf32> to vector<16xf32>
      %swap3A_339 = vector.shape_cast %broadcast_in_dim3A_3 : vector<16xf32> to vector<1x16xf32>
      tpu.vector_store %arg5[%swap3A_335, %swap3A_336], %swap3A_339 {add = true, strides = array<i32>} : memref<512x128xf32, #tpu.memory_space<vmem>>, vector<1x16xf32>,
      %slice3A_340 = vector.extract_strided_slice %get3A_334 {offsets = [1], sizes = [1], strides = [1]} : vector<16xi32> to vector<1xi32>
      %squeeze3A_341 = vector.extract %slice3A_340[0] : i32 from vector<1xi32>
      %swap3A_342 = arith.index_cast %squeeze3A_341 : i32 to index
      %swap3A_343 = arith.constant 16 : index
      %swap3A_344 = tpu.vector_load %arg5[%swap3A_342, %swap3A_343] {strides = array<i32>} : memref<512x128xf32, #tpu.memory_space<vmem>>, vector<1x16xf32>,
      %swap3A_345 = vector.shape_cast %swap3A_344 : vector<1x16xf32> to vector<16xf32>
      %swap3A_346 = vector.shape_cast %broadcast_in_dim3A_3 : vector<16xf32> to vector<1x16xf32>
      tpu.vector_store %arg5[%swap3A_342, %swap3A_343], %swap3A_346 {add = true, strides = array<i32>} : memref<512x128xf32, #tpu.memory_space<vmem>>, vector<1x16xf32>,
      %slice3A_347 = vector.extract_strided_slice %get3A_334 {offsets = [2], sizes = [1], strides = [1]} : vector<16xi32> to vector<1xi32>
      %squeeze3A_348 = vector.extract %slice3A_347[0] : i32 from vector<1xi32>
      %swap3A_349 = arith.index_cast %squeeze3A_348 : i32 to index
      %swap3A_350 = arith.constant 32 : index
      %swap3A_351 = tpu.vector_load %arg5[%swap3A_349, %swap3A_350] {strides = array<i32>} : memref<512x128xf32, #tpu.memory_space<vmem>>, vector<1x16xf32>,
      %swap3A_352 = vector.shape_cast %swap3A_351 : vector<1x16xf32> to vector<16xf32>
      %swap3A_353 = vector.shape_cast %broadcast_in_dim3A_3 : vector<16xf32> to vector<1x16xf32>
      tpu.vector_store %arg5[%swap3A_349, %swap3A_350], %swap3A_353 {add = true, strides = array<i32>} : memref<512x128xf32, #tpu.memory_space<vmem>>, vector<1x16xf32>,
      %slice3A_354 = vector.extract_strided_slice %get3A_334 {offsets = [3], sizes = [1], strides = [1]} : vector<16xi32> to vector<1xi32>
      %squeeze3A_355 = vector.extract %slice3A_354[0] : i32 from vector<1xi32>
      %swap3A_356 = arith.index_cast %squeeze3A_355 : i32 to index
      %swap3A_357 = arith.constant 48 : index
      %swap3A_358 = tpu.vector_load %arg5[%swap3A_356, %swap3A_357] {strides = array<i32>} : memref<512x128xf32, #tpu.memory_space<vmem>>, vector<1x16xf32>,
      %swap3A_359 = vector.shape_cast %swap3A_358 : vector<1x16xf32> to vector<16xf32>
      %swap3A_360 = vector.shape_cast %broadcast_in_dim3A_3 : vector<16xf32> to vector<1x16xf32>
      tpu.vector_store %arg5[%swap3A_356, %swap3A_357], %swap3A_360 {add = true, strides = array<i32>} : memref<512x128xf32, #tpu.memory_space<vmem>>, vector<1x16xf32>,
      %slice3A_361 = vector.extract_strided_slice %get3A_334 {offsets = [4], sizes = [1], strides = [1]} : vector<16xi32> to vector<1xi32>
      %squeeze3A_362 = vector.extract %slice3A_361[0] : i32 from vector<1xi32>
      %swap3A_363 = arith.index_cast %squeeze3A_362 : i32 to index
      %swap3A_364 = arith.constant 64 : index
      %swap3A_365 = tpu.vector_load %arg5[%swap3A_363, %swap3A_364] {strides = array<i32>} : memref<512x128xf32, #tpu.memory_space<vmem>>, vector<1x16xf32>,
      %swap3A_366 = vector.shape_cast %swap3A_365 : vector<1x16xf32> to vector<16xf32>
      %swap3A_367 = vector.shape_cast %broadcast_in_dim3A_3 : vector<16xf32> to vector<1x16xf32>
      tpu.vector_store %arg5[%swap3A_363, %swap3A_364], %swap3A_367 {add = true, strides = array<i32>} : memref<512x128xf32, #tpu.memory_space<vmem>>, vector<1x16xf32>,
      %slice3A_368 = vector.extract_strided_slice %get3A_334 {offsets = [5], sizes = [1], strides = [1]} : vector<16xi32> to vector<1xi32>
      %squeeze3A_369 = vector.extract %slice3A_368[0] : i32 from vector<1xi32>
      %swap3A_370 = arith.index_cast %squeeze3A_369 : i32 to index
      %swap3A_371 = arith.constant 80 : index
      %swap3A_372 = tpu.vector_load %arg5[%swap3A_370, %swap3A_371] {strides = array<i32>} : memref<512x128xf32, #tpu.memory_space<vmem>>, vector<1x16xf32>,
      %swap3A_373 = vector.shape_cast %swap3A_372 : vector<1x16xf32> to vector<16xf32>
      %swap3A_374 = vector.shape_cast %broadcast_in_dim3A_3 : vector<16xf32> to vector<1x16xf32>
      tpu.vector_store %arg5[%swap3A_370, %swap3A_371], %swap3A_374 {add = true, strides = array<i32>} : memref<512x128xf32, #tpu.memory_space<vmem>>, vector<1x16xf32>,
      %slice3A_375 = vector.extract_strided_slice %get3A_334 {offsets = [6], sizes = [1], strides = [1]} : vector<16xi32> to vector<1xi32>
      %squeeze3A_376 = vector.extract %slice3A_375[0] : i32 from vector<1xi32>
      %swap3A_377 = arith.index_cast %squeeze3A_376 : i32 to index
      %swap3A_378 = arith.constant 96 : index
      %swap3A_379 = tpu.vector_load %arg5[%swap3A_377, %swap3A_378] {strides = array<i32>} : memref<512x128xf32, #tpu.memory_space<vmem>>, vector<1x16xf32>,
      %swap3A_380 = vector.shape_cast %swap3A_379 : vector<1x16xf32> to vector<16xf32>
      %swap3A_381 = vector.shape_cast %broadcast_in_dim3A_3 : vector<16xf32> to vector<1x16xf32>
      tpu.vector_store %arg5[%swap3A_377, %swap3A_378], %swap3A_381 {add = true, strides = array<i32>} : memref<512x128xf32, #tpu.memory_space<vmem>>, vector<1x16xf32>,
      %slice3A_382 = vector.extract_strided_slice %get3A_334 {offsets = [7], sizes = [1], strides = [1]} : vector<16xi32> to vector<1xi32>
      %squeeze3A_383 = vector.extract %slice3A_382[0] : i32 from vector<1xi32>
      %swap3A_384 = arith.index_cast %squeeze3A_383 : i32 to index
      %swap3A_385 = arith.constant 112 : index
      %swap3A_386 = tpu.vector_load %arg5[%swap3A_384, %swap3A_385] {strides = array<i32>} : memref<512x128xf32, #tpu.memory_space<vmem>>, vector<1x16xf32>,
      %swap3A_387 = vector.shape_cast %swap3A_386 : vector<1x16xf32> to vector<16xf32>
      %swap3A_388 = vector.shape_cast %broadcast_in_dim3A_3 : vector<16xf32> to vector<1x16xf32>
      tpu.vector_store %arg5[%swap3A_384, %swap3A_385], %swap3A_388 {add = true, strides = array<i32>} : memref<512x128xf32, #tpu.memory_space<vmem>>, vector<1x16xf32>,
      %slice3A_389 = vector.extract_strided_slice %get3A_334 {offsets = [8], sizes = [1], strides = [1]} : vector<16xi32> to vector<1xi32>
      %squeeze3A_390 = vector.extract %slice3A_389[0] : i32 from vector<1xi32>
      %swap3A_391 = arith.index_cast %squeeze3A_390 : i32 to index
      %swap3A_392 = arith.constant 0 : index
      %swap3A_393 = tpu.vector_load %arg5[%swap3A_391, %swap3A_392] {strides = array<i32>} : memref<512x128xf32, #tpu.memory_space<vmem>>, vector<1x16xf32>,
      %swap3A_394 = vector.shape_cast %swap3A_393 : vector<1x16xf32> to vector<16xf32>
      %swap3A_395 = vector.shape_cast %broadcast_in_dim3A_3 : vector<16xf32> to vector<1x16xf32>
      tpu.vector_store %arg5[%swap3A_391, %swap3A_392], %swap3A_395 {add = true, strides = array<i32>} : memref<512x128xf32, #tpu.memory_space<vmem>>, vector<1x16xf32>,
      %slice3A_396 = vector.extract_strided_slice %get3A_334 {offsets = [9], sizes = [1], strides = [1]} : vector<16xi32> to vector<1xi32>
      %squeeze3A_397 = vector.extract %slice3A_396[0] : i32 from vector<1xi32>
      %swap3A_398 = arith.index_cast %squeeze3A_397 : i32 to index
      %swap3A_399 = arith.constant 16 : index
      %swap3A_400 = tpu.vector_load %arg5[%swap3A_398, %swap3A_399] {strides = array<i32>} : memref<512x128xf32, #tpu.memory_space<vmem>>, vector<1x16xf32>,
      %swap3A_401 = vector.shape_cast %swap3A_400 : vector<1x16xf32> to vector<16xf32>
      %swap3A_402 = vector.shape_cast %broadcast_in_dim3A_3 : vector<16xf32> to vector<1x16xf32>
      tpu.vector_store %arg5[%swap3A_398, %swap3A_399], %swap3A_402 {add = true, strides = array<i32>} : memref<512x128xf32, #tpu.memory_space<vmem>>, vector<1x16xf32>,
      %slice3A_403 = vector.extract_strided_slice %get3A_334 {offsets = [10], sizes = [1], strides = [1]} : vector<16xi32> to vector<1xi32>
      %squeeze3A_404 = vector.extract %slice3A_403[0] : i32 from vector<1xi32>
      %swap3A_405 = arith.index_cast %squeeze3A_404 : i32 to index
      %swap3A_406 = arith.constant 32 : index
      %swap3A_407 = tpu.vector_load %arg5[%swap3A_405, %swap3A_406] {strides = array<i32>} : memref<512x128xf32, #tpu.memory_space<vmem>>, vector<1x16xf32>,
      %swap3A_408 = vector.shape_cast %swap3A_407 : vector<1x16xf32> to vector<16xf32>
      %swap3A_409 = vector.shape_cast %broadcast_in_dim3A_3 : vector<16xf32> to vector<1x16xf32>
      tpu.vector_store %arg5[%swap3A_405, %swap3A_406], %swap3A_409 {add = true, strides = array<i32>} : memref<512x128xf32, #tpu.memory_space<vmem>>, vector<1x16xf32>,
      %slice3A_410 = vector.extract_strided_slice %get3A_334 {offsets = [11], sizes = [1], strides = [1]} : vector<16xi32> to vector<1xi32>
      %squeeze3A_411 = vector.extract %slice3A_410[0] : i32 from vector<1xi32>
      %swap3A_412 = arith.index_cast %squeeze3A_411 : i32 to index
      %swap3A_413 = arith.constant 48 : index
      %swap3A_414 = tpu.vector_load %arg5[%swap3A_412, %swap3A_413] {strides = array<i32>} : memref<512x128xf32, #tpu.memory_space<vmem>>, vector<1x16xf32>,
      %swap3A_415 = vector.shape_cast %swap3A_414 : vector<1x16xf32> to vector<16xf32>
      %swap3A_416 = vector.shape_cast %broadcast_in_dim3A_3 : vector<16xf32> to vector<1x16xf32>
      tpu.vector_store %arg5[%swap3A_412, %swap3A_413], %swap3A_416 {add = true, strides = array<i32>} : memref<512x128xf32, #tpu.memory_space<vmem>>, vector<1x16xf32>,
      %slice3A_417 = vector.extract_strided_slice %get3A_334 {offsets = [12], sizes = [1], strides = [1]} : vector<16xi32> to vector<1xi32>
      %squeeze3A_418 = vector.extract %slice3A_417[0] : i32 from vector<1xi32>
      %swap3A_419 = arith.index_cast %squeeze3A_418 : i32 to index
      %swap3A_420 = arith.constant 64 : index
      %swap3A_421 = tpu.vector_load %arg5[%swap3A_419, %swap3A_420] {strides = array<i32>} : memref<512x128xf32, #tpu.memory_space<vmem>>, vector<1x16xf32>,
      %swap3A_422 = vector.shape_cast %swap3A_421 : vector<1x16xf32> to vector<16xf32>
      %swap3A_423 = vector.shape_cast %broadcast_in_dim3A_3 : vector<16xf32> to vector<1x16xf32>
      tpu.vector_store %arg5[%swap3A_419, %swap3A_420], %swap3A_423 {add = true, strides = array<i32>} : memref<512x128xf32, #tpu.memory_space<vmem>>, vector<1x16xf32>,
      %slice3A_424 = vector.extract_strided_slice %get3A_334 {offsets = [13], sizes = [1], strides = [1]} : vector<16xi32> to vector<1xi32>
      %squeeze3A_425 = vector.extract %slice3A_424[0] : i32 from vector<1xi32>
      %swap3A_426 = arith.index_cast %squeeze3A_425 : i32 to index
      %swap3A_427 = arith.constant 80 : index
      %swap3A_428 = tpu.vector_load %arg5[%swap3A_426, %swap3A_427] {strides = array<i32>} : memref<512x128xf32, #tpu.memory_space<vmem>>, vector<1x16xf32>,
      %swap3A_429 = vector.shape_cast %swap3A_428 : vector<1x16xf32> to vector<16xf32>
      %swap3A_430 = vector.shape_cast %broadcast_in_dim3A_3 : vector<16xf32> to vector<1x16xf32>
      tpu.vector_store %arg5[%swap3A_426, %swap3A_427], %swap3A_430 {add = true, strides = array<i32>} : memref<512x128xf32, #tpu.memory_space<vmem>>, vector<1x16xf32>,
      %slice3A_431 = vector.extract_strided_slice %get3A_334 {offsets = [14], sizes = [1], strides = [1]} : vector<16xi32> to vector<1xi32>
      %squeeze3A_432 = vector.extract %slice3A_431[0] : i32 from vector<1xi32>
      %swap3A_433 = arith.index_cast %squeeze3A_432 : i32 to index
      %swap3A_434 = arith.constant 96 : index
      %swap3A_435 = tpu.vector_load %arg5[%swap3A_433, %swap3A_434] {strides = array<i32>} : memref<512x128xf32, #tpu.memory_space<vmem>>, vector<1x16xf32>,
      %swap3A_436 = vector.shape_cast %swap3A_435 : vector<1x16xf32> to vector<16xf32>
      %swap3A_437 = vector.shape_cast %broadcast_in_dim3A_3 : vector<16xf32> to vector<1x16xf32>
      tpu.vector_store %arg5[%swap3A_433, %swap3A_434], %swap3A_437 {add = true, strides = array<i32>} : memref<512x128xf32, #tpu.memory_space<vmem>>, vector<1x16xf32>,
      %slice3A_438 = vector.extract_strided_slice %get3A_334 {offsets = [15], sizes = [1], strides = [1]} : vector<16xi32> to vector<1xi32>
      %squeeze3A_439 = vector.extract %slice3A_438[0] : i32 from vector<1xi32>
      %swap3A_440 = arith.index_cast %squeeze3A_439 : i32 to index
      %swap3A_441 = arith.constant 112 : index
      %swap3A_442 = tpu.vector_load %arg5[%swap3A_440, %swap3A_441] {strides = array<i32>} : memref<512x128xf32, #tpu.memory_space<vmem>>, vector<1x16xf32>,
      %swap3A_443 = vector.shape_cast %swap3A_442 : vector<1x16xf32> to vector<16xf32>
      %swap3A_444 = vector.shape_cast %broadcast_in_dim3A_3 : vector<16xf32> to vector<1x16xf32>
      tpu.vector_store %arg5[%swap3A_440, %swap3A_441], %swap3A_444 {add = true, strides = array<i32>} : memref<512x128xf32, #tpu.memory_space<vmem>>, vector<1x16xf32>,
    }
    %scan3A_305 = arith.constant 312 : i32
    %eq3A_306 = arith.constant 31 : i32
    %eq3A_307 = arith.cmpi eq, %add3A, %eq3A_306 : i32
    %convert_element_type3A_308 = arith.extui %eq3A_307 : i1 to i32
    %cond3A_309 = arith.constant 0 : i32
    %cond3A_310 = arith.cmpi ne, %convert_element_type3A_308, %cond3A_309 : i32
    scf.if %cond3A_310 {
      %scan3A_330 = arith.constant 0 : i32
      %scan3A_331 = arith.constant 312 : i32
      %scan3A_332 = arith.constant 16 : i32
      %scan3A_333 = arith.addi %scan3A_331, %scan3A_332 : i32
      %scan3A_334 = arith.constant 1 : i32
      scf.for %scan3A_336 = %scan3A_331 to %scan3A_333 step %scan3A_334  : i32 {
        %mul3A_337 = arith.constant 16 : i32
        %mul3A_338 = arith.muli %scan3A_336, %mul3A_337 : i32
        %get3A = arith.index_cast %mul3A_338 : i32 to index
        %get3A_339 = tpu.vector_load %arg6[%get3A] {strides = array<i32>} : memref<5248xi32, #tpu.memory_space<vmem>>, vector<16xi32>,
        %get3A_340 = vector.shape_cast %get3A_339 : vector<16xi32> to vector<16xi32>
        %slice3A = vector.extract_strided_slice %get3A_340 {offsets = [0], sizes = [1], strides = [1]} : vector<16xi32> to vector<1xi32>
        %squeeze3A = vector.extract %slice3A[0] : i32 from vector<1xi32>
        %swap3A_341 = arith.index_cast %squeeze3A : i32 to index
        %swap3A_342 = arith.constant 0 : index
        %swap3A_343 = tpu.vector_load %arg5[%swap3A_341, %swap3A_342] {strides = array<i32>} : memref<512x128xf32, #tpu.memory_space<vmem>>, vector<1x16xf32>,
        %swap3A_344 = vector.shape_cast %swap3A_343 : vector<1x16xf32> to vector<16xf32>
        %swap3A_345 = vector.shape_cast %broadcast_in_dim3A_3 : vector<16xf32> to vector<1x16xf32>
        tpu.vector_store %arg5[%swap3A_341, %swap3A_342], %swap3A_345 {add = true, strides = array<i32>} : memref<512x128xf32, #tpu.memory_space<vmem>>, vector<1x16xf32>,
        %slice3A_346 = vector.extract_strided_slice %get3A_340 {offsets = [1], sizes = [1], strides = [1]} : vector<16xi32> to vector<1xi32>
        %squeeze3A_347 = vector.extract %slice3A_346[0] : i32 from vector<1xi32>
        %swap3A_348 = arith.index_cast %squeeze3A_347 : i32 to index
        %swap3A_349 = arith.constant 16 : index
        %swap3A_350 = tpu.vector_load %arg5[%swap3A_348, %swap3A_349] {strides = array<i32>} : memref<512x128xf32, #tpu.memory_space<vmem>>, vector<1x16xf32>,
        %swap3A_351 = vector.shape_cast %swap3A_350 : vector<1x16xf32> to vector<16xf32>
        %swap3A_352 = vector.shape_cast %broadcast_in_dim3A_3 : vector<16xf32> to vector<1x16xf32>
        tpu.vector_store %arg5[%swap3A_348, %swap3A_349], %swap3A_352 {add = true, strides = array<i32>} : memref<512x128xf32, #tpu.memory_space<vmem>>, vector<1x16xf32>,
        %slice3A_353 = vector.extract_strided_slice %get3A_340 {offsets = [2], sizes = [1], strides = [1]} : vector<16xi32> to vector<1xi32>
        %squeeze3A_354 = vector.extract %slice3A_353[0] : i32 from vector<1xi32>
        %swap3A_355 = arith.index_cast %squeeze3A_354 : i32 to index
        %swap3A_356 = arith.constant 32 : index
        %swap3A_357 = tpu.vector_load %arg5[%swap3A_355, %swap3A_356] {strides = array<i32>} : memref<512x128xf32, #tpu.memory_space<vmem>>, vector<1x16xf32>,
        %swap3A_358 = vector.shape_cast %swap3A_357 : vector<1x16xf32> to vector<16xf32>
        %swap3A_359 = vector.shape_cast %broadcast_in_dim3A_3 : vector<16xf32> to vector<1x16xf32>
        tpu.vector_store %arg5[%swap3A_355, %swap3A_356], %swap3A_359 {add = true, strides = array<i32>} : memref<512x128xf32, #tpu.memory_space<vmem>>, vector<1x16xf32>,
        %slice3A_360 = vector.extract_strided_slice %get3A_340 {offsets = [3], sizes = [1], strides = [1]} : vector<16xi32> to vector<1xi32>
        %squeeze3A_361 = vector.extract %slice3A_360[0] : i32 from vector<1xi32>
        %swap3A_362 = arith.index_cast %squeeze3A_361 : i32 to index
        %swap3A_363 = arith.constant 48 : index
        %swap3A_364 = tpu.vector_load %arg5[%swap3A_362, %swap3A_363] {strides = array<i32>} : memref<512x128xf32, #tpu.memory_space<vmem>>, vector<1x16xf32>,
        %swap3A_365 = vector.shape_cast %swap3A_364 : vector<1x16xf32> to vector<16xf32>
        %swap3A_366 = vector.shape_cast %broadcast_in_dim3A_3 : vector<16xf32> to vector<1x16xf32>
        tpu.vector_store %arg5[%swap3A_362, %swap3A_363], %swap3A_366 {add = true, strides = array<i32>} : memref<512x128xf32, #tpu.memory_space<vmem>>, vector<1x16xf32>,
        %slice3A_367 = vector.extract_strided_slice %get3A_340 {offsets = [4], sizes = [1], strides = [1]} : vector<16xi32> to vector<1xi32>
        %squeeze3A_368 = vector.extract %slice3A_367[0] : i32 from vector<1xi32>
        %swap3A_369 = arith.index_cast %squeeze3A_368 : i32 to index
        %swap3A_370 = arith.constant 64 : index
        %swap3A_371 = tpu.vector_load %arg5[%swap3A_369, %swap3A_370] {strides = array<i32>} : memref<512x128xf32, #tpu.memory_space<vmem>>, vector<1x16xf32>,
        %swap3A_372 = vector.shape_cast %swap3A_371 : vector<1x16xf32> to vector<16xf32>
        %swap3A_373 = vector.shape_cast %broadcast_in_dim3A_3 : vector<16xf32> to vector<1x16xf32>
        tpu.vector_store %arg5[%swap3A_369, %swap3A_370], %swap3A_373 {add = true, strides = array<i32>} : memref<512x128xf32, #tpu.memory_space<vmem>>, vector<1x16xf32>,
        %slice3A_374 = vector.extract_strided_slice %get3A_340 {offsets = [5], sizes = [1], strides = [1]} : vector<16xi32> to vector<1xi32>
        %squeeze3A_375 = vector.extract %slice3A_374[0] : i32 from vector<1xi32>
        %swap3A_376 = arith.index_cast %squeeze3A_375 : i32 to index
        %swap3A_377 = arith.constant 80 : index
        %swap3A_378 = tpu.vector_load %arg5[%swap3A_376, %swap3A_377] {strides = array<i32>} : memref<512x128xf32, #tpu.memory_space<vmem>>, vector<1x16xf32>,
        %swap3A_379 = vector.shape_cast %swap3A_378 : vector<1x16xf32> to vector<16xf32>
        %swap3A_380 = vector.shape_cast %broadcast_in_dim3A_3 : vector<16xf32> to vector<1x16xf32>
        tpu.vector_store %arg5[%swap3A_376, %swap3A_377], %swap3A_380 {add = true, strides = array<i32>} : memref<512x128xf32, #tpu.memory_space<vmem>>, vector<1x16xf32>,
        %slice3A_381 = vector.extract_strided_slice %get3A_340 {offsets = [6], sizes = [1], strides = [1]} : vector<16xi32> to vector<1xi32>
        %squeeze3A_382 = vector.extract %slice3A_381[0] : i32 from vector<1xi32>
        %swap3A_383 = arith.index_cast %squeeze3A_382 : i32 to index
        %swap3A_384 = arith.constant 96 : index
        %swap3A_385 = tpu.vector_load %arg5[%swap3A_383, %swap3A_384] {strides = array<i32>} : memref<512x128xf32, #tpu.memory_space<vmem>>, vector<1x16xf32>,
        %swap3A_386 = vector.shape_cast %swap3A_385 : vector<1x16xf32> to vector<16xf32>
        %swap3A_387 = vector.shape_cast %broadcast_in_dim3A_3 : vector<16xf32> to vector<1x16xf32>
        tpu.vector_store %arg5[%swap3A_383, %swap3A_384], %swap3A_387 {add = true, strides = array<i32>} : memref<512x128xf32, #tpu.memory_space<vmem>>, vector<1x16xf32>,
        %slice3A_388 = vector.extract_strided_slice %get3A_340 {offsets = [7], sizes = [1], strides = [1]} : vector<16xi32> to vector<1xi32>
        %squeeze3A_389 = vector.extract %slice3A_388[0] : i32 from vector<1xi32>
        %swap3A_390 = arith.index_cast %squeeze3A_389 : i32 to index
        %swap3A_391 = arith.constant 112 : index
        %swap3A_392 = tpu.vector_load %arg5[%swap3A_390, %swap3A_391] {strides = array<i32>} : memref<512x128xf32, #tpu.memory_space<vmem>>, vector<1x16xf32>,
        %swap3A_393 = vector.shape_cast %swap3A_392 : vector<1x16xf32> to vector<16xf32>
        %swap3A_394 = vector.shape_cast %broadcast_in_dim3A_3 : vector<16xf32> to vector<1x16xf32>
        tpu.vector_store %arg5[%swap3A_390, %swap3A_391], %swap3A_394 {add = true, strides = array<i32>} : memref<512x128xf32, #tpu.memory_space<vmem>>, vector<1x16xf32>,
        %slice3A_395 = vector.extract_strided_slice %get3A_340 {offsets = [8], sizes = [1], strides = [1]} : vector<16xi32> to vector<1xi32>
        %squeeze3A_396 = vector.extract %slice3A_395[0] : i32 from vector<1xi32>
        %swap3A_397 = arith.index_cast %squeeze3A_396 : i32 to index
        %swap3A_398 = arith.constant 0 : index
        %swap3A_399 = tpu.vector_load %arg5[%swap3A_397, %swap3A_398] {strides = array<i32>} : memref<512x128xf32, #tpu.memory_space<vmem>>, vector<1x16xf32>,
        %swap3A_400 = vector.shape_cast %swap3A_399 : vector<1x16xf32> to vector<16xf32>
        %swap3A_401 = vector.shape_cast %broadcast_in_dim3A_3 : vector<16xf32> to vector<1x16xf32>
        tpu.vector_store %arg5[%swap3A_397, %swap3A_398], %swap3A_401 {add = true, strides = array<i32>} : memref<512x128xf32, #tpu.memory_space<vmem>>, vector<1x16xf32>,
        %slice3A_402 = vector.extract_strided_slice %get3A_340 {offsets = [9], sizes = [1], strides = [1]} : vector<16xi32> to vector<1xi32>
        %squeeze3A_403 = vector.extract %slice3A_402[0] : i32 from vector<1xi32>
        %swap3A_404 = arith.index_cast %squeeze3A_403 : i32 to index
        %swap3A_405 = arith.constant 16 : index
        %swap3A_406 = tpu.vector_load %arg5[%swap3A_404, %swap3A_405] {strides = array<i32>} : memref<512x128xf32, #tpu.memory_space<vmem>>, vector<1x16xf32>,
        %swap3A_407 = vector.shape_cast %swap3A_406 : vector<1x16xf32> to vector<16xf32>
        %swap3A_408 = vector.shape_cast %broadcast_in_dim3A_3 : vector<16xf32> to vector<1x16xf32>
        tpu.vector_store %arg5[%swap3A_404, %swap3A_405], %swap3A_408 {add = true, strides = array<i32>} : memref<512x128xf32, #tpu.memory_space<vmem>>, vector<1x16xf32>,
        %slice3A_409 = vector.extract_strided_slice %get3A_340 {offsets = [10], sizes = [1], strides = [1]} : vector<16xi32> to vector<1xi32>
        %squeeze3A_410 = vector.extract %slice3A_409[0] : i32 from vector<1xi32>
        %swap3A_411 = arith.index_cast %squeeze3A_410 : i32 to index
        %swap3A_412 = arith.constant 32 : index
        %swap3A_413 = tpu.vector_load %arg5[%swap3A_411, %swap3A_412] {strides = array<i32>} : memref<512x128xf32, #tpu.memory_space<vmem>>, vector<1x16xf32>,
        %swap3A_414 = vector.shape_cast %swap3A_413 : vector<1x16xf32> to vector<16xf32>
        %swap3A_415 = vector.shape_cast %broadcast_in_dim3A_3 : vector<16xf32> to vector<1x16xf32>
        tpu.vector_store %arg5[%swap3A_411, %swap3A_412], %swap3A_415 {add = true, strides = array<i32>} : memref<512x128xf32, #tpu.memory_space<vmem>>, vector<1x16xf32>,
        %slice3A_416 = vector.extract_strided_slice %get3A_340 {offsets = [11], sizes = [1], strides = [1]} : vector<16xi32> to vector<1xi32>
        %squeeze3A_417 = vector.extract %slice3A_416[0] : i32 from vector<1xi32>
        %swap3A_418 = arith.index_cast %squeeze3A_417 : i32 to index
        %swap3A_419 = arith.constant 48 : index
        %swap3A_420 = tpu.vector_load %arg5[%swap3A_418, %swap3A_419] {strides = array<i32>} : memref<512x128xf32, #tpu.memory_space<vmem>>, vector<1x16xf32>,
        %swap3A_421 = vector.shape_cast %swap3A_420 : vector<1x16xf32> to vector<16xf32>
        %swap3A_422 = vector.shape_cast %broadcast_in_dim3A_3 : vector<16xf32> to vector<1x16xf32>
        tpu.vector_store %arg5[%swap3A_418, %swap3A_419], %swap3A_422 {add = true, strides = array<i32>} : memref<512x128xf32, #tpu.memory_space<vmem>>, vector<1x16xf32>,
        %slice3A_423 = vector.extract_strided_slice %get3A_340 {offsets = [12], sizes = [1], strides = [1]} : vector<16xi32> to vector<1xi32>
        %squeeze3A_424 = vector.extract %slice3A_423[0] : i32 from vector<1xi32>
        %swap3A_425 = arith.index_cast %squeeze3A_424 : i32 to index
        %swap3A_426 = arith.constant 64 : index
        %swap3A_427 = tpu.vector_load %arg5[%swap3A_425, %swap3A_426] {strides = array<i32>} : memref<512x128xf32, #tpu.memory_space<vmem>>, vector<1x16xf32>,
        %swap3A_428 = vector.shape_cast %swap3A_427 : vector<1x16xf32> to vector<16xf32>
        %swap3A_429 = vector.shape_cast %broadcast_in_dim3A_3 : vector<16xf32> to vector<1x16xf32>
        tpu.vector_store %arg5[%swap3A_425, %swap3A_426], %swap3A_429 {add = true, strides = array<i32>} : memref<512x128xf32, #tpu.memory_space<vmem>>, vector<1x16xf32>,
        %slice3A_430 = vector.extract_strided_slice %get3A_340 {offsets = [13], sizes = [1], strides = [1]} : vector<16xi32> to vector<1xi32>
        %squeeze3A_431 = vector.extract %slice3A_430[0] : i32 from vector<1xi32>
        %swap3A_432 = arith.index_cast %squeeze3A_431 : i32 to index
        %swap3A_433 = arith.constant 80 : index
        %swap3A_434 = tpu.vector_load %arg5[%swap3A_432, %swap3A_433] {strides = array<i32>} : memref<512x128xf32, #tpu.memory_space<vmem>>, vector<1x16xf32>,
        %swap3A_435 = vector.shape_cast %swap3A_434 : vector<1x16xf32> to vector<16xf32>
        %swap3A_436 = vector.shape_cast %broadcast_in_dim3A_3 : vector<16xf32> to vector<1x16xf32>
        tpu.vector_store %arg5[%swap3A_432, %swap3A_433], %swap3A_436 {add = true, strides = array<i32>} : memref<512x128xf32, #tpu.memory_space<vmem>>, vector<1x16xf32>,
        %slice3A_437 = vector.extract_strided_slice %get3A_340 {offsets = [14], sizes = [1], strides = [1]} : vector<16xi32> to vector<1xi32>
        %squeeze3A_438 = vector.extract %slice3A_437[0] : i32 from vector<1xi32>
        %swap3A_439 = arith.index_cast %squeeze3A_438 : i32 to index
        %swap3A_440 = arith.constant 96 : index
        %swap3A_441 = tpu.vector_load %arg5[%swap3A_439, %swap3A_440] {strides = array<i32>} : memref<512x128xf32, #tpu.memory_space<vmem>>, vector<1x16xf32>,
        %swap3A_442 = vector.shape_cast %swap3A_441 : vector<1x16xf32> to vector<16xf32>
        %swap3A_443 = vector.shape_cast %broadcast_in_dim3A_3 : vector<16xf32> to vector<1x16xf32>
        tpu.vector_store %arg5[%swap3A_439, %swap3A_440], %swap3A_443 {add = true, strides = array<i32>} : memref<512x128xf32, #tpu.memory_space<vmem>>, vector<1x16xf32>,
        %slice3A_444 = vector.extract_strided_slice %get3A_340 {offsets = [15], sizes = [1], strides = [1]} : vector<16xi32> to vector<1xi32>
        %squeeze3A_445 = vector.extract %slice3A_444[0] : i32 from vector<1xi32>
        %swap3A_446 = arith.index_cast %squeeze3A_445 : i32 to index
        %swap3A_447 = arith.constant 112 : index
        %swap3A_448 = tpu.vector_load %arg5[%swap3A_446, %swap3A_447] {strides = array<i32>} : memref<512x128xf32, #tpu.memory_space<vmem>>, vector<1x16xf32>,
        %swap3A_449 = vector.shape_cast %swap3A_448 : vector<1x16xf32> to vector<16xf32>
        %swap3A_450 = vector.shape_cast %broadcast_in_dim3A_3 : vector<16xf32> to vector<1x16xf32>
        tpu.vector_store %arg5[%swap3A_446, %swap3A_447], %swap3A_450 {add = true, strides = array<i32>} : memref<512x128xf32, #tpu.memory_space<vmem>>, vector<1x16xf32>,
      }
      %scan3A_335 = arith.constant 16 : i32
    } else {
    }
    %barrier3A_311 = arith.constant 0 : index
    tpu.barrier barrier_id(%barrier3A_311)
    %run_scoped3A = arith.constant 0 : i32
    "tpu.region"() ({
      %run_scoped3A_330 = tpu.sem_alloc : memref<!tpu.dma_semaphore, #tpu.memory_space<semaphore_mem>>
      %dma_start3A = arith.constant 0 : i32
      %dma_start3A_331 = arith.constant 0 : i32
      %dma_start3A_332 = tpu.memref_slice %arg5[%dma_start3A, %dma_start3A_331] : memref<512x128xf32, #tpu.memory_space<vmem>> -> memref<128x128xf32, #tpu.memory_space<vmem>>
      %dma_start3A_333 = arith.constant 0 : i32
      %dma_start3A_334 = tpu.memref_slice %arg7[%run_scoped3A, %dma_start3A_333] : memref<4x128xi32, #tpu.memory_space<vmem>> -> memref<1x128xi32, #tpu.memory_space<vmem>>
      %dma_start3A_335 = tpu.memref_squeeze %dma_start3A_334 : memref<1x128xi32, #tpu.memory_space<vmem>> -> memref<128xi32, #tpu.memory_space<vmem>>
      %dma_start3A_336 = arith.constant 0 : i32
      %dma_start3A_337 = arith.constant 0 : i32
      %dma_start3A_338 = tpu.memref_slice %arg8[%dma_start3A_336, %dma_start3A_337] : memref<512x128xf32, #tpu.memory_space<vmem_shared>> -> memref<512x128xf32, #tpu.memory_space<vmem_shared>>
      tpu.enqueue_indirect_dma source(%dma_start3A_332 : memref<128x128xf32, #tpu.memory_space<vmem>>) target(%dma_start3A_338 : memref<512x128xf32, #tpu.memory_space<vmem_shared>>) offsets(%dma_start3A_335 : memref<128xi32, #tpu.memory_space<vmem>>) semaphore(%run_scoped3A_330 : memref<!tpu.dma_semaphore, #tpu.memory_space<semaphore_mem>>) {add = true}
      %dma_wait3A = arith.constant 0 : i32
      %dma_wait3A_339 = arith.constant 0 : i32
      %dma_wait3A_340 = tpu.memref_slice %arg5[%dma_wait3A, %dma_wait3A_339] : memref<512x128xf32, #tpu.memory_space<vmem>> -> memref<128x128xf32, #tpu.memory_space<vmem>>
      %dma_wait3A_341 = arith.constant 0 : i32
      %dma_wait3A_342 = tpu.memref_slice %arg7[%run_scoped3A, %dma_wait3A_341] : memref<4x128xi32, #tpu.memory_space<vmem>> -> memref<1x128xi32, #tpu.memory_space<vmem>>
      %dma_wait3A_343 = tpu.memref_squeeze %dma_wait3A_342 : memref<1x128xi32, #tpu.memory_space<vmem>> -> memref<128xi32, #tpu.memory_space<vmem>>
      %dma_wait3A_344 = arith.constant 0 : i32
      %dma_wait3A_345 = arith.constant 0 : i32
      %dma_wait3A_346 = tpu.memref_slice %arg8[%dma_wait3A_344, %dma_wait3A_345] : memref<512x128xf32, #tpu.memory_space<vmem_shared>> -> memref<512x128xf32, #tpu.memory_space<vmem_shared>>
      tpu.wait_indirect_dma semaphore(%run_scoped3A_330 : memref<!tpu.dma_semaphore, #tpu.memory_space<semaphore_mem>>) src(%dma_wait3A_340 : memref<128x128xf32, #tpu.memory_space<vmem>>) dst(%dma_wait3A_346 : memref<512x128xf32, #tpu.memory_space<vmem_shared>>)
      tpu.yield
    }) : () -> ()
    %run_scoped3A_312 = arith.constant 1 : i32
    "tpu.region"() ({
      %run_scoped3A_330 = tpu.sem_alloc : memref<!tpu.dma_semaphore, #tpu.memory_space<semaphore_mem>>
      %dma_start3A = arith.constant 128 : i32
      %dma_start3A_331 = arith.constant 0 : i32
      %dma_start3A_332 = tpu.memref_slice %arg5[%dma_start3A, %dma_start3A_331] : memref<512x128xf32, #tpu.memory_space<vmem>> -> memref<128x128xf32, #tpu.memory_space<vmem>>
      %dma_start3A_333 = arith.constant 0 : i32
      %dma_start3A_334 = tpu.memref_slice %arg7[%run_scoped3A_312, %dma_start3A_333] : memref<4x128xi32, #tpu.memory_space<vmem>> -> memref<1x128xi32, #tpu.memory_space<vmem>>
      %dma_start3A_335 = tpu.memref_squeeze %dma_start3A_334 : memref<1x128xi32, #tpu.memory_space<vmem>> -> memref<128xi32, #tpu.memory_space<vmem>>
      %dma_start3A_336 = arith.constant 0 : i32
      %dma_start3A_337 = arith.constant 0 : i32
      %dma_start3A_338 = tpu.memref_slice %arg8[%dma_start3A_336, %dma_start3A_337] : memref<512x128xf32, #tpu.memory_space<vmem_shared>> -> memref<512x128xf32, #tpu.memory_space<vmem_shared>>
      tpu.enqueue_indirect_dma source(%dma_start3A_332 : memref<128x128xf32, #tpu.memory_space<vmem>>) target(%dma_start3A_338 : memref<512x128xf32, #tpu.memory_space<vmem_shared>>) offsets(%dma_start3A_335 : memref<128xi32, #tpu.memory_space<vmem>>) semaphore(%run_scoped3A_330 : memref<!tpu.dma_semaphore, #tpu.memory_space<semaphore_mem>>) {add = true}
      %dma_wait3A = arith.constant 128 : i32
      %dma_wait3A_339 = arith.constant 0 : i32
      %dma_wait3A_340 = tpu.memref_slice %arg5[%dma_wait3A, %dma_wait3A_339] : memref<512x128xf32, #tpu.memory_space<vmem>> -> memref<128x128xf32, #tpu.memory_space<vmem>>
      %dma_wait3A_341 = arith.constant 0 : i32
      %dma_wait3A_342 = tpu.memref_slice %arg7[%run_scoped3A_312, %dma_wait3A_341] : memref<4x128xi32, #tpu.memory_space<vmem>> -> memref<1x128xi32, #tpu.memory_space<vmem>>
      %dma_wait3A_343 = tpu.memref_squeeze %dma_wait3A_342 : memref<1x128xi32, #tpu.memory_space<vmem>> -> memref<128xi32, #tpu.memory_space<vmem>>
      %dma_wait3A_344 = arith.constant 0 : i32
      %dma_wait3A_345 = arith.constant 0 : i32
      %dma_wait3A_346 = tpu.memref_slice %arg8[%dma_wait3A_344, %dma_wait3A_345] : memref<512x128xf32, #tpu.memory_space<vmem_shared>> -> memref<512x128xf32, #tpu.memory_space<vmem_shared>>
      tpu.wait_indirect_dma semaphore(%run_scoped3A_330 : memref<!tpu.dma_semaphore, #tpu.memory_space<semaphore_mem>>) src(%dma_wait3A_340 : memref<128x128xf32, #tpu.memory_space<vmem>>) dst(%dma_wait3A_346 : memref<512x128xf32, #tpu.memory_space<vmem_shared>>)
      tpu.yield
    }) : () -> ()
    %run_scoped3A_313 = arith.constant 2 : i32
    "tpu.region"() ({
      %run_scoped3A_330 = tpu.sem_alloc : memref<!tpu.dma_semaphore, #tpu.memory_space<semaphore_mem>>
      %dma_start3A = arith.constant 256 : i32
      %dma_start3A_331 = arith.constant 0 : i32
      %dma_start3A_332 = tpu.memref_slice %arg5[%dma_start3A, %dma_start3A_331] : memref<512x128xf32, #tpu.memory_space<vmem>> -> memref<128x128xf32, #tpu.memory_space<vmem>>
      %dma_start3A_333 = arith.constant 0 : i32
      %dma_start3A_334 = tpu.memref_slice %arg7[%run_scoped3A_313, %dma_start3A_333] : memref<4x128xi32, #tpu.memory_space<vmem>> -> memref<1x128xi32, #tpu.memory_space<vmem>>
      %dma_start3A_335 = tpu.memref_squeeze %dma_start3A_334 : memref<1x128xi32, #tpu.memory_space<vmem>> -> memref<128xi32, #tpu.memory_space<vmem>>
      %dma_start3A_336 = arith.constant 0 : i32
      %dma_start3A_337 = arith.constant 0 : i32
      %dma_start3A_338 = tpu.memref_slice %arg8[%dma_start3A_336, %dma_start3A_337] : memref<512x128xf32, #tpu.memory_space<vmem_shared>> -> memref<512x128xf32, #tpu.memory_space<vmem_shared>>
      tpu.enqueue_indirect_dma source(%dma_start3A_332 : memref<128x128xf32, #tpu.memory_space<vmem>>) target(%dma_start3A_338 : memref<512x128xf32, #tpu.memory_space<vmem_shared>>) offsets(%dma_start3A_335 : memref<128xi32, #tpu.memory_space<vmem>>) semaphore(%run_scoped3A_330 : memref<!tpu.dma_semaphore, #tpu.memory_space<semaphore_mem>>) {add = true}
      %dma_wait3A = arith.constant 256 : i32
      %dma_wait3A_339 = arith.constant 0 : i32
      %dma_wait3A_340 = tpu.memref_slice %arg5[%dma_wait3A, %dma_wait3A_339] : memref<512x128xf32, #tpu.memory_space<vmem>> -> memref<128x128xf32, #tpu.memory_space<vmem>>
      %dma_wait3A_341 = arith.constant 0 : i32
      %dma_wait3A_342 = tpu.memref_slice %arg7[%run_scoped3A_313, %dma_wait3A_341] : memref<4x128xi32, #tpu.memory_space<vmem>> -> memref<1x128xi32, #tpu.memory_space<vmem>>
      %dma_wait3A_343 = tpu.memref_squeeze %dma_wait3A_342 : memref<1x128xi32, #tpu.memory_space<vmem>> -> memref<128xi32, #tpu.memory_space<vmem>>
      %dma_wait3A_344 = arith.constant 0 : i32
      %dma_wait3A_345 = arith.constant 0 : i32
      %dma_wait3A_346 = tpu.memref_slice %arg8[%dma_wait3A_344, %dma_wait3A_345] : memref<512x128xf32, #tpu.memory_space<vmem_shared>> -> memref<512x128xf32, #tpu.memory_space<vmem_shared>>
      tpu.wait_indirect_dma semaphore(%run_scoped3A_330 : memref<!tpu.dma_semaphore, #tpu.memory_space<semaphore_mem>>) src(%dma_wait3A_340 : memref<128x128xf32, #tpu.memory_space<vmem>>) dst(%dma_wait3A_346 : memref<512x128xf32, #tpu.memory_space<vmem_shared>>)
      tpu.yield
    }) : () -> ()
    %run_scoped3A_314 = arith.constant 3 : i32
    "tpu.region"() ({
      %run_scoped3A_330 = tpu.sem_alloc : memref<!tpu.dma_semaphore, #tpu.memory_space<semaphore_mem>>
      %dma_start3A = arith.constant 384 : i32
      %dma_start3A_331 = arith.constant 0 : i32
      %dma_start3A_332 = tpu.memref_slice %arg5[%dma_start3A, %dma_start3A_331] : memref<512x128xf32, #tpu.memory_space<vmem>> -> memref<128x128xf32, #tpu.memory_space<vmem>>
      %dma_start3A_333 = arith.constant 0 : i32
      %dma_start3A_334 = tpu.memref_slice %arg7[%run_scoped3A_314, %dma_start3A_333] : memref<4x128xi32, #tpu.memory_space<vmem>> -> memref<1x128xi32, #tpu.memory_space<vmem>>
      %dma_start3A_335 = tpu.memref_squeeze %dma_start3A_334 : memref<1x128xi32, #tpu.memory_space<vmem>> -> memref<128xi32, #tpu.memory_space<vmem>>
      %dma_start3A_336 = arith.constant 0 : i32
      %dma_start3A_337 = arith.constant 0 : i32
      %dma_start3A_338 = tpu.memref_slice %arg8[%dma_start3A_336, %dma_start3A_337] : memref<512x128xf32, #tpu.memory_space<vmem_shared>> -> memref<512x128xf32, #tpu.memory_space<vmem_shared>>
      tpu.enqueue_indirect_dma source(%dma_start3A_332 : memref<128x128xf32, #tpu.memory_space<vmem>>) target(%dma_start3A_338 : memref<512x128xf32, #tpu.memory_space<vmem_shared>>) offsets(%dma_start3A_335 : memref<128xi32, #tpu.memory_space<vmem>>) semaphore(%run_scoped3A_330 : memref<!tpu.dma_semaphore, #tpu.memory_space<semaphore_mem>>) {add = true}
      %dma_wait3A = arith.constant 384 : i32
      %dma_wait3A_339 = arith.constant 0 : i32
      %dma_wait3A_340 = tpu.memref_slice %arg5[%dma_wait3A, %dma_wait3A_339] : memref<512x128xf32, #tpu.memory_space<vmem>> -> memref<128x128xf32, #tpu.memory_space<vmem>>
      %dma_wait3A_341 = arith.constant 0 : i32
      %dma_wait3A_342 = tpu.memref_slice %arg7[%run_scoped3A_314, %dma_wait3A_341] : memref<4x128xi32, #tpu.memory_space<vmem>> -> memref<1x128xi32, #tpu.memory_space<vmem>>
      %dma_wait3A_343 = tpu.memref_squeeze %dma_wait3A_342 : memref<1x128xi32, #tpu.memory_space<vmem>> -> memref<128xi32, #tpu.memory_space<vmem>>
      %dma_wait3A_344 = arith.constant 0 : i32
      %dma_wait3A_345 = arith.constant 0 : i32
      %dma_wait3A_346 = tpu.memref_slice %arg8[%dma_wait3A_344, %dma_wait3A_345] : memref<512x128xf32, #tpu.memory_space<vmem_shared>> -> memref<512x128xf32, #tpu.memory_space<vmem_shared>>
      tpu.wait_indirect_dma semaphore(%run_scoped3A_330 : memref<!tpu.dma_semaphore, #tpu.memory_space<semaphore_mem>>) src(%dma_wait3A_340 : memref<128x128xf32, #tpu.memory_space<vmem>>) dst(%dma_wait3A_346 : memref<512x128xf32, #tpu.memory_space<vmem_shared>>)
      tpu.yield
    }) : () -> ()
    %barrier3A_315 = arith.constant 0 : index
    tpu.barrier barrier_id(%barrier3A_315)
    %eq3A_316 = arith.constant 0 : i32
    %eq3A_317 = arith.cmpi eq, %arg1, %eq3A_316 : i32
    %eq3A_318 = arith.constant 0 : i32
    %eq3A_319 = arith.cmpi eq, %arg0, %eq3A_318 : i32
    %and3A = arith.andi %eq3A_317, %eq3A_319 : i1
    %convert_element_type3A_320 = arith.extui %and3A : i1 to i32
    %cond3A_321 = arith.constant 0 : i32
    %cond3A_322 = arith.cmpi ne, %convert_element_type3A_320, %cond3A_321 : i32
    scf.if %cond3A_322 {
      "tpu.region"() ({
        %run_scoped3A_330 = tpu.sem_alloc : memref<!tpu.dma_semaphore, #tpu.memory_space<semaphore_mem>>
        tpu.enqueue_dma source(%arg8 : memref<512x128xf32, #tpu.memory_space<vmem_shared>>) target(%arg3 : memref<512x128xf32, #tpu.memory_space<hbm>>) target_semaphore(%run_scoped3A_330 : memref<!tpu.dma_semaphore, #tpu.memory_space<semaphore_mem>>)
        tpu.wait_dma2 semaphore(%run_scoped3A_330 : memref<!tpu.dma_semaphore, #tpu.memory_space<semaphore_mem>>) src(%arg8 : memref<512x128xf32, #tpu.memory_space<vmem_shared>>) dst(%arg3 : memref<512x128xf32, #tpu.memory_space<hbm>>)
        tpu.yield
      }) : () -> ()
    } else {
    }
    %eq3A_323 = arith.constant 0 : i32
    %eq3A_324 = arith.cmpi eq, %arg1, %eq3A_323 : i32
    %ne3A = arith.constant 0 : i32
    %ne3A_325 = arith.cmpi ne, %arg0, %ne3A : i32
    %and3A_326 = arith.andi %eq3A_324, %ne3A_325 : i1
    %convert_element_type3A_327 = arith.extui %and3A_326 : i1 to i32
    %cond3A_328 = arith.constant 0 : i32
    %cond3A_329 = arith.cmpi ne, %convert_element_type3A_327, %cond3A_328 : i32
    scf.if %cond3A_329 {
      "tpu.region"() ({
        %run_scoped3A_330 = tpu.sem_alloc : memref<!tpu.dma_semaphore, #tpu.memory_space<semaphore_mem>>
        tpu.enqueue_dma source(%arg8 : memref<512x128xf32, #tpu.memory_space<vmem_shared>>) target(%arg4 : memref<512x128xf32, #tpu.memory_space<hbm>>) target_semaphore(%run_scoped3A_330 : memref<!tpu.dma_semaphore, #tpu.memory_space<semaphore_mem>>)
        tpu.wait_dma2 semaphore(%run_scoped3A_330 : memref<!tpu.dma_semaphore, #tpu.memory_space<semaphore_mem>>) src(%arg8 : memref<512x128xf32, #tpu.memory_space<vmem_shared>>) dst(%arg4 : memref<512x128xf32, #tpu.memory_space<hbm>>)
        tpu.yield
      }) : () -> ()
    } else {
    }
    return
  }
}

module attributes {stable_mosaic.version = 14 : i64} {
  func.func @_stats_body(%arg0: i32, %arg1: memref<1280x128xf32, #tpu.memory_space<vmem>>, %arg2: memref<1280x1xi32, #tpu.memory_space<vmem>>, %arg3: memref<128x128xf32, #tpu.memory_space<vmem>>, %arg4: memref<1x128xf32, #tpu.memory_space<vmem>>, %arg5: memref<1x128xf32, #tpu.memory_space<vmem>>, %arg6: memref<1x128xf32, #tpu.memory_space<vmem>>, %arg7: memref<512x128xf32, #tpu.memory_space<vmem>>, %arg8: memref<512x128xf32, #tpu.memory_space<vmem>>, %arg9: memref<512x1xf32, #tpu.memory_space<vmem>>, %arg10: memref<544x128xf32, #tpu.memory_space<vmem>>, %arg11: memref<544x128xf32, #tpu.memory_space<vmem>>, %arg12: memref<544x1xf32, #tpu.memory_space<vmem>>) attributes {dimension_semantics = [#tpu.dimension_semantics<arbitrary>], iteration_bounds = array<i64: 125>, scalar_prefetch = 0 : i64, scratch_operands = 3 : i64, tpu.core_type = #tpu.core_type<tc>, window_params = [{transform_indices = @transform_0, window_bounds = array<i64: 1280, 128>}, {transform_indices = @transform_1, window_bounds = array<i64: 1280, 1>}, {pipeline_mode = #tpu.pipeline_mode<synchronous>, transform_indices = @transform_2, window_bounds = array<i64: 128, 128>}, {pipeline_mode = #tpu.pipeline_mode<synchronous>, transform_indices = @transform_3, window_bounds = array<i64: 1, 128>}, {pipeline_mode = #tpu.pipeline_mode<synchronous>, transform_indices = @transform_4, window_bounds = array<i64: 1, 128>}, {pipeline_mode = #tpu.pipeline_mode<synchronous>, transform_indices = @transform_5, window_bounds = array<i64: 1, 128>}, {pipeline_mode = #tpu.pipeline_mode<synchronous>, transform_indices = @transform_6, window_bounds = array<i64: 512, 128>}, {pipeline_mode = #tpu.pipeline_mode<synchronous>, transform_indices = @transform_7, window_bounds = array<i64: 512, 128>}, {pipeline_mode = #tpu.pipeline_mode<synchronous>, transform_indices = @transform_8, window_bounds = array<i64: 512, 1>}]} {
    %eq3A = arith.constant 0 : i32
    %eq3A_0 = arith.cmpi eq, %arg0, %eq3A : i32
    %convert_element_type3A = arith.extui %eq3A_0 : i1 to i32
    %cond3A = arith.constant 0 : i32
    %cond3A_1 = arith.cmpi ne, %convert_element_type3A, %cond3A : i32
    scf.if %cond3A_1 {
      %broadcast_in_dim3A_74 = arith.constant 0.000000e+00 : f32
      %broadcast_in_dim3A_75 = vector.broadcast %broadcast_in_dim3A_74 : f32 to vector<1x128xf32>
      %swap3A_76 = arith.constant 0 : index
      %swap3A_77 = arith.constant 0 : index
      %swap3A_78 = vector.load %arg5[%swap3A_76, %swap3A_77] : memref<1x128xf32, #tpu.memory_space<vmem>>, vector<1x128xf32>
      tpu.vector_store %arg5[%swap3A_76, %swap3A_77], %broadcast_in_dim3A_75 {strides = array<i32>} : memref<1x128xf32, #tpu.memory_space<vmem>>, vector<1x128xf32>,
      %broadcast_in_dim3A_79 = arith.constant 0.000000e+00 : f32
      %broadcast_in_dim3A_80 = vector.broadcast %broadcast_in_dim3A_79 : f32 to vector<1x128xf32>
      %swap3A_81 = arith.constant 0 : index
      %swap3A_82 = arith.constant 0 : index
      %swap3A_83 = vector.load %arg6[%swap3A_81, %swap3A_82] : memref<1x128xf32, #tpu.memory_space<vmem>>, vector<1x128xf32>
      tpu.vector_store %arg6[%swap3A_81, %swap3A_82], %broadcast_in_dim3A_80 {strides = array<i32>} : memref<1x128xf32, #tpu.memory_space<vmem>>, vector<1x128xf32>,
      %broadcast_in_dim3A_84 = arith.constant 0.000000e+00 : f32
      %broadcast_in_dim3A_85 = vector.broadcast %broadcast_in_dim3A_84 : f32 to vector<544x128xf32>
      %swap3A_86 = arith.constant 0 : index
      %swap3A_87 = arith.constant 0 : index
      %swap3A_88 = vector.load %arg10[%swap3A_86, %swap3A_87] : memref<544x128xf32, #tpu.memory_space<vmem>>, vector<544x128xf32>
      tpu.vector_store %arg10[%swap3A_86, %swap3A_87], %broadcast_in_dim3A_85 {strides = array<i32>} : memref<544x128xf32, #tpu.memory_space<vmem>>, vector<544x128xf32>,
      %broadcast_in_dim3A_89 = arith.constant 0.000000e+00 : f32
      %broadcast_in_dim3A_90 = vector.broadcast %broadcast_in_dim3A_89 : f32 to vector<544x128xf32>
      %swap3A_91 = arith.constant 0 : index
      %swap3A_92 = arith.constant 0 : index
      %swap3A_93 = vector.load %arg11[%swap3A_91, %swap3A_92] : memref<544x128xf32, #tpu.memory_space<vmem>>, vector<544x128xf32>
      tpu.vector_store %arg11[%swap3A_91, %swap3A_92], %broadcast_in_dim3A_90 {strides = array<i32>} : memref<544x128xf32, #tpu.memory_space<vmem>>, vector<544x128xf32>,
      %broadcast_in_dim3A_94 = arith.constant 0.000000e+00 : f32
      %broadcast_in_dim3A_95 = vector.broadcast %broadcast_in_dim3A_94 : f32 to vector<544x1xf32>
      %swap3A_96 = arith.constant 0 : index
      %swap3A_97 = arith.constant 0 : index
      %swap3A_98 = vector.load %arg12[%swap3A_96, %swap3A_97] : memref<544x1xf32, #tpu.memory_space<vmem>>, vector<544x1xf32>
      tpu.vector_store %arg12[%swap3A_96, %swap3A_97], %broadcast_in_dim3A_95 {strides = array<i32>} : memref<544x1xf32, #tpu.memory_space<vmem>>, vector<544x1xf32>,
    } else {
    }
    %get3A = arith.constant 0 : index
    %get3A_2 = arith.constant 0 : index
    %get3A_3 = vector.load %arg1[%get3A, %get3A_2] : memref<1280x128xf32, #tpu.memory_space<vmem>>, vector<1280x128xf32>
    %get3A_4 = arith.constant 0 : index
    %get3A_5 = arith.constant 0 : index
    %get3A_6 = vector.load %arg3[%get3A_4, %get3A_5] : memref<128x128xf32, #tpu.memory_space<vmem>>, vector<128x128xf32>
    %dot_general3A = arith.constant dense<0.000000e+00> : vector<1280x128xf32>
    %dot_general3A_7 = tpu.matmul %get3A_3, %get3A_6, %dot_general3A {dimension_numbers = #tpu.dot_dimension_numbers<[1], [0], [0], [1], [0, 0, 1, 1], [], []>, transpose_lhs_hint = false} : vector<1280x128xf32>, vector<128x128xf32>, vector<1280x128xf32> -> vector<1280x128xf32>
    %get3A_8 = arith.constant 0 : index
    %get3A_9 = arith.constant 0 : index
    %get3A_10 = vector.load %arg4[%get3A_8, %get3A_9] : memref<1x128xf32, #tpu.memory_space<vmem>>, vector<1x128xf32>
    %add3A = vector.broadcast %get3A_10 : vector<1x128xf32> to vector<1280x128xf32>
    %add3A_11 = arith.addf %dot_general3A_7, %add3A : vector<1280x128xf32>
    %get3A_12 = arith.constant 0 : index
    %get3A_13 = arith.constant 0 : index
    %get3A_14 = vector.load %arg5[%get3A_12, %get3A_13] : memref<1x128xf32, #tpu.memory_space<vmem>>, vector<1x128xf32>
    %reduce_sum3A = arith.constant dense<0.000000e+00> : vector<128xf32>
    %reduce_sum3A_15 = vector.multi_reduction <add>, %add3A_11, %reduce_sum3A [0] : vector<1280x128xf32> to vector<128xf32>
    %broadcast_in_dim3A = vector.shape_cast %reduce_sum3A_15 : vector<128xf32> to vector<1x128xf32>
    %add3A_16 = arith.addf %get3A_14, %broadcast_in_dim3A : vector<1x128xf32>
    %swap3A = arith.constant 0 : index
    %swap3A_17 = arith.constant 0 : index
    %swap3A_18 = vector.load %arg5[%swap3A, %swap3A_17] : memref<1x128xf32, #tpu.memory_space<vmem>>, vector<1x128xf32>
    tpu.vector_store %arg5[%swap3A, %swap3A_17], %add3A_16 {strides = array<i32>} : memref<1x128xf32, #tpu.memory_space<vmem>>, vector<1x128xf32>,
    %get3A_19 = arith.constant 0 : index
    %get3A_20 = arith.constant 0 : index
    %get3A_21 = vector.load %arg6[%get3A_19, %get3A_20] : memref<1x128xf32, #tpu.memory_space<vmem>>, vector<1x128xf32>
    %mul3A = arith.mulf %add3A_11, %add3A_11 : vector<1280x128xf32>
    %reduce_sum3A_22 = arith.constant dense<0.000000e+00> : vector<128xf32>
    %reduce_sum3A_23 = vector.multi_reduction <add>, %mul3A, %reduce_sum3A_22 [0] : vector<1280x128xf32> to vector<128xf32>
    %broadcast_in_dim3A_24 = vector.shape_cast %reduce_sum3A_23 : vector<128xf32> to vector<1x128xf32>
    %add3A_25 = arith.addf %get3A_21, %broadcast_in_dim3A_24 : vector<1x128xf32>
    %swap3A_26 = arith.constant 0 : index
    %swap3A_27 = arith.constant 0 : index
    %swap3A_28 = vector.load %arg6[%swap3A_26, %swap3A_27] : memref<1x128xf32, #tpu.memory_space<vmem>>, vector<1x128xf32>
    tpu.vector_store %arg6[%swap3A_26, %swap3A_27], %add3A_25 {strides = array<i32>} : memref<1x128xf32, #tpu.memory_space<vmem>>, vector<1x128xf32>,
    %get3A_29 = arith.constant 0 : index
    %get3A_30 = arith.constant 0 : index
    %get3A_31 = vector.load %arg2[%get3A_29, %get3A_30] : memref<1280x1xi32, #tpu.memory_space<vmem>>, vector<1280x1xi32>
    %mul3A_32 = arith.mulf %get3A_3, %get3A_3 : vector<1280x128xf32>
    %reduce_min3A = vector.shape_cast %get3A_31 : vector<1280x1xi32> to vector<1x1280x1xi32>
    %reduce_min3A_33 = arith.constant dense<2147483647> : vector<1xi32>
    %reduce_min3A_34 = vector.multi_reduction <minsi>, %reduce_min3A, %reduce_min3A_33 [1, 2] : vector<1x1280x1xi32> to vector<1xi32>
    %reduce_min3A_35 = vector.shape_cast %reduce_min3A_34 : vector<1xi32> to vector<1x1x1xi32>
    %reduce_min3A_36 = vector.extract %reduce_min3A_35[0, 0, 0] : i32 from vector<1x1x1xi32>
    %reduce_max3A = vector.shape_cast %get3A_31 : vector<1280x1xi32> to vector<1x1280x1xi32>
    %reduce_max3A_37 = arith.constant dense<-2147483648> : vector<1xi32>
    %reduce_max3A_38 = vector.multi_reduction <maxsi>, %reduce_max3A, %reduce_max3A_37 [1, 2] : vector<1x1280x1xi32> to vector<1xi32>
    %reduce_max3A_39 = vector.shape_cast %reduce_max3A_38 : vector<1xi32> to vector<1x1x1xi32>
    %reduce_max3A_40 = vector.extract %reduce_max3A_39[0, 0, 0] : i32 from vector<1x1x1xi32>
    %iota3A = tpu.iota {dimensions = array<i32: 1>} : vector<1x32xi32>
    %sub3A = arith.subi %reduce_max3A_40, %reduce_min3A_36 : i32
    %jit3A = arith.constant 32 : i32
    %div3A = arith.divsi %sub3A, %jit3A : i32
    %sign3A = arith.constant 0 : i32
    %sign3A_41 = arith.cmpi sgt, %sub3A, %sign3A : i32
    %sign3A_42 = arith.extui %sign3A_41 : i1 to i32
    %sign3A_43 = arith.constant 0 : i32
    %sign3A_44 = arith.cmpi slt, %sub3A, %sign3A_43 : i32
    %sign3A_45 = arith.extui %sign3A_44 : i1 to i32
    %sign3A_46 = arith.subi %sign3A_42, %sign3A_45 : i32
    %sign3A_47 = arith.constant 0 : i32
    %sign3A_48 = arith.cmpi sgt, %jit3A, %sign3A_47 : i32
    %sign3A_49 = arith.extui %sign3A_48 : i1 to i32
    %sign3A_50 = arith.constant 0 : i32
    %sign3A_51 = arith.cmpi slt, %jit3A, %sign3A_50 : i32
    %sign3A_52 = arith.extui %sign3A_51 : i1 to i32
    %sign3A_53 = arith.subi %sign3A_49, %sign3A_52 : i32
    %ne3A = arith.cmpi ne, %sign3A_46, %sign3A_53 : i32
    %rem3A = arith.remsi %sub3A, %jit3A : i32
    %ne3A_54 = arith.constant 0 : i32
    %ne3A_55 = arith.cmpi ne, %rem3A, %ne3A_54 : i32
    %and3A = arith.andi %ne3A, %ne3A_55 : i1
    %sub3A_56 = arith.constant 1 : i32
    %sub3A_57 = arith.subi %div3A, %sub3A_56 : i32
    %select_n3A = arith.select %and3A, %sub3A_57, %div3A : i32
    %add3A_58 = arith.constant 1 : i32
    %add3A_59 = arith.addi %select_n3A, %add3A_58 : i32
    %while3A = arith.constant 0 : i32
    %while3A_60 = arith.constant 0 : i32
    %while3A_61 = arith.subi %add3A_59, %while3A_60 : i32
    %while3A_62 = arith.addi %while3A_60, %while3A_61 : i32
    %while3A_63 = arith.constant 1 : i32
    %while3A_64 = arith.divsi %while3A_61, %while3A_63 : i32
    %while3A_65 = arith.muli %while3A_64, %while3A_63 : i32
    %while3A_66 = arith.addi %while3A_60, %while3A_65 : i32
    %while3A_67 = arith.constant 1 : i32
    scf.for %while3A_74 = %while3A_60 to %while3A_66 step %while3A_67  : i32 {
      %mul3A_75 = arith.constant 32 : i32
      %mul3A_76 = arith.muli %while3A_74, %mul3A_75 : i32
      %add3A_77 = arith.addi %reduce_min3A_36, %mul3A_76 : i32
      %sub3A_78 = vector.broadcast %add3A_77 : i32 to vector<1280x1xi32>
      %sub3A_79 = arith.subi %get3A_31, %sub3A_78 : vector<1280x1xi32>
      %eq3A_80 = vector.broadcast %sub3A_79 : vector<1280x1xi32> to vector<1280x32xi32>
      %eq3A_81 = vector.broadcast %iota3A : vector<1x32xi32> to vector<1280x32xi32>
      %eq3A_82 = arith.cmpi eq, %eq3A_80, %eq3A_81 : vector<1280x32xi32>
      %convert_element_type3A_83 = arith.extui %eq3A_82 : vector<1280x32xi1> to vector<1280x32xi32>
      %convert_element_type3A_84 = arith.sitofp %convert_element_type3A_83 : vector<1280x32xi32> to vector<1280x32xf32>
      %get3A_85 = arith.index_cast %add3A_77 : i32 to index
      %get3A_86 = arith.constant 0 : index
      %get3A_87 = vector.load %arg10[%get3A_85, %get3A_86] : memref<544x128xf32, #tpu.memory_space<vmem>>, vector<32x128xf32>
      %dot_general3A_88 = arith.constant dense<0.000000e+00> : vector<32x128xf32>
      %dot_general3A_89 = tpu.matmul %convert_element_type3A_84, %get3A_3, %dot_general3A_88 {dimension_numbers = #tpu.dot_dimension_numbers<[0], [0], [1], [1], [0, 1, 1, 1], [], []>, transpose_lhs_hint = false} : vector<1280x32xf32>, vector<1280x128xf32>, vector<32x128xf32> -> vector<32x128xf32>
      %add3A_90 = arith.addf %get3A_87, %dot_general3A_89 : vector<32x128xf32>
      %swap3A_91 = arith.index_cast %add3A_77 : i32 to index
      %swap3A_92 = arith.constant 0 : index
      %swap3A_93 = vector.load %arg10[%swap3A_91, %swap3A_92] : memref<544x128xf32, #tpu.memory_space<vmem>>, vector<32x128xf32>
      tpu.vector_store %arg10[%swap3A_91, %swap3A_92], %add3A_90 {strides = array<i32>} : memref<544x128xf32, #tpu.memory_space<vmem>>, vector<32x128xf32>,
      %get3A_94 = arith.index_cast %add3A_77 : i32 to index
      %get3A_95 = arith.constant 0 : index
      %get3A_96 = vector.load %arg11[%get3A_94, %get3A_95] : memref<544x128xf32, #tpu.memory_space<vmem>>, vector<32x128xf32>
      %dot_general3A_97 = arith.constant dense<0.000000e+00> : vector<32x128xf32>
      %dot_general3A_98 = tpu.matmul %convert_element_type3A_84, %mul3A_32, %dot_general3A_97 {dimension_numbers = #tpu.dot_dimension_numbers<[0], [0], [1], [1], [0, 1, 1, 1], [], []>, transpose_lhs_hint = false} : vector<1280x32xf32>, vector<1280x128xf32>, vector<32x128xf32> -> vector<32x128xf32>
      %add3A_99 = arith.addf %get3A_96, %dot_general3A_98 : vector<32x128xf32>
      %swap3A_100 = arith.index_cast %add3A_77 : i32 to index
      %swap3A_101 = arith.constant 0 : index
      %swap3A_102 = vector.load %arg11[%swap3A_100, %swap3A_101] : memref<544x128xf32, #tpu.memory_space<vmem>>, vector<32x128xf32>
      tpu.vector_store %arg11[%swap3A_100, %swap3A_101], %add3A_99 {strides = array<i32>} : memref<544x128xf32, #tpu.memory_space<vmem>>, vector<32x128xf32>,
      %get3A_103 = arith.index_cast %add3A_77 : i32 to index
      %get3A_104 = arith.constant 0 : index
      %get3A_105 = vector.load %arg12[%get3A_103, %get3A_104] : memref<544x1xf32, #tpu.memory_space<vmem>>, vector<32x1xf32>
      %broadcast_in_dim3A_106 = arith.constant 1.000000e+00 : f32
      %broadcast_in_dim3A_107 = vector.broadcast %broadcast_in_dim3A_106 : f32 to vector<1280x1xf32>
      %dot_general3A_108 = arith.constant dense<0.000000e+00> : vector<32x1xf32>
      %dot_general3A_109 = tpu.matmul %convert_element_type3A_84, %broadcast_in_dim3A_107, %dot_general3A_108 {dimension_numbers = #tpu.dot_dimension_numbers<[0], [0], [1], [1], [0, 1, 1, 1], [], []>, transpose_lhs_hint = false} : vector<1280x32xf32>, vector<1280x1xf32>, vector<32x1xf32> -> vector<32x1xf32>
      %add3A_110 = arith.addf %get3A_105, %dot_general3A_109 : vector<32x1xf32>
      %swap3A_111 = arith.index_cast %add3A_77 : i32 to index
      %swap3A_112 = arith.constant 0 : index
      %swap3A_113 = vector.load %arg12[%swap3A_111, %swap3A_112] : memref<544x1xf32, #tpu.memory_space<vmem>>, vector<32x1xf32>
      tpu.vector_store %arg12[%swap3A_111, %swap3A_112], %add3A_110 {strides = array<i32>} : memref<544x1xf32, #tpu.memory_space<vmem>>, vector<32x1xf32>,
    }
    %while3A_68 = arith.constant 1 : i32
    scf.for %while3A_74 = %while3A_66 to %while3A_62 step %while3A_68  : i32 {
      %mul3A_75 = arith.constant 32 : i32
      %mul3A_76 = arith.muli %while3A_74, %mul3A_75 : i32
      %add3A_77 = arith.addi %reduce_min3A_36, %mul3A_76 : i32
      %sub3A_78 = vector.broadcast %add3A_77 : i32 to vector<1280x1xi32>
      %sub3A_79 = arith.subi %get3A_31, %sub3A_78 : vector<1280x1xi32>
      %eq3A_80 = vector.broadcast %sub3A_79 : vector<1280x1xi32> to vector<1280x32xi32>
      %eq3A_81 = vector.broadcast %iota3A : vector<1x32xi32> to vector<1280x32xi32>
      %eq3A_82 = arith.cmpi eq, %eq3A_80, %eq3A_81 : vector<1280x32xi32>
      %convert_element_type3A_83 = arith.extui %eq3A_82 : vector<1280x32xi1> to vector<1280x32xi32>
      %convert_element_type3A_84 = arith.sitofp %convert_element_type3A_83 : vector<1280x32xi32> to vector<1280x32xf32>
      %get3A_85 = arith.index_cast %add3A_77 : i32 to index
      %get3A_86 = arith.constant 0 : index
      %get3A_87 = vector.load %arg10[%get3A_85, %get3A_86] : memref<544x128xf32, #tpu.memory_space<vmem>>, vector<32x128xf32>
      %dot_general3A_88 = arith.constant dense<0.000000e+00> : vector<32x128xf32>
      %dot_general3A_89 = tpu.matmul %convert_element_type3A_84, %get3A_3, %dot_general3A_88 {dimension_numbers = #tpu.dot_dimension_numbers<[0], [0], [1], [1], [0, 1, 1, 1], [], []>, transpose_lhs_hint = false} : vector<1280x32xf32>, vector<1280x128xf32>, vector<32x128xf32> -> vector<32x128xf32>
      %add3A_90 = arith.addf %get3A_87, %dot_general3A_89 : vector<32x128xf32>
      %swap3A_91 = arith.index_cast %add3A_77 : i32 to index
      %swap3A_92 = arith.constant 0 : index
      %swap3A_93 = vector.load %arg10[%swap3A_91, %swap3A_92] : memref<544x128xf32, #tpu.memory_space<vmem>>, vector<32x128xf32>
      tpu.vector_store %arg10[%swap3A_91, %swap3A_92], %add3A_90 {strides = array<i32>} : memref<544x128xf32, #tpu.memory_space<vmem>>, vector<32x128xf32>,
      %get3A_94 = arith.index_cast %add3A_77 : i32 to index
      %get3A_95 = arith.constant 0 : index
      %get3A_96 = vector.load %arg11[%get3A_94, %get3A_95] : memref<544x128xf32, #tpu.memory_space<vmem>>, vector<32x128xf32>
      %dot_general3A_97 = arith.constant dense<0.000000e+00> : vector<32x128xf32>
      %dot_general3A_98 = tpu.matmul %convert_element_type3A_84, %mul3A_32, %dot_general3A_97 {dimension_numbers = #tpu.dot_dimension_numbers<[0], [0], [1], [1], [0, 1, 1, 1], [], []>, transpose_lhs_hint = false} : vector<1280x32xf32>, vector<1280x128xf32>, vector<32x128xf32> -> vector<32x128xf32>
      %add3A_99 = arith.addf %get3A_96, %dot_general3A_98 : vector<32x128xf32>
      %swap3A_100 = arith.index_cast %add3A_77 : i32 to index
      %swap3A_101 = arith.constant 0 : index
      %swap3A_102 = vector.load %arg11[%swap3A_100, %swap3A_101] : memref<544x128xf32, #tpu.memory_space<vmem>>, vector<32x128xf32>
      tpu.vector_store %arg11[%swap3A_100, %swap3A_101], %add3A_99 {strides = array<i32>} : memref<544x128xf32, #tpu.memory_space<vmem>>, vector<32x128xf32>,
      %get3A_103 = arith.index_cast %add3A_77 : i32 to index
      %get3A_104 = arith.constant 0 : index
      %get3A_105 = vector.load %arg12[%get3A_103, %get3A_104] : memref<544x1xf32, #tpu.memory_space<vmem>>, vector<32x1xf32>
      %broadcast_in_dim3A_106 = arith.constant 1.000000e+00 : f32
      %broadcast_in_dim3A_107 = vector.broadcast %broadcast_in_dim3A_106 : f32 to vector<1280x1xf32>
      %dot_general3A_108 = arith.constant dense<0.000000e+00> : vector<32x1xf32>
      %dot_general3A_109 = tpu.matmul %convert_element_type3A_84, %broadcast_in_dim3A_107, %dot_general3A_108 {dimension_numbers = #tpu.dot_dimension_numbers<[0], [0], [1], [1], [0, 1, 1, 1], [], []>, transpose_lhs_hint = false} : vector<1280x32xf32>, vector<1280x1xf32>, vector<32x1xf32> -> vector<32x1xf32>
      %add3A_110 = arith.addf %get3A_105, %dot_general3A_109 : vector<32x1xf32>
      %swap3A_111 = arith.index_cast %add3A_77 : i32 to index
      %swap3A_112 = arith.constant 0 : index
      %swap3A_113 = vector.load %arg12[%swap3A_111, %swap3A_112] : memref<544x1xf32, #tpu.memory_space<vmem>>, vector<32x1xf32>
      tpu.vector_store %arg12[%swap3A_111, %swap3A_112], %add3A_110 {strides = array<i32>} : memref<544x1xf32, #tpu.memory_space<vmem>>, vector<32x1xf32>,
    }
    %eq3A_69 = arith.constant 124 : i32
    %eq3A_70 = arith.cmpi eq, %arg0, %eq3A_69 : i32
    %convert_element_type3A_71 = arith.extui %eq3A_70 : i1 to i32
    %cond3A_72 = arith.constant 0 : i32
    %cond3A_73 = arith.cmpi ne, %convert_element_type3A_71, %cond3A_72 : i32
    scf.if %cond3A_73 {
      %get3A_74 = arith.constant 0 : index
      %get3A_75 = arith.constant 0 : index
      %get3A_76 = vector.load %arg10[%get3A_74, %get3A_75] : memref<544x128xf32, #tpu.memory_space<vmem>>, vector<512x128xf32>
      %swap3A_77 = arith.constant 0 : index
      %swap3A_78 = arith.constant 0 : index
      %swap3A_79 = vector.load %arg7[%swap3A_77, %swap3A_78] : memref<512x128xf32, #tpu.memory_space<vmem>>, vector<512x128xf32>
      tpu.vector_store %arg7[%swap3A_77, %swap3A_78], %get3A_76 {strides = array<i32>} : memref<512x128xf32, #tpu.memory_space<vmem>>, vector<512x128xf32>,
      %get3A_80 = arith.constant 0 : index
      %get3A_81 = arith.constant 0 : index
      %get3A_82 = vector.load %arg11[%get3A_80, %get3A_81] : memref<544x128xf32, #tpu.memory_space<vmem>>, vector<512x128xf32>
      %swap3A_83 = arith.constant 0 : index
      %swap3A_84 = arith.constant 0 : index
      %swap3A_85 = vector.load %arg8[%swap3A_83, %swap3A_84] : memref<512x128xf32, #tpu.memory_space<vmem>>, vector<512x128xf32>
      tpu.vector_store %arg8[%swap3A_83, %swap3A_84], %get3A_82 {strides = array<i32>} : memref<512x128xf32, #tpu.memory_space<vmem>>, vector<512x128xf32>,
      %get3A_86 = arith.constant 0 : index
      %get3A_87 = arith.constant 0 : index
      %get3A_88 = vector.load %arg12[%get3A_86, %get3A_87] : memref<544x1xf32, #tpu.memory_space<vmem>>, vector<512x1xf32>
      %swap3A_89 = arith.constant 0 : index
      %swap3A_90 = arith.constant 0 : index
      %swap3A_91 = vector.load %arg9[%swap3A_89, %swap3A_90] : memref<512x1xf32, #tpu.memory_space<vmem>>, vector<512x1xf32>
      tpu.vector_store %arg9[%swap3A_89, %swap3A_90], %get3A_88 {strides = array<i32>} : memref<512x1xf32, #tpu.memory_space<vmem>>, vector<512x1xf32>,
    } else {
    }
    return
  }
  func.func @transform_0(%arg0: i32) -> (i32, i32) {
    %c0_i32 = arith.constant 0 : i32
    %c0_i32_0 = arith.constant 0 : i32
    return %arg0, %c0_i32 : i32, i32
  }
  func.func @transform_1(%arg0: i32) -> (i32, i32) {
    %c0_i32 = arith.constant 0 : i32
    %c0_i32_0 = arith.constant 0 : i32
    return %arg0, %c0_i32 : i32, i32
  }
  func.func @transform_2(%arg0: i32) -> (i32, i32) {
    %c0_i32 = arith.constant 0 : i32
    %c0_i32_0 = arith.constant 0 : i32
    %c0_i32_1 = arith.constant 0 : i32
    return %c0_i32, %c0_i32_0 : i32, i32
  }
  func.func @transform_3(%arg0: i32) -> (i32, i32) {
    %c0_i32 = arith.constant 0 : i32
    %c0_i32_0 = arith.constant 0 : i32
    %c0_i32_1 = arith.constant 0 : i32
    return %c0_i32, %c0_i32_0 : i32, i32
  }
  func.func @transform_4(%arg0: i32) -> (i32, i32) {
    %c0_i32 = arith.constant 0 : i32
    %c0_i32_0 = arith.constant 0 : i32
    %c0_i32_1 = arith.constant 0 : i32
    return %c0_i32, %c0_i32_0 : i32, i32
  }
  func.func @transform_5(%arg0: i32) -> (i32, i32) {
    %c0_i32 = arith.constant 0 : i32
    %c0_i32_0 = arith.constant 0 : i32
    %c0_i32_1 = arith.constant 0 : i32
    return %c0_i32, %c0_i32_0 : i32, i32
  }
  func.func @transform_6(%arg0: i32) -> (i32, i32) {
    %c0_i32 = arith.constant 0 : i32
    %c0_i32_0 = arith.constant 0 : i32
    %c0_i32_1 = arith.constant 0 : i32
    return %c0_i32, %c0_i32_0 : i32, i32
  }
  func.func @transform_7(%arg0: i32) -> (i32, i32) {
    %c0_i32 = arith.constant 0 : i32
    %c0_i32_0 = arith.constant 0 : i32
    %c0_i32_1 = arith.constant 0 : i32
    return %c0_i32, %c0_i32_0 : i32, i32
  }
  func.func @transform_8(%arg0: i32) -> (i32, i32) {
    %c0_i32 = arith.constant 0 : i32
    %c0_i32_0 = arith.constant 0 : i32
    %c0_i32_1 = arith.constant 0 : i32
    return %c0_i32, %c0_i32_0 : i32, i32
  }
}

module attributes {stable_mosaic.version = 14 : i64} {
  func.func @_s2s1_body(%arg0: i32, %arg1: memref<1280x128xf32, #tpu.memory_space<vmem>>, %arg2: memref<1280x128xf32, #tpu.memory_space<vmem>>, %arg3: memref<1280x1xi32, #tpu.memory_space<vmem>>, %arg4: memref<1280x1xf32, #tpu.memory_space<vmem>>, %arg5: memref<128x128xf32, #tpu.memory_space<vmem>>, %arg6: memref<1x128xf32, #tpu.memory_space<vmem>>, %arg7: memref<1x128xf32, #tpu.memory_space<vmem>>, %arg8: memref<1x1xf32, #tpu.memory_space<vmem>>, %arg9: memref<544x128xf32, #tpu.memory_space<vmem>>, %arg10: memref<544x128xf32, #tpu.memory_space<vmem>>, %arg11: memref<1x512xf32, #tpu.memory_space<vmem>>, %arg12: memref<1x512xf32, #tpu.memory_space<vmem>>, %arg13: memref<1280x1xf32, #tpu.memory_space<vmem>>, %arg14: memref<1x1xf32, #tpu.memory_space<vmem>>, %arg15: memref<512x128xf32, #tpu.memory_space<vmem>>, %arg16: memref<512x1xf32, #tpu.memory_space<vmem>>, %arg17: memref<512x128xf32, #tpu.memory_space<vmem>>, %arg18: memref<1x128xf32, #tpu.memory_space<vmem>>, %arg19: memref<544x1xf32, #tpu.memory_space<vmem>>, %arg20: memref<544x1xf32, #tpu.memory_space<vmem>>, %arg21: memref<544x1xf32, #tpu.memory_space<vmem>>, %arg22: memref<544x128xf32, #tpu.memory_space<vmem>>, %arg23: memref<544x128xf32, #tpu.memory_space<vmem>>, %arg24: memref<544x1xf32, #tpu.memory_space<vmem>>, %arg25: memref<544x128xf32, #tpu.memory_space<vmem>>) attributes {dimension_semantics = [#tpu.dimension_semantics<arbitrary>], iteration_bounds = array<i64: 125>, scalar_prefetch = 0 : i64, scratch_operands = 8 : i64, tpu.core_type = #tpu.core_type<tc>, window_params = [{transform_indices = @transform_0, window_bounds = array<i64: 1280, 128>}, {transform_indices = @transform_1, window_bounds = array<i64: 1280, 128>}, {transform_indices = @transform_2, window_bounds = array<i64: 1280, 1>}, {transform_indices = @transform_3, window_bounds = array<i64: 1280, 1>}, {pipeline_mode = #tpu.pipeline_mode<synchronous>, transform_indices = @transform_4, window_bounds = array<i64: 128, 128>}, {pipeline_mode = #tpu.pipeline_mode<synchronous>, transform_indices = @transform_5, window_bounds = array<i64: 1, 128>}, {pipeline_mode = #tpu.pipeline_mode<synchronous>, transform_indices = @transform_6, window_bounds = array<i64: 1, 128>}, {pipeline_mode = #tpu.pipeline_mode<synchronous>, transform_indices = @transform_7, window_bounds = array<i64: 1, 1>}, {pipeline_mode = #tpu.pipeline_mode<synchronous>, transform_indices = @transform_8, window_bounds = array<i64: 544, 128>}, {pipeline_mode = #tpu.pipeline_mode<synchronous>, transform_indices = @transform_9, window_bounds = array<i64: 544, 128>}, {pipeline_mode = #tpu.pipeline_mode<synchronous>, transform_indices = @transform_10, window_bounds = array<i64: 1, 512>}, {pipeline_mode = #tpu.pipeline_mode<synchronous>, transform_indices = @transform_11, window_bounds = array<i64: 1, 512>}, {transform_indices = @transform_12, window_bounds = array<i64: 1280, 1>}, {pipeline_mode = #tpu.pipeline_mode<synchronous>, transform_indices = @transform_13, window_bounds = array<i64: 1, 1>}, {pipeline_mode = #tpu.pipeline_mode<synchronous>, transform_indices = @transform_14, window_bounds = array<i64: 512, 128>}, {pipeline_mode = #tpu.pipeline_mode<synchronous>, transform_indices = @transform_15, window_bounds = array<i64: 512, 1>}, {pipeline_mode = #tpu.pipeline_mode<synchronous>, transform_indices = @transform_16, window_bounds = array<i64: 512, 128>}]} {
    %eq3A = arith.constant 0 : i32
    %eq3A_0 = arith.cmpi eq, %arg0, %eq3A : i32
    %convert_element_type3A = arith.extui %eq3A_0 : i1 to i32
    %cond3A = arith.constant 0 : i32
    %cond3A_1 = arith.cmpi ne, %convert_element_type3A, %cond3A : i32
    scf.if %cond3A_1 {
      %get3A_114 = arith.constant 0 : index
      %get3A_115 = arith.constant 0 : index
      %get3A_116 = vector.load %arg11[%get3A_114, %get3A_115] : memref<1x512xf32, #tpu.memory_space<vmem>>, vector<1x512xf32>
      %get3A_117 = arith.constant 0 : index
      %get3A_118 = arith.constant 0 : index
      %get3A_119 = vector.load %arg12[%get3A_117, %get3A_118] : memref<1x512xf32, #tpu.memory_space<vmem>>, vector<1x512xf32>
      %add3A_120 = arith.addf %get3A_116, %get3A_119 : vector<1x512xf32>
      %slice3A = vector.extract_strided_slice %add3A_120 {offsets = [0, 0], sizes = [1, 128], strides = [1, 1]} : vector<1x512xf32> to vector<1x128xf32>
      %neg3A_121 = arith.constant 0.000000e+00 : f32
      %neg3A_122 = vector.broadcast %neg3A_121 : f32 to vector<1x128xf32>
      %neg3A_123 = arith.subf %neg3A_122, %slice3A : vector<1x128xf32>
      %exp3A_124 = math.exp %neg3A_123 : vector<1x128xf32>
      %add3A_125 = arith.constant 1.000000e+00 : f32
      %add3A_126 = vector.broadcast %add3A_125 : f32 to vector<1x128xf32>
      %add3A_127 = arith.addf %add3A_126, %exp3A_124 : vector<1x128xf32>
      %div3A_128 = arith.constant 1.000000e+00 : f32
      %div3A_129 = vector.broadcast %div3A_128 : f32 to vector<1x128xf32>
      %div3A_130 = arith.divf %div3A_129, %add3A_127 : vector<1x128xf32>
      %slice3A_131 = vector.extract_strided_slice %add3A_120 {offsets = [0, 256], sizes = [1, 128], strides = [1, 1]} : vector<1x512xf32> to vector<1x128xf32>
      %tanh3A = math.tanh %slice3A_131 : vector<1x128xf32>
      %slice3A_132 = vector.extract_strided_slice %add3A_120 {offsets = [0, 384], sizes = [1, 128], strides = [1, 1]} : vector<1x512xf32> to vector<1x128xf32>
      %neg3A_133 = arith.constant 0.000000e+00 : f32
      %neg3A_134 = vector.broadcast %neg3A_133 : f32 to vector<1x128xf32>
      %neg3A_135 = arith.subf %neg3A_134, %slice3A_132 : vector<1x128xf32>
      %exp3A_136 = math.exp %neg3A_135 : vector<1x128xf32>
      %add3A_137 = arith.constant 1.000000e+00 : f32
      %add3A_138 = vector.broadcast %add3A_137 : f32 to vector<1x128xf32>
      %add3A_139 = arith.addf %add3A_138, %exp3A_136 : vector<1x128xf32>
      %div3A_140 = arith.constant 1.000000e+00 : f32
      %div3A_141 = vector.broadcast %div3A_140 : f32 to vector<1x128xf32>
      %div3A_142 = arith.divf %div3A_141, %add3A_139 : vector<1x128xf32>
      %mul3A_143 = arith.mulf %div3A_130, %tanh3A : vector<1x128xf32>
      %tanh3A_144 = math.tanh %mul3A_143 : vector<1x128xf32>
      %mul3A_145 = arith.mulf %div3A_142, %tanh3A_144 : vector<1x128xf32>
      %swap3A_146 = arith.constant 0 : index
      %swap3A_147 = arith.constant 0 : index
      %swap3A_148 = vector.load %arg18[%swap3A_146, %swap3A_147] : memref<1x128xf32, #tpu.memory_space<vmem>>, vector<1x128xf32>
      tpu.vector_store %arg18[%swap3A_146, %swap3A_147], %mul3A_145 {strides = array<i32>} : memref<1x128xf32, #tpu.memory_space<vmem>>, vector<1x128xf32>,
      %broadcast_in_dim3A_149 = arith.constant 0xFF800000 : f32
      %broadcast_in_dim3A_150 = vector.broadcast %broadcast_in_dim3A_149 : f32 to vector<544x1xf32>
      %swap3A_151 = arith.constant 0 : index
      %swap3A_152 = arith.constant 0 : index
      %swap3A_153 = vector.load %arg19[%swap3A_151, %swap3A_152] : memref<544x1xf32, #tpu.memory_space<vmem>>, vector<544x1xf32>
      tpu.vector_store %arg19[%swap3A_151, %swap3A_152], %broadcast_in_dim3A_150 {strides = array<i32>} : memref<544x1xf32, #tpu.memory_space<vmem>>, vector<544x1xf32>,
      %broadcast_in_dim3A_154 = arith.constant 0.000000e+00 : f32
      %broadcast_in_dim3A_155 = vector.broadcast %broadcast_in_dim3A_154 : f32 to vector<544x1xf32>
      %swap3A_156 = arith.constant 0 : index
      %swap3A_157 = arith.constant 0 : index
      %swap3A_158 = vector.load %arg20[%swap3A_156, %swap3A_157] : memref<544x1xf32, #tpu.memory_space<vmem>>, vector<544x1xf32>
      tpu.vector_store %arg20[%swap3A_156, %swap3A_157], %broadcast_in_dim3A_155 {strides = array<i32>} : memref<544x1xf32, #tpu.memory_space<vmem>>, vector<544x1xf32>,
      %broadcast_in_dim3A_159 = arith.constant 0.000000e+00 : f32
      %broadcast_in_dim3A_160 = vector.broadcast %broadcast_in_dim3A_159 : f32 to vector<544x1xf32>
      %swap3A_161 = arith.constant 0 : index
      %swap3A_162 = arith.constant 0 : index
      %swap3A_163 = vector.load %arg21[%swap3A_161, %swap3A_162] : memref<544x1xf32, #tpu.memory_space<vmem>>, vector<544x1xf32>
      tpu.vector_store %arg21[%swap3A_161, %swap3A_162], %broadcast_in_dim3A_160 {strides = array<i32>} : memref<544x1xf32, #tpu.memory_space<vmem>>, vector<544x1xf32>,
      %broadcast_in_dim3A_164 = arith.constant 0.000000e+00 : f32
      %broadcast_in_dim3A_165 = vector.broadcast %broadcast_in_dim3A_164 : f32 to vector<544x128xf32>
      %swap3A_166 = arith.constant 0 : index
      %swap3A_167 = arith.constant 0 : index
      %swap3A_168 = vector.load %arg22[%swap3A_166, %swap3A_167] : memref<544x128xf32, #tpu.memory_space<vmem>>, vector<544x128xf32>
      tpu.vector_store %arg22[%swap3A_166, %swap3A_167], %broadcast_in_dim3A_165 {strides = array<i32>} : memref<544x128xf32, #tpu.memory_space<vmem>>, vector<544x128xf32>,
      %broadcast_in_dim3A_169 = arith.constant 0.000000e+00 : f32
      %broadcast_in_dim3A_170 = vector.broadcast %broadcast_in_dim3A_169 : f32 to vector<544x128xf32>
      %swap3A_171 = arith.constant 0 : index
      %swap3A_172 = arith.constant 0 : index
      %swap3A_173 = vector.load %arg23[%swap3A_171, %swap3A_172] : memref<544x128xf32, #tpu.memory_space<vmem>>, vector<544x128xf32>
      tpu.vector_store %arg23[%swap3A_171, %swap3A_172], %broadcast_in_dim3A_170 {strides = array<i32>} : memref<544x128xf32, #tpu.memory_space<vmem>>, vector<544x128xf32>,
      %broadcast_in_dim3A_174 = arith.constant 0.000000e+00 : f32
      %broadcast_in_dim3A_175 = vector.broadcast %broadcast_in_dim3A_174 : f32 to vector<544x1xf32>
      %swap3A_176 = arith.constant 0 : index
      %swap3A_177 = arith.constant 0 : index
      %swap3A_178 = vector.load %arg24[%swap3A_176, %swap3A_177] : memref<544x1xf32, #tpu.memory_space<vmem>>, vector<544x1xf32>
      tpu.vector_store %arg24[%swap3A_176, %swap3A_177], %broadcast_in_dim3A_175 {strides = array<i32>} : memref<544x1xf32, #tpu.memory_space<vmem>>, vector<544x1xf32>,
      %broadcast_in_dim3A_179 = arith.constant 0.000000e+00 : f32
      %broadcast_in_dim3A_180 = vector.broadcast %broadcast_in_dim3A_179 : f32 to vector<544x128xf32>
      %swap3A_181 = arith.constant 0 : index
      %swap3A_182 = arith.constant 0 : index
      %swap3A_183 = vector.load %arg25[%swap3A_181, %swap3A_182] : memref<544x128xf32, #tpu.memory_space<vmem>>, vector<544x128xf32>
      tpu.vector_store %arg25[%swap3A_181, %swap3A_182], %broadcast_in_dim3A_180 {strides = array<i32>} : memref<544x128xf32, #tpu.memory_space<vmem>>, vector<544x128xf32>,
      %broadcast_in_dim3A_184 = arith.constant 0.000000e+00 : f32
      %broadcast_in_dim3A_185 = vector.broadcast %broadcast_in_dim3A_184 : f32 to vector<1x1xf32>
      %swap3A_186 = arith.constant 0 : index
      %swap3A_187 = arith.constant 0 : index
      %swap3A_188 = vector.load %arg14[%swap3A_186, %swap3A_187] : memref<1x1xf32, #tpu.memory_space<vmem>>, vector<1x1xf32>
      tpu.vector_store %arg14[%swap3A_186, %swap3A_187], %broadcast_in_dim3A_185 {strides = array<i32>} : memref<1x1xf32, #tpu.memory_space<vmem>>, vector<1x1xf32>,
    } else {
    }
    %get3A = arith.constant 0 : index
    %get3A_2 = arith.constant 0 : index
    %get3A_3 = vector.load %arg1[%get3A, %get3A_2] : memref<1280x128xf32, #tpu.memory_space<vmem>>, vector<1280x128xf32>
    %get3A_4 = arith.constant 0 : index
    %get3A_5 = arith.constant 0 : index
    %get3A_6 = vector.load %arg2[%get3A_4, %get3A_5] : memref<1280x128xf32, #tpu.memory_space<vmem>>, vector<1280x128xf32>
    %get3A_7 = arith.constant 0 : index
    %get3A_8 = arith.constant 0 : index
    %get3A_9 = vector.load %arg5[%get3A_7, %get3A_8] : memref<128x128xf32, #tpu.memory_space<vmem>>, vector<128x128xf32>
    %dot_general3A = arith.constant dense<0.000000e+00> : vector<1280x128xf32>
    %dot_general3A_10 = tpu.matmul %get3A_3, %get3A_9, %dot_general3A {dimension_numbers = #tpu.dot_dimension_numbers<[1], [0], [0], [1], [0, 0, 1, 1], [], []>, transpose_lhs_hint = false} : vector<1280x128xf32>, vector<128x128xf32>, vector<1280x128xf32> -> vector<1280x128xf32>
    %get3A_11 = arith.constant 0 : index
    %get3A_12 = arith.constant 0 : index
    %get3A_13 = vector.load %arg6[%get3A_11, %get3A_12] : memref<1x128xf32, #tpu.memory_space<vmem>>, vector<1x128xf32>
    %add3A = vector.broadcast %get3A_13 : vector<1x128xf32> to vector<1280x128xf32>
    %add3A_14 = arith.addf %dot_general3A_10, %add3A : vector<1280x128xf32>
    %max3A = arith.constant 0.000000e+00 : f32
    %max3A_15 = vector.broadcast %max3A : f32 to vector<1280x128xf32>
    %max3A_16 = arith.maximumf %add3A_14, %max3A_15 : vector<1280x128xf32>
    %get3A_17 = arith.constant 0 : index
    %get3A_18 = arith.constant 0 : index
    %get3A_19 = vector.load %arg7[%get3A_17, %get3A_18] : memref<1x128xf32, #tpu.memory_space<vmem>>, vector<1x128xf32>
    %mul3A = vector.broadcast %get3A_19 : vector<1x128xf32> to vector<1280x128xf32>
    %mul3A_20 = arith.mulf %max3A_16, %mul3A : vector<1280x128xf32>
    %reduce_sum3A = arith.constant dense<0.000000e+00> : vector<1280xf32>
    %reduce_sum3A_21 = vector.multi_reduction <add>, %mul3A_20, %reduce_sum3A [1] : vector<1280x128xf32> to vector<1280xf32>
    %broadcast_in_dim3A = vector.shape_cast %reduce_sum3A_21 : vector<1280xf32> to vector<1280x1xf32>
    %get3A_22 = arith.constant 0 : index
    %get3A_23 = arith.constant 0 : index
    %get3A_24 = vector.load %arg8[%get3A_22, %get3A_23] : memref<1x1xf32, #tpu.memory_space<vmem>>, vector<1x1xf32>
    %add3A_25 = vector.broadcast %get3A_24 : vector<1x1xf32> to vector<1280x1xf32>
    %add3A_26 = arith.addf %broadcast_in_dim3A, %add3A_25 : vector<1280x1xf32>
    %get3A_27 = arith.constant 0 : index
    %get3A_28 = arith.constant 0 : index
    %get3A_29 = vector.load %arg4[%get3A_27, %get3A_28] : memref<1280x1xf32, #tpu.memory_space<vmem>>, vector<1280x1xf32>
    %add3A_30 = arith.addf %get3A_29, %add3A_26 : vector<1280x1xf32>
    %neg3A = arith.constant 0.000000e+00 : f32
    %neg3A_31 = vector.broadcast %neg3A : f32 to vector<1280x1xf32>
    %neg3A_32 = arith.subf %neg3A_31, %add3A_30 : vector<1280x1xf32>
    %exp3A = math.exp %neg3A_32 : vector<1280x1xf32>
    %add3A_33 = arith.constant 1.000000e+00 : f32
    %add3A_34 = vector.broadcast %add3A_33 : f32 to vector<1280x1xf32>
    %add3A_35 = arith.addf %add3A_34, %exp3A : vector<1280x1xf32>
    %div3A = arith.constant 1.000000e+00 : f32
    %div3A_36 = vector.broadcast %div3A : f32 to vector<1280x1xf32>
    %div3A_37 = arith.divf %div3A_36, %add3A_35 : vector<1280x1xf32>
    %swap3A = arith.constant 0 : index
    %swap3A_38 = arith.constant 0 : index
    %swap3A_39 = vector.load %arg13[%swap3A, %swap3A_38] : memref<1280x1xf32, #tpu.memory_space<vmem>>, vector<1280x1xf32>
    tpu.vector_store %arg13[%swap3A, %swap3A_38], %div3A_37 {strides = array<i32>} : memref<1280x1xf32, #tpu.memory_space<vmem>>, vector<1280x1xf32>,
    %get3A_40 = arith.constant 0 : index
    %get3A_41 = arith.constant 0 : index
    %get3A_42 = vector.load %arg14[%get3A_40, %get3A_41] : memref<1x1xf32, #tpu.memory_space<vmem>>, vector<1x1xf32>
    %gt3A = arith.constant 0.000000e+00 : f32
    %gt3A_43 = vector.broadcast %gt3A : f32 to vector<1280x1xf32>
    %gt3A_44 = arith.cmpf ogt, %add3A_26, %gt3A_43 : vector<1280x1xf32>
    %convert_element_type3A_45 = arith.extui %gt3A_44 : vector<1280x1xi1> to vector<1280x1xi32>
    %convert_element_type3A_46 = arith.sitofp %convert_element_type3A_45 : vector<1280x1xi32> to vector<1280x1xf32>
    %reduce_sum3A_47 = vector.shape_cast %convert_element_type3A_46 : vector<1280x1xf32> to vector<1x1280x1xf32>
    %reduce_sum3A_48 = arith.constant dense<0.000000e+00> : vector<1xf32>
    %reduce_sum3A_49 = vector.multi_reduction <add>, %reduce_sum3A_47, %reduce_sum3A_48 [1, 2] : vector<1x1280x1xf32> to vector<1xf32>
    %reduce_sum3A_50 = vector.shape_cast %reduce_sum3A_49 : vector<1xf32> to vector<1x1x1xf32>
    %reduce_sum3A_51 = vector.extract %reduce_sum3A_50[0, 0, 0] : f32 from vector<1x1x1xf32>
    %broadcast_in_dim3A_52 = vector.broadcast %reduce_sum3A_51 : f32 to vector<1x1xf32>
    %add3A_53 = arith.addf %get3A_42, %broadcast_in_dim3A_52 : vector<1x1xf32>
    %swap3A_54 = arith.constant 0 : index
    %swap3A_55 = arith.constant 0 : index
    %swap3A_56 = vector.load %arg14[%swap3A_54, %swap3A_55] : memref<1x1xf32, #tpu.memory_space<vmem>>, vector<1x1xf32>
    tpu.vector_store %arg14[%swap3A_54, %swap3A_55], %add3A_53 {strides = array<i32>} : memref<1x1xf32, #tpu.memory_space<vmem>>, vector<1x1xf32>,
    %sub3A = arith.constant 1.000000e+00 : f32
    %sub3A_57 = vector.broadcast %sub3A : f32 to vector<1280x1xf32>
    %sub3A_58 = arith.subf %sub3A_57, %div3A_37 : vector<1280x1xf32>
    %mul3A_59 = arith.mulf %sub3A_58, %sub3A_58 : vector<1280x1xf32>
    %get3A_60 = arith.constant 0 : index
    %get3A_61 = arith.constant 0 : index
    %get3A_62 = vector.load %arg3[%get3A_60, %get3A_61] : memref<1280x1xi32, #tpu.memory_space<vmem>>, vector<1280x1xi32>
    %get3A_63 = arith.constant 0 : index
    %get3A_64 = arith.constant 0 : index
    %get3A_65 = vector.load %arg18[%get3A_63, %get3A_64] : memref<1x128xf32, #tpu.memory_space<vmem>>, vector<1x128xf32>
    %mul3A_66 = vector.broadcast %get3A_65 : vector<1x128xf32> to vector<1280x128xf32>
    %mul3A_67 = arith.mulf %get3A_3, %mul3A_66 : vector<1280x128xf32>
    %reduce_sum3A_68 = arith.constant dense<0.000000e+00> : vector<1280xf32>
    %reduce_sum3A_69 = vector.multi_reduction <add>, %mul3A_67, %reduce_sum3A_68 [1] : vector<1280x128xf32> to vector<1280xf32>
    %broadcast_in_dim3A_70 = vector.shape_cast %reduce_sum3A_69 : vector<1280xf32> to vector<1280x1xf32>
    %reduce_min3A = vector.shape_cast %get3A_62 : vector<1280x1xi32> to vector<1x1280x1xi32>
    %reduce_min3A_71 = arith.constant dense<2147483647> : vector<1xi32>
    %reduce_min3A_72 = vector.multi_reduction <minsi>, %reduce_min3A, %reduce_min3A_71 [1, 2] : vector<1x1280x1xi32> to vector<1xi32>
    %reduce_min3A_73 = vector.shape_cast %reduce_min3A_72 : vector<1xi32> to vector<1x1x1xi32>
    %reduce_min3A_74 = vector.extract %reduce_min3A_73[0, 0, 0] : i32 from vector<1x1x1xi32>
    %reduce_max3A = vector.shape_cast %get3A_62 : vector<1280x1xi32> to vector<1x1280x1xi32>
    %reduce_max3A_75 = arith.constant dense<-2147483648> : vector<1xi32>
    %reduce_max3A_76 = vector.multi_reduction <maxsi>, %reduce_max3A, %reduce_max3A_75 [1, 2] : vector<1x1280x1xi32> to vector<1xi32>
    %reduce_max3A_77 = vector.shape_cast %reduce_max3A_76 : vector<1xi32> to vector<1x1x1xi32>
    %reduce_max3A_78 = vector.extract %reduce_max3A_77[0, 0, 0] : i32 from vector<1x1x1xi32>
    %iota3A = tpu.iota {dimensions = array<i32: 1>} : vector<1x32xi32>
    %sub3A_79 = arith.subi %reduce_max3A_78, %reduce_min3A_74 : i32
    %jit3A = arith.constant 32 : i32
    %div3A_80 = arith.divsi %sub3A_79, %jit3A : i32
    %sign3A = arith.constant 0 : i32
    %sign3A_81 = arith.cmpi sgt, %sub3A_79, %sign3A : i32
    %sign3A_82 = arith.extui %sign3A_81 : i1 to i32
    %sign3A_83 = arith.constant 0 : i32
    %sign3A_84 = arith.cmpi slt, %sub3A_79, %sign3A_83 : i32
    %sign3A_85 = arith.extui %sign3A_84 : i1 to i32
    %sign3A_86 = arith.subi %sign3A_82, %sign3A_85 : i32
    %sign3A_87 = arith.constant 0 : i32
    %sign3A_88 = arith.cmpi sgt, %jit3A, %sign3A_87 : i32
    %sign3A_89 = arith.extui %sign3A_88 : i1 to i32
    %sign3A_90 = arith.constant 0 : i32
    %sign3A_91 = arith.cmpi slt, %jit3A, %sign3A_90 : i32
    %sign3A_92 = arith.extui %sign3A_91 : i1 to i32
    %sign3A_93 = arith.subi %sign3A_89, %sign3A_92 : i32
    %ne3A = arith.cmpi ne, %sign3A_86, %sign3A_93 : i32
    %rem3A = arith.remsi %sub3A_79, %jit3A : i32
    %ne3A_94 = arith.constant 0 : i32
    %ne3A_95 = arith.cmpi ne, %rem3A, %ne3A_94 : i32
    %and3A = arith.andi %ne3A, %ne3A_95 : i1
    %sub3A_96 = arith.constant 1 : i32
    %sub3A_97 = arith.subi %div3A_80, %sub3A_96 : i32
    %select_n3A = arith.select %and3A, %sub3A_97, %div3A_80 : i32
    %add3A_98 = arith.constant 1 : i32
    %add3A_99 = arith.addi %select_n3A, %add3A_98 : i32
    %while3A = arith.constant 0 : i32
    %while3A_100 = arith.constant 0 : i32
    %while3A_101 = arith.subi %add3A_99, %while3A_100 : i32
    %while3A_102 = arith.addi %while3A_100, %while3A_101 : i32
    %while3A_103 = arith.constant 1 : i32
    %while3A_104 = arith.divsi %while3A_101, %while3A_103 : i32
    %while3A_105 = arith.muli %while3A_104, %while3A_103 : i32
    %while3A_106 = arith.addi %while3A_100, %while3A_105 : i32
    %while3A_107 = arith.constant 1 : i32
    scf.for %while3A_114 = %while3A_100 to %while3A_106 step %while3A_107  : i32 {
      %mul3A_115 = arith.constant 32 : i32
      %mul3A_116 = arith.muli %while3A_114, %mul3A_115 : i32
      %add3A_117 = arith.addi %reduce_min3A_74, %mul3A_116 : i32
      %sub3A_118 = vector.broadcast %add3A_117 : i32 to vector<1280x1xi32>
      %sub3A_119 = arith.subi %get3A_62, %sub3A_118 : vector<1280x1xi32>
      %eq3A_120 = vector.broadcast %sub3A_119 : vector<1280x1xi32> to vector<1280x32xi32>
      %eq3A_121 = vector.broadcast %iota3A : vector<1x32xi32> to vector<1280x32xi32>
      %eq3A_122 = arith.cmpi eq, %eq3A_120, %eq3A_121 : vector<1280x32xi32>
      %convert_element_type3A_123 = arith.extui %eq3A_122 : vector<1280x32xi1> to vector<1280x32xi32>
      %convert_element_type3A_124 = arith.sitofp %convert_element_type3A_123 : vector<1280x32xi32> to vector<1280x32xf32>
      %get3A_125 = arith.index_cast %add3A_117 : i32 to index
      %get3A_126 = arith.constant 0 : index
      %get3A_127 = vector.load %arg9[%get3A_125, %get3A_126] : memref<544x128xf32, #tpu.memory_space<vmem>>, vector<32x128xf32>
      %dot_general3A_128 = arith.constant dense<0.000000e+00> : vector<1280x128xf32>
      %dot_general3A_129 = tpu.matmul %convert_element_type3A_124, %get3A_127, %dot_general3A_128 {dimension_numbers = #tpu.dot_dimension_numbers<[1], [0], [0], [1], [0, 0, 1, 1], [], []>, transpose_lhs_hint = false} : vector<1280x32xf32>, vector<32x128xf32>, vector<1280x128xf32> -> vector<1280x128xf32>
      %get3A_130 = arith.index_cast %add3A_117 : i32 to index
      %get3A_131 = arith.constant 0 : index
      %get3A_132 = vector.load %arg10[%get3A_130, %get3A_131] : memref<544x128xf32, #tpu.memory_space<vmem>>, vector<32x128xf32>
      %dot_general3A_133 = arith.constant dense<0.000000e+00> : vector<1280x128xf32>
      %dot_general3A_134 = tpu.matmul %convert_element_type3A_124, %get3A_132, %dot_general3A_133 {dimension_numbers = #tpu.dot_dimension_numbers<[1], [0], [0], [1], [0, 0, 1, 1], [], []>, transpose_lhs_hint = false} : vector<1280x32xf32>, vector<32x128xf32>, vector<1280x128xf32> -> vector<1280x128xf32>
      %mul3A_135 = vector.broadcast %get3A_65 : vector<1x128xf32> to vector<1280x128xf32>
      %mul3A_136 = arith.mulf %dot_general3A_129, %mul3A_135 : vector<1280x128xf32>
      %reduce_sum3A_137 = arith.constant dense<0.000000e+00> : vector<1280xf32>
      %reduce_sum3A_138 = vector.multi_reduction <add>, %mul3A_136, %reduce_sum3A_137 [1] : vector<1280x128xf32> to vector<1280xf32>
      %broadcast_in_dim3A_139 = vector.shape_cast %reduce_sum3A_138 : vector<1280xf32> to vector<1280x1xf32>
      %mul3A_140 = vector.broadcast %get3A_65 : vector<1x128xf32> to vector<1280x128xf32>
      %mul3A_141 = arith.mulf %dot_general3A_134, %mul3A_140 : vector<1280x128xf32>
      %mul3A_142 = arith.mulf %get3A_6, %mul3A_141 : vector<1280x128xf32>
      %reduce_sum3A_143 = arith.constant dense<0.000000e+00> : vector<1280xf32>
      %reduce_sum3A_144 = vector.multi_reduction <add>, %mul3A_142, %reduce_sum3A_143 [1] : vector<1280x128xf32> to vector<1280xf32>
      %broadcast_in_dim3A_145 = vector.shape_cast %reduce_sum3A_144 : vector<1280xf32> to vector<1280x1xf32>
      %mul3A_146 = arith.mulf %div3A_37, %broadcast_in_dim3A_70 : vector<1280x1xf32>
      %add3A_147 = arith.addf %broadcast_in_dim3A_139, %broadcast_in_dim3A_145 : vector<1280x1xf32>
      %mul3A_148 = arith.mulf %sub3A_58, %add3A_147 : vector<1280x1xf32>
      %add3A_149 = arith.addf %mul3A_146, %mul3A_148 : vector<1280x1xf32>
      %ge3A = arith.constant 0 : i32
      %ge3A_150 = vector.broadcast %ge3A : i32 to vector<1280x1xi32>
      %ge3A_151 = arith.cmpi sge, %sub3A_119, %ge3A_150 : vector<1280x1xi32>
      %lt3A = arith.constant 32 : i32
      %lt3A_152 = vector.broadcast %lt3A : i32 to vector<1280x1xi32>
      %lt3A_153 = arith.cmpi slt, %sub3A_119, %lt3A_152 : vector<1280x1xi32>
      %and3A_154 = arith.andi %ge3A_151, %lt3A_153 : vector<1280x1xi1>
      %jit3A_155 = arith.constant 0xFF800000 : f32
      %broadcast_in_dim3A_156 = vector.broadcast %jit3A_155 : f32 to vector<1280x1xf32>
      %select_n3A_157 = arith.select %and3A_154, %add3A_149, %broadcast_in_dim3A_156 : vector<1280x1xi1>, vector<1280x1xf32>
      %reduce_max3A_158 = vector.shape_cast %select_n3A_157 : vector<1280x1xf32> to vector<1x1280x1xf32>
      %reduce_max3A_159 = arith.constant dense<0xFF800000> : vector<1xf32>
      %reduce_max3A_160 = vector.multi_reduction <maximumf>, %reduce_max3A_158, %reduce_max3A_159 [1, 2] : vector<1x1280x1xf32> to vector<1xf32>
      %reduce_max3A_161 = vector.shape_cast %reduce_max3A_160 : vector<1xf32> to vector<1x1x1xf32>
      %reduce_max3A_162 = vector.extract %reduce_max3A_161[0, 0, 0] : f32 from vector<1x1x1xf32>
      %eq3A_163 = arith.constant 0xFF800000 : f32
      %eq3A_164 = arith.cmpf oeq, %reduce_max3A_162, %eq3A_163 : f32
      %jit3A_165 = arith.constant 0.000000e+00 : f32
      %select_n3A_166 = arith.select %eq3A_164, %jit3A_165, %reduce_max3A_162 : f32
      %sub3A_167 = vector.broadcast %select_n3A_166 : f32 to vector<1280x1xf32>
      %sub3A_168 = arith.subf %add3A_149, %sub3A_167 : vector<1280x1xf32>
      %min3A = arith.constant 0.000000e+00 : f32
      %min3A_169 = vector.broadcast %min3A : f32 to vector<1280x1xf32>
      %min3A_170 = arith.minimumf %sub3A_168, %min3A_169 : vector<1280x1xf32>
      %exp3A_171 = math.exp %min3A_170 : vector<1280x1xf32>
      %jit3A_172 = arith.constant 0.000000e+00 : f32
      %broadcast_in_dim3A_173 = vector.broadcast %jit3A_172 : f32 to vector<1280x1xf32>
      %select_n3A_174 = arith.select %and3A_154, %exp3A_171, %broadcast_in_dim3A_173 : vector<1280x1xi1>, vector<1280x1xf32>
      %mul3A_175 = arith.mulf %select_n3A_174, %sub3A_58 : vector<1280x1xf32>
      %dot_general3A_176 = arith.constant dense<0.000000e+00> : vector<32x1xf32>
      %dot_general3A_177 = tpu.matmul %convert_element_type3A_124, %select_n3A_174, %dot_general3A_176 {dimension_numbers = #tpu.dot_dimension_numbers<[0], [0], [1], [1], [0, 1, 1, 1], [], []>, transpose_lhs_hint = false} : vector<1280x32xf32>, vector<1280x1xf32>, vector<32x1xf32> -> vector<32x1xf32>
      %dot_general3A_178 = arith.constant dense<0.000000e+00> : vector<32x1xf32>
      %dot_general3A_179 = tpu.matmul %convert_element_type3A_124, %mul3A_175, %dot_general3A_178 {dimension_numbers = #tpu.dot_dimension_numbers<[0], [0], [1], [1], [0, 1, 1, 1], [], []>, transpose_lhs_hint = false} : vector<1280x32xf32>, vector<1280x1xf32>, vector<32x1xf32> -> vector<32x1xf32>
      %mul3A_180 = arith.mulf %select_n3A_174, %div3A_37 : vector<1280x1xf32>
      %mul3A_181 = vector.broadcast %mul3A_180 : vector<1280x1xf32> to vector<1280x128xf32>
      %mul3A_182 = arith.mulf %mul3A_181, %get3A_3 : vector<1280x128xf32>
      %dot_general3A_183 = arith.constant dense<0.000000e+00> : vector<32x128xf32>
      %dot_general3A_184 = tpu.matmul %convert_element_type3A_124, %mul3A_182, %dot_general3A_183 {dimension_numbers = #tpu.dot_dimension_numbers<[0], [0], [1], [1], [0, 1, 1, 1], [], []>, transpose_lhs_hint = false} : vector<1280x32xf32>, vector<1280x128xf32>, vector<32x128xf32> -> vector<32x128xf32>
      %mul3A_185 = vector.broadcast %mul3A_175 : vector<1280x1xf32> to vector<1280x128xf32>
      %mul3A_186 = arith.mulf %mul3A_185, %get3A_6 : vector<1280x128xf32>
      %dot_general3A_187 = arith.constant dense<0.000000e+00> : vector<32x128xf32>
      %dot_general3A_188 = tpu.matmul %convert_element_type3A_124, %mul3A_186, %dot_general3A_187 {dimension_numbers = #tpu.dot_dimension_numbers<[0], [0], [1], [1], [0, 1, 1, 1], [], []>, transpose_lhs_hint = false} : vector<1280x32xf32>, vector<1280x128xf32>, vector<32x128xf32> -> vector<32x128xf32>
      %gt3A_189 = arith.constant 0.000000e+00 : f32
      %gt3A_190 = vector.broadcast %gt3A_189 : f32 to vector<32x1xf32>
      %gt3A_191 = arith.cmpf ogt, %dot_general3A_177, %gt3A_190 : vector<32x1xf32>
      %get3A_192 = arith.index_cast %add3A_117 : i32 to index
      %get3A_193 = arith.constant 0 : index
      %get3A_194 = vector.load %arg19[%get3A_192, %get3A_193] : memref<544x1xf32, #tpu.memory_space<vmem>>, vector<32x1xf32>
      %max3A_195 = vector.broadcast %select_n3A_166 : f32 to vector<32x1xf32>
      %max3A_196 = arith.maximumf %get3A_194, %max3A_195 : vector<32x1xf32>
      %select_n3A_197 = arith.select %gt3A_191, %max3A_196, %get3A_194 : vector<32x1xi1>, vector<32x1xf32>
      %sub3A_198 = arith.subf %get3A_194, %select_n3A_197 : vector<32x1xf32>
      %exp3A_199 = math.exp %sub3A_198 : vector<32x1xf32>
      %jit3A_200 = arith.constant 1.000000e+00 : f32
      %broadcast_in_dim3A_201 = vector.broadcast %jit3A_200 : f32 to vector<32x1xf32>
      %select_n3A_202 = arith.select %gt3A_191, %exp3A_199, %broadcast_in_dim3A_201 : vector<32x1xi1>, vector<32x1xf32>
      %sub3A_203 = vector.broadcast %select_n3A_166 : f32 to vector<32x1xf32>
      %sub3A_204 = arith.subf %sub3A_203, %select_n3A_197 : vector<32x1xf32>
      %exp3A_205 = math.exp %sub3A_204 : vector<32x1xf32>
      %jit3A_206 = arith.constant 0.000000e+00 : f32
      %broadcast_in_dim3A_207 = vector.broadcast %jit3A_206 : f32 to vector<32x1xf32>
      %select_n3A_208 = arith.select %gt3A_191, %exp3A_205, %broadcast_in_dim3A_207 : vector<32x1xi1>, vector<32x1xf32>
      %get3A_209 = arith.index_cast %add3A_117 : i32 to index
      %get3A_210 = arith.constant 0 : index
      %get3A_211 = vector.load %arg20[%get3A_209, %get3A_210] : memref<544x1xf32, #tpu.memory_space<vmem>>, vector<32x1xf32>
      %mul3A_212 = arith.mulf %get3A_211, %select_n3A_202 : vector<32x1xf32>
      %mul3A_213 = arith.mulf %dot_general3A_177, %select_n3A_208 : vector<32x1xf32>
      %add3A_214 = arith.addf %mul3A_212, %mul3A_213 : vector<32x1xf32>
      %swap3A_215 = arith.index_cast %add3A_117 : i32 to index
      %swap3A_216 = arith.constant 0 : index
      %swap3A_217 = vector.load %arg20[%swap3A_215, %swap3A_216] : memref<544x1xf32, #tpu.memory_space<vmem>>, vector<32x1xf32>
      tpu.vector_store %arg20[%swap3A_215, %swap3A_216], %add3A_214 {strides = array<i32>} : memref<544x1xf32, #tpu.memory_space<vmem>>, vector<32x1xf32>,
      %get3A_218 = arith.index_cast %add3A_117 : i32 to index
      %get3A_219 = arith.constant 0 : index
      %get3A_220 = vector.load %arg21[%get3A_218, %get3A_219] : memref<544x1xf32, #tpu.memory_space<vmem>>, vector<32x1xf32>
      %mul3A_221 = arith.mulf %get3A_220, %select_n3A_202 : vector<32x1xf32>
      %mul3A_222 = arith.mulf %dot_general3A_179, %select_n3A_208 : vector<32x1xf32>
      %add3A_223 = arith.addf %mul3A_221, %mul3A_222 : vector<32x1xf32>
      %swap3A_224 = arith.index_cast %add3A_117 : i32 to index
      %swap3A_225 = arith.constant 0 : index
      %swap3A_226 = vector.load %arg21[%swap3A_224, %swap3A_225] : memref<544x1xf32, #tpu.memory_space<vmem>>, vector<32x1xf32>
      tpu.vector_store %arg21[%swap3A_224, %swap3A_225], %add3A_223 {strides = array<i32>} : memref<544x1xf32, #tpu.memory_space<vmem>>, vector<32x1xf32>,
      %get3A_227 = arith.index_cast %add3A_117 : i32 to index
      %get3A_228 = arith.constant 0 : index
      %get3A_229 = vector.load %arg22[%get3A_227, %get3A_228] : memref<544x128xf32, #tpu.memory_space<vmem>>, vector<32x128xf32>
      %mul3A_230 = vector.broadcast %select_n3A_202 : vector<32x1xf32> to vector<32x128xf32>
      %mul3A_231 = arith.mulf %get3A_229, %mul3A_230 : vector<32x128xf32>
      %mul3A_232 = vector.broadcast %select_n3A_208 : vector<32x1xf32> to vector<32x128xf32>
      %mul3A_233 = arith.mulf %dot_general3A_184, %mul3A_232 : vector<32x128xf32>
      %add3A_234 = arith.addf %mul3A_231, %mul3A_233 : vector<32x128xf32>
      %swap3A_235 = arith.index_cast %add3A_117 : i32 to index
      %swap3A_236 = arith.constant 0 : index
      %swap3A_237 = vector.load %arg22[%swap3A_235, %swap3A_236] : memref<544x128xf32, #tpu.memory_space<vmem>>, vector<32x128xf32>
      tpu.vector_store %arg22[%swap3A_235, %swap3A_236], %add3A_234 {strides = array<i32>} : memref<544x128xf32, #tpu.memory_space<vmem>>, vector<32x128xf32>,
      %get3A_238 = arith.index_cast %add3A_117 : i32 to index
      %get3A_239 = arith.constant 0 : index
      %get3A_240 = vector.load %arg23[%get3A_238, %get3A_239] : memref<544x128xf32, #tpu.memory_space<vmem>>, vector<32x128xf32>
      %mul3A_241 = vector.broadcast %select_n3A_202 : vector<32x1xf32> to vector<32x128xf32>
      %mul3A_242 = arith.mulf %get3A_240, %mul3A_241 : vector<32x128xf32>
      %mul3A_243 = vector.broadcast %select_n3A_208 : vector<32x1xf32> to vector<32x128xf32>
      %mul3A_244 = arith.mulf %dot_general3A_188, %mul3A_243 : vector<32x128xf32>
      %add3A_245 = arith.addf %mul3A_242, %mul3A_244 : vector<32x128xf32>
      %swap3A_246 = arith.index_cast %add3A_117 : i32 to index
      %swap3A_247 = arith.constant 0 : index
      %swap3A_248 = vector.load %arg23[%swap3A_246, %swap3A_247] : memref<544x128xf32, #tpu.memory_space<vmem>>, vector<32x128xf32>
      tpu.vector_store %arg23[%swap3A_246, %swap3A_247], %add3A_245 {strides = array<i32>} : memref<544x128xf32, #tpu.memory_space<vmem>>, vector<32x128xf32>,
      %swap3A_249 = arith.index_cast %add3A_117 : i32 to index
      %swap3A_250 = arith.constant 0 : index
      %swap3A_251 = vector.load %arg19[%swap3A_249, %swap3A_250] : memref<544x1xf32, #tpu.memory_space<vmem>>, vector<32x1xf32>
      tpu.vector_store %arg19[%swap3A_249, %swap3A_250], %select_n3A_197 {strides = array<i32>} : memref<544x1xf32, #tpu.memory_space<vmem>>, vector<32x1xf32>,
      %get3A_252 = arith.index_cast %add3A_117 : i32 to index
      %get3A_253 = arith.constant 0 : index
      %get3A_254 = vector.load %arg24[%get3A_252, %get3A_253] : memref<544x1xf32, #tpu.memory_space<vmem>>, vector<32x1xf32>
      %dot_general3A_255 = arith.constant dense<0.000000e+00> : vector<32x1xf32>
      %dot_general3A_256 = tpu.matmul %convert_element_type3A_124, %mul3A_59, %dot_general3A_255 {dimension_numbers = #tpu.dot_dimension_numbers<[0], [0], [1], [1], [0, 1, 1, 1], [], []>, transpose_lhs_hint = false} : vector<1280x32xf32>, vector<1280x1xf32>, vector<32x1xf32> -> vector<32x1xf32>
      %add3A_257 = arith.addf %get3A_254, %dot_general3A_256 : vector<32x1xf32>
      %swap3A_258 = arith.index_cast %add3A_117 : i32 to index
      %swap3A_259 = arith.constant 0 : index
      %swap3A_260 = vector.load %arg24[%swap3A_258, %swap3A_259] : memref<544x1xf32, #tpu.memory_space<vmem>>, vector<32x1xf32>
      tpu.vector_store %arg24[%swap3A_258, %swap3A_259], %add3A_257 {strides = array<i32>} : memref<544x1xf32, #tpu.memory_space<vmem>>, vector<32x1xf32>,
      %mul3A_261 = vector.broadcast %div3A_37 : vector<1280x1xf32> to vector<1280x128xf32>
      %mul3A_262 = arith.mulf %mul3A_261, %get3A_3 : vector<1280x128xf32>
      %mul3A_263 = vector.broadcast %sub3A_58 : vector<1280x1xf32> to vector<1280x128xf32>
      %mul3A_264 = arith.mulf %mul3A_263, %dot_general3A_129 : vector<1280x128xf32>
      %add3A_265 = arith.addf %mul3A_262, %mul3A_264 : vector<1280x128xf32>
      %sub3A_266 = arith.subf %add3A_265, %dot_general3A_129 : vector<1280x128xf32>
      %get3A_267 = arith.index_cast %add3A_117 : i32 to index
      %get3A_268 = arith.constant 0 : index
      %get3A_269 = vector.load %arg25[%get3A_267, %get3A_268] : memref<544x128xf32, #tpu.memory_space<vmem>>, vector<32x128xf32>
      %mul3A_270 = arith.mulf %sub3A_266, %sub3A_266 : vector<1280x128xf32>
      %dot_general3A_271 = arith.constant dense<0.000000e+00> : vector<32x128xf32>
      %dot_general3A_272 = tpu.matmul %convert_element_type3A_124, %mul3A_270, %dot_general3A_271 {dimension_numbers = #tpu.dot_dimension_numbers<[0], [0], [1], [1], [0, 1, 1, 1], [], []>, transpose_lhs_hint = false} : vector<1280x32xf32>, vector<1280x128xf32>, vector<32x128xf32> -> vector<32x128xf32>
      %add3A_273 = arith.addf %get3A_269, %dot_general3A_272 : vector<32x128xf32>
      %swap3A_274 = arith.index_cast %add3A_117 : i32 to index
      %swap3A_275 = arith.constant 0 : index
      %swap3A_276 = vector.load %arg25[%swap3A_274, %swap3A_275] : memref<544x128xf32, #tpu.memory_space<vmem>>, vector<32x128xf32>
      tpu.vector_store %arg25[%swap3A_274, %swap3A_275], %add3A_273 {strides = array<i32>} : memref<544x128xf32, #tpu.memory_space<vmem>>, vector<32x128xf32>,
    }
    %while3A_108 = arith.constant 1 : i32
    scf.for %while3A_114 = %while3A_106 to %while3A_102 step %while3A_108  : i32 {
      %mul3A_115 = arith.constant 32 : i32
      %mul3A_116 = arith.muli %while3A_114, %mul3A_115 : i32
      %add3A_117 = arith.addi %reduce_min3A_74, %mul3A_116 : i32
      %sub3A_118 = vector.broadcast %add3A_117 : i32 to vector<1280x1xi32>
      %sub3A_119 = arith.subi %get3A_62, %sub3A_118 : vector<1280x1xi32>
      %eq3A_120 = vector.broadcast %sub3A_119 : vector<1280x1xi32> to vector<1280x32xi32>
      %eq3A_121 = vector.broadcast %iota3A : vector<1x32xi32> to vector<1280x32xi32>
      %eq3A_122 = arith.cmpi eq, %eq3A_120, %eq3A_121 : vector<1280x32xi32>
      %convert_element_type3A_123 = arith.extui %eq3A_122 : vector<1280x32xi1> to vector<1280x32xi32>
      %convert_element_type3A_124 = arith.sitofp %convert_element_type3A_123 : vector<1280x32xi32> to vector<1280x32xf32>
      %get3A_125 = arith.index_cast %add3A_117 : i32 to index
      %get3A_126 = arith.constant 0 : index
      %get3A_127 = vector.load %arg9[%get3A_125, %get3A_126] : memref<544x128xf32, #tpu.memory_space<vmem>>, vector<32x128xf32>
      %dot_general3A_128 = arith.constant dense<0.000000e+00> : vector<1280x128xf32>
      %dot_general3A_129 = tpu.matmul %convert_element_type3A_124, %get3A_127, %dot_general3A_128 {dimension_numbers = #tpu.dot_dimension_numbers<[1], [0], [0], [1], [0, 0, 1, 1], [], []>, transpose_lhs_hint = false} : vector<1280x32xf32>, vector<32x128xf32>, vector<1280x128xf32> -> vector<1280x128xf32>
      %get3A_130 = arith.index_cast %add3A_117 : i32 to index
      %get3A_131 = arith.constant 0 : index
      %get3A_132 = vector.load %arg10[%get3A_130, %get3A_131] : memref<544x128xf32, #tpu.memory_space<vmem>>, vector<32x128xf32>
      %dot_general3A_133 = arith.constant dense<0.000000e+00> : vector<1280x128xf32>
      %dot_general3A_134 = tpu.matmul %convert_element_type3A_124, %get3A_132, %dot_general3A_133 {dimension_numbers = #tpu.dot_dimension_numbers<[1], [0], [0], [1], [0, 0, 1, 1], [], []>, transpose_lhs_hint = false} : vector<1280x32xf32>, vector<32x128xf32>, vector<1280x128xf32> -> vector<1280x128xf32>
      %mul3A_135 = vector.broadcast %get3A_65 : vector<1x128xf32> to vector<1280x128xf32>
      %mul3A_136 = arith.mulf %dot_general3A_129, %mul3A_135 : vector<1280x128xf32>
      %reduce_sum3A_137 = arith.constant dense<0.000000e+00> : vector<1280xf32>
      %reduce_sum3A_138 = vector.multi_reduction <add>, %mul3A_136, %reduce_sum3A_137 [1] : vector<1280x128xf32> to vector<1280xf32>
      %broadcast_in_dim3A_139 = vector.shape_cast %reduce_sum3A_138 : vector<1280xf32> to vector<1280x1xf32>
      %mul3A_140 = vector.broadcast %get3A_65 : vector<1x128xf32> to vector<1280x128xf32>
      %mul3A_141 = arith.mulf %dot_general3A_134, %mul3A_140 : vector<1280x128xf32>
      %mul3A_142 = arith.mulf %get3A_6, %mul3A_141 : vector<1280x128xf32>
      %reduce_sum3A_143 = arith.constant dense<0.000000e+00> : vector<1280xf32>
      %reduce_sum3A_144 = vector.multi_reduction <add>, %mul3A_142, %reduce_sum3A_143 [1] : vector<1280x128xf32> to vector<1280xf32>
      %broadcast_in_dim3A_145 = vector.shape_cast %reduce_sum3A_144 : vector<1280xf32> to vector<1280x1xf32>
      %mul3A_146 = arith.mulf %div3A_37, %broadcast_in_dim3A_70 : vector<1280x1xf32>
      %add3A_147 = arith.addf %broadcast_in_dim3A_139, %broadcast_in_dim3A_145 : vector<1280x1xf32>
      %mul3A_148 = arith.mulf %sub3A_58, %add3A_147 : vector<1280x1xf32>
      %add3A_149 = arith.addf %mul3A_146, %mul3A_148 : vector<1280x1xf32>
      %ge3A = arith.constant 0 : i32
      %ge3A_150 = vector.broadcast %ge3A : i32 to vector<1280x1xi32>
      %ge3A_151 = arith.cmpi sge, %sub3A_119, %ge3A_150 : vector<1280x1xi32>
      %lt3A = arith.constant 32 : i32
      %lt3A_152 = vector.broadcast %lt3A : i32 to vector<1280x1xi32>
      %lt3A_153 = arith.cmpi slt, %sub3A_119, %lt3A_152 : vector<1280x1xi32>
      %and3A_154 = arith.andi %ge3A_151, %lt3A_153 : vector<1280x1xi1>
      %jit3A_155 = arith.constant 0xFF800000 : f32
      %broadcast_in_dim3A_156 = vector.broadcast %jit3A_155 : f32 to vector<1280x1xf32>
      %select_n3A_157 = arith.select %and3A_154, %add3A_149, %broadcast_in_dim3A_156 : vector<1280x1xi1>, vector<1280x1xf32>
      %reduce_max3A_158 = vector.shape_cast %select_n3A_157 : vector<1280x1xf32> to vector<1x1280x1xf32>
      %reduce_max3A_159 = arith.constant dense<0xFF800000> : vector<1xf32>
      %reduce_max3A_160 = vector.multi_reduction <maximumf>, %reduce_max3A_158, %reduce_max3A_159 [1, 2] : vector<1x1280x1xf32> to vector<1xf32>
      %reduce_max3A_161 = vector.shape_cast %reduce_max3A_160 : vector<1xf32> to vector<1x1x1xf32>
      %reduce_max3A_162 = vector.extract %reduce_max3A_161[0, 0, 0] : f32 from vector<1x1x1xf32>
      %eq3A_163 = arith.constant 0xFF800000 : f32
      %eq3A_164 = arith.cmpf oeq, %reduce_max3A_162, %eq3A_163 : f32
      %jit3A_165 = arith.constant 0.000000e+00 : f32
      %select_n3A_166 = arith.select %eq3A_164, %jit3A_165, %reduce_max3A_162 : f32
      %sub3A_167 = vector.broadcast %select_n3A_166 : f32 to vector<1280x1xf32>
      %sub3A_168 = arith.subf %add3A_149, %sub3A_167 : vector<1280x1xf32>
      %min3A = arith.constant 0.000000e+00 : f32
      %min3A_169 = vector.broadcast %min3A : f32 to vector<1280x1xf32>
      %min3A_170 = arith.minimumf %sub3A_168, %min3A_169 : vector<1280x1xf32>
      %exp3A_171 = math.exp %min3A_170 : vector<1280x1xf32>
      %jit3A_172 = arith.constant 0.000000e+00 : f32
      %broadcast_in_dim3A_173 = vector.broadcast %jit3A_172 : f32 to vector<1280x1xf32>
      %select_n3A_174 = arith.select %and3A_154, %exp3A_171, %broadcast_in_dim3A_173 : vector<1280x1xi1>, vector<1280x1xf32>
      %mul3A_175 = arith.mulf %select_n3A_174, %sub3A_58 : vector<1280x1xf32>
      %dot_general3A_176 = arith.constant dense<0.000000e+00> : vector<32x1xf32>
      %dot_general3A_177 = tpu.matmul %convert_element_type3A_124, %select_n3A_174, %dot_general3A_176 {dimension_numbers = #tpu.dot_dimension_numbers<[0], [0], [1], [1], [0, 1, 1, 1], [], []>, transpose_lhs_hint = false} : vector<1280x32xf32>, vector<1280x1xf32>, vector<32x1xf32> -> vector<32x1xf32>
      %dot_general3A_178 = arith.constant dense<0.000000e+00> : vector<32x1xf32>
      %dot_general3A_179 = tpu.matmul %convert_element_type3A_124, %mul3A_175, %dot_general3A_178 {dimension_numbers = #tpu.dot_dimension_numbers<[0], [0], [1], [1], [0, 1, 1, 1], [], []>, transpose_lhs_hint = false} : vector<1280x32xf32>, vector<1280x1xf32>, vector<32x1xf32> -> vector<32x1xf32>
      %mul3A_180 = arith.mulf %select_n3A_174, %div3A_37 : vector<1280x1xf32>
      %mul3A_181 = vector.broadcast %mul3A_180 : vector<1280x1xf32> to vector<1280x128xf32>
      %mul3A_182 = arith.mulf %mul3A_181, %get3A_3 : vector<1280x128xf32>
      %dot_general3A_183 = arith.constant dense<0.000000e+00> : vector<32x128xf32>
      %dot_general3A_184 = tpu.matmul %convert_element_type3A_124, %mul3A_182, %dot_general3A_183 {dimension_numbers = #tpu.dot_dimension_numbers<[0], [0], [1], [1], [0, 1, 1, 1], [], []>, transpose_lhs_hint = false} : vector<1280x32xf32>, vector<1280x128xf32>, vector<32x128xf32> -> vector<32x128xf32>
      %mul3A_185 = vector.broadcast %mul3A_175 : vector<1280x1xf32> to vector<1280x128xf32>
      %mul3A_186 = arith.mulf %mul3A_185, %get3A_6 : vector<1280x128xf32>
      %dot_general3A_187 = arith.constant dense<0.000000e+00> : vector<32x128xf32>
      %dot_general3A_188 = tpu.matmul %convert_element_type3A_124, %mul3A_186, %dot_general3A_187 {dimension_numbers = #tpu.dot_dimension_numbers<[0], [0], [1], [1], [0, 1, 1, 1], [], []>, transpose_lhs_hint = false} : vector<1280x32xf32>, vector<1280x128xf32>, vector<32x128xf32> -> vector<32x128xf32>
      %gt3A_189 = arith.constant 0.000000e+00 : f32
      %gt3A_190 = vector.broadcast %gt3A_189 : f32 to vector<32x1xf32>
      %gt3A_191 = arith.cmpf ogt, %dot_general3A_177, %gt3A_190 : vector<32x1xf32>
      %get3A_192 = arith.index_cast %add3A_117 : i32 to index
      %get3A_193 = arith.constant 0 : index
      %get3A_194 = vector.load %arg19[%get3A_192, %get3A_193] : memref<544x1xf32, #tpu.memory_space<vmem>>, vector<32x1xf32>
      %max3A_195 = vector.broadcast %select_n3A_166 : f32 to vector<32x1xf32>
      %max3A_196 = arith.maximumf %get3A_194, %max3A_195 : vector<32x1xf32>
      %select_n3A_197 = arith.select %gt3A_191, %max3A_196, %get3A_194 : vector<32x1xi1>, vector<32x1xf32>
      %sub3A_198 = arith.subf %get3A_194, %select_n3A_197 : vector<32x1xf32>
      %exp3A_199 = math.exp %sub3A_198 : vector<32x1xf32>
      %jit3A_200 = arith.constant 1.000000e+00 : f32
      %broadcast_in_dim3A_201 = vector.broadcast %jit3A_200 : f32 to vector<32x1xf32>
      %select_n3A_202 = arith.select %gt3A_191, %exp3A_199, %broadcast_in_dim3A_201 : vector<32x1xi1>, vector<32x1xf32>
      %sub3A_203 = vector.broadcast %select_n3A_166 : f32 to vector<32x1xf32>
      %sub3A_204 = arith.subf %sub3A_203, %select_n3A_197 : vector<32x1xf32>
      %exp3A_205 = math.exp %sub3A_204 : vector<32x1xf32>
      %jit3A_206 = arith.constant 0.000000e+00 : f32
      %broadcast_in_dim3A_207 = vector.broadcast %jit3A_206 : f32 to vector<32x1xf32>
      %select_n3A_208 = arith.select %gt3A_191, %exp3A_205, %broadcast_in_dim3A_207 : vector<32x1xi1>, vector<32x1xf32>
      %get3A_209 = arith.index_cast %add3A_117 : i32 to index
      %get3A_210 = arith.constant 0 : index
      %get3A_211 = vector.load %arg20[%get3A_209, %get3A_210] : memref<544x1xf32, #tpu.memory_space<vmem>>, vector<32x1xf32>
      %mul3A_212 = arith.mulf %get3A_211, %select_n3A_202 : vector<32x1xf32>
      %mul3A_213 = arith.mulf %dot_general3A_177, %select_n3A_208 : vector<32x1xf32>
      %add3A_214 = arith.addf %mul3A_212, %mul3A_213 : vector<32x1xf32>
      %swap3A_215 = arith.index_cast %add3A_117 : i32 to index
      %swap3A_216 = arith.constant 0 : index
      %swap3A_217 = vector.load %arg20[%swap3A_215, %swap3A_216] : memref<544x1xf32, #tpu.memory_space<vmem>>, vector<32x1xf32>
      tpu.vector_store %arg20[%swap3A_215, %swap3A_216], %add3A_214 {strides = array<i32>} : memref<544x1xf32, #tpu.memory_space<vmem>>, vector<32x1xf32>,
      %get3A_218 = arith.index_cast %add3A_117 : i32 to index
      %get3A_219 = arith.constant 0 : index
      %get3A_220 = vector.load %arg21[%get3A_218, %get3A_219] : memref<544x1xf32, #tpu.memory_space<vmem>>, vector<32x1xf32>
      %mul3A_221 = arith.mulf %get3A_220, %select_n3A_202 : vector<32x1xf32>
      %mul3A_222 = arith.mulf %dot_general3A_179, %select_n3A_208 : vector<32x1xf32>
      %add3A_223 = arith.addf %mul3A_221, %mul3A_222 : vector<32x1xf32>
      %swap3A_224 = arith.index_cast %add3A_117 : i32 to index
      %swap3A_225 = arith.constant 0 : index
      %swap3A_226 = vector.load %arg21[%swap3A_224, %swap3A_225] : memref<544x1xf32, #tpu.memory_space<vmem>>, vector<32x1xf32>
      tpu.vector_store %arg21[%swap3A_224, %swap3A_225], %add3A_223 {strides = array<i32>} : memref<544x1xf32, #tpu.memory_space<vmem>>, vector<32x1xf32>,
      %get3A_227 = arith.index_cast %add3A_117 : i32 to index
      %get3A_228 = arith.constant 0 : index
      %get3A_229 = vector.load %arg22[%get3A_227, %get3A_228] : memref<544x128xf32, #tpu.memory_space<vmem>>, vector<32x128xf32>
      %mul3A_230 = vector.broadcast %select_n3A_202 : vector<32x1xf32> to vector<32x128xf32>
      %mul3A_231 = arith.mulf %get3A_229, %mul3A_230 : vector<32x128xf32>
      %mul3A_232 = vector.broadcast %select_n3A_208 : vector<32x1xf32> to vector<32x128xf32>
      %mul3A_233 = arith.mulf %dot_general3A_184, %mul3A_232 : vector<32x128xf32>
      %add3A_234 = arith.addf %mul3A_231, %mul3A_233 : vector<32x128xf32>
      %swap3A_235 = arith.index_cast %add3A_117 : i32 to index
      %swap3A_236 = arith.constant 0 : index
      %swap3A_237 = vector.load %arg22[%swap3A_235, %swap3A_236] : memref<544x128xf32, #tpu.memory_space<vmem>>, vector<32x128xf32>
      tpu.vector_store %arg22[%swap3A_235, %swap3A_236], %add3A_234 {strides = array<i32>} : memref<544x128xf32, #tpu.memory_space<vmem>>, vector<32x128xf32>,
      %get3A_238 = arith.index_cast %add3A_117 : i32 to index
      %get3A_239 = arith.constant 0 : index
      %get3A_240 = vector.load %arg23[%get3A_238, %get3A_239] : memref<544x128xf32, #tpu.memory_space<vmem>>, vector<32x128xf32>
      %mul3A_241 = vector.broadcast %select_n3A_202 : vector<32x1xf32> to vector<32x128xf32>
      %mul3A_242 = arith.mulf %get3A_240, %mul3A_241 : vector<32x128xf32>
      %mul3A_243 = vector.broadcast %select_n3A_208 : vector<32x1xf32> to vector<32x128xf32>
      %mul3A_244 = arith.mulf %dot_general3A_188, %mul3A_243 : vector<32x128xf32>
      %add3A_245 = arith.addf %mul3A_242, %mul3A_244 : vector<32x128xf32>
      %swap3A_246 = arith.index_cast %add3A_117 : i32 to index
      %swap3A_247 = arith.constant 0 : index
      %swap3A_248 = vector.load %arg23[%swap3A_246, %swap3A_247] : memref<544x128xf32, #tpu.memory_space<vmem>>, vector<32x128xf32>
      tpu.vector_store %arg23[%swap3A_246, %swap3A_247], %add3A_245 {strides = array<i32>} : memref<544x128xf32, #tpu.memory_space<vmem>>, vector<32x128xf32>,
      %swap3A_249 = arith.index_cast %add3A_117 : i32 to index
      %swap3A_250 = arith.constant 0 : index
      %swap3A_251 = vector.load %arg19[%swap3A_249, %swap3A_250] : memref<544x1xf32, #tpu.memory_space<vmem>>, vector<32x1xf32>
      tpu.vector_store %arg19[%swap3A_249, %swap3A_250], %select_n3A_197 {strides = array<i32>} : memref<544x1xf32, #tpu.memory_space<vmem>>, vector<32x1xf32>,
      %get3A_252 = arith.index_cast %add3A_117 : i32 to index
      %get3A_253 = arith.constant 0 : index
      %get3A_254 = vector.load %arg24[%get3A_252, %get3A_253] : memref<544x1xf32, #tpu.memory_space<vmem>>, vector<32x1xf32>
      %dot_general3A_255 = arith.constant dense<0.000000e+00> : vector<32x1xf32>
      %dot_general3A_256 = tpu.matmul %convert_element_type3A_124, %mul3A_59, %dot_general3A_255 {dimension_numbers = #tpu.dot_dimension_numbers<[0], [0], [1], [1], [0, 1, 1, 1], [], []>, transpose_lhs_hint = false} : vector<1280x32xf32>, vector<1280x1xf32>, vector<32x1xf32> -> vector<32x1xf32>
      %add3A_257 = arith.addf %get3A_254, %dot_general3A_256 : vector<32x1xf32>
      %swap3A_258 = arith.index_cast %add3A_117 : i32 to index
      %swap3A_259 = arith.constant 0 : index
      %swap3A_260 = vector.load %arg24[%swap3A_258, %swap3A_259] : memref<544x1xf32, #tpu.memory_space<vmem>>, vector<32x1xf32>
      tpu.vector_store %arg24[%swap3A_258, %swap3A_259], %add3A_257 {strides = array<i32>} : memref<544x1xf32, #tpu.memory_space<vmem>>, vector<32x1xf32>,
      %mul3A_261 = vector.broadcast %div3A_37 : vector<1280x1xf32> to vector<1280x128xf32>
      %mul3A_262 = arith.mulf %mul3A_261, %get3A_3 : vector<1280x128xf32>
      %mul3A_263 = vector.broadcast %sub3A_58 : vector<1280x1xf32> to vector<1280x128xf32>
      %mul3A_264 = arith.mulf %mul3A_263, %dot_general3A_129 : vector<1280x128xf32>
      %add3A_265 = arith.addf %mul3A_262, %mul3A_264 : vector<1280x128xf32>
      %sub3A_266 = arith.subf %add3A_265, %dot_general3A_129 : vector<1280x128xf32>
      %get3A_267 = arith.index_cast %add3A_117 : i32 to index
      %get3A_268 = arith.constant 0 : index
      %get3A_269 = vector.load %arg25[%get3A_267, %get3A_268] : memref<544x128xf32, #tpu.memory_space<vmem>>, vector<32x128xf32>
      %mul3A_270 = arith.mulf %sub3A_266, %sub3A_266 : vector<1280x128xf32>
      %dot_general3A_271 = arith.constant dense<0.000000e+00> : vector<32x128xf32>
      %dot_general3A_272 = tpu.matmul %convert_element_type3A_124, %mul3A_270, %dot_general3A_271 {dimension_numbers = #tpu.dot_dimension_numbers<[0], [0], [1], [1], [0, 1, 1, 1], [], []>, transpose_lhs_hint = false} : vector<1280x32xf32>, vector<1280x128xf32>, vector<32x128xf32> -> vector<32x128xf32>
      %add3A_273 = arith.addf %get3A_269, %dot_general3A_272 : vector<32x128xf32>
      %swap3A_274 = arith.index_cast %add3A_117 : i32 to index
      %swap3A_275 = arith.constant 0 : index
      %swap3A_276 = vector.load %arg25[%swap3A_274, %swap3A_275] : memref<544x128xf32, #tpu.memory_space<vmem>>, vector<32x128xf32>
      tpu.vector_store %arg25[%swap3A_274, %swap3A_275], %add3A_273 {strides = array<i32>} : memref<544x128xf32, #tpu.memory_space<vmem>>, vector<32x128xf32>,
    }
    %eq3A_109 = arith.constant 124 : i32
    %eq3A_110 = arith.cmpi eq, %arg0, %eq3A_109 : i32
    %convert_element_type3A_111 = arith.extui %eq3A_110 : i1 to i32
    %cond3A_112 = arith.constant 0 : i32
    %cond3A_113 = arith.cmpi ne, %convert_element_type3A_111, %cond3A_112 : i32
    scf.if %cond3A_113 {
      %get3A_114 = arith.constant 0 : index
      %get3A_115 = arith.constant 0 : index
      %get3A_116 = vector.load %arg22[%get3A_114, %get3A_115] : memref<544x128xf32, #tpu.memory_space<vmem>>, vector<512x128xf32>
      %get3A_117 = arith.constant 0 : index
      %get3A_118 = arith.constant 0 : index
      %get3A_119 = vector.load %arg21[%get3A_117, %get3A_118] : memref<544x1xf32, #tpu.memory_space<vmem>>, vector<512x1xf32>
      %get3A_120 = arith.constant 0 : index
      %get3A_121 = arith.constant 0 : index
      %get3A_122 = vector.load %arg9[%get3A_120, %get3A_121] : memref<544x128xf32, #tpu.memory_space<vmem>>, vector<512x128xf32>
      %mul3A_123 = vector.broadcast %get3A_119 : vector<512x1xf32> to vector<512x128xf32>
      %mul3A_124 = arith.mulf %mul3A_123, %get3A_122 : vector<512x128xf32>
      %add3A_125 = arith.addf %get3A_116, %mul3A_124 : vector<512x128xf32>
      %get3A_126 = arith.constant 0 : index
      %get3A_127 = arith.constant 0 : index
      %get3A_128 = vector.load %arg23[%get3A_126, %get3A_127] : memref<544x128xf32, #tpu.memory_space<vmem>>, vector<512x128xf32>
      %get3A_129 = arith.constant 0 : index
      %get3A_130 = arith.constant 0 : index
      %get3A_131 = vector.load %arg10[%get3A_129, %get3A_130] : memref<544x128xf32, #tpu.memory_space<vmem>>, vector<512x128xf32>
      %mul3A_132 = arith.mulf %get3A_128, %get3A_131 : vector<512x128xf32>
      %add3A_133 = arith.addf %add3A_125, %mul3A_132 : vector<512x128xf32>
      %get3A_134 = arith.constant 0 : index
      %get3A_135 = arith.constant 0 : index
      %get3A_136 = vector.load %arg20[%get3A_134, %get3A_135] : memref<544x1xf32, #tpu.memory_space<vmem>>, vector<512x1xf32>
      %add3A_137 = arith.constant 1.000000e-16 : f32
      %add3A_138 = vector.broadcast %add3A_137 : f32 to vector<512x1xf32>
      %add3A_139 = arith.addf %get3A_136, %add3A_138 : vector<512x1xf32>
      %div3A_140 = vector.broadcast %add3A_139 : vector<512x1xf32> to vector<512x128xf32>
      %div3A_141 = arith.divf %add3A_133, %div3A_140 : vector<512x128xf32>
      %swap3A_142 = arith.constant 0 : index
      %swap3A_143 = arith.constant 0 : index
      %swap3A_144 = vector.load %arg15[%swap3A_142, %swap3A_143] : memref<512x128xf32, #tpu.memory_space<vmem>>, vector<512x128xf32>
      tpu.vector_store %arg15[%swap3A_142, %swap3A_143], %div3A_141 {strides = array<i32>} : memref<512x128xf32, #tpu.memory_space<vmem>>, vector<512x128xf32>,
      %get3A_145 = arith.constant 0 : index
      %get3A_146 = arith.constant 0 : index
      %get3A_147 = vector.load %arg24[%get3A_145, %get3A_146] : memref<544x1xf32, #tpu.memory_space<vmem>>, vector<512x1xf32>
      %swap3A_148 = arith.constant 0 : index
      %swap3A_149 = arith.constant 0 : index
      %swap3A_150 = vector.load %arg16[%swap3A_148, %swap3A_149] : memref<512x1xf32, #tpu.memory_space<vmem>>, vector<512x1xf32>
      tpu.vector_store %arg16[%swap3A_148, %swap3A_149], %get3A_147 {strides = array<i32>} : memref<512x1xf32, #tpu.memory_space<vmem>>, vector<512x1xf32>,
      %get3A_151 = arith.constant 0 : index
      %get3A_152 = arith.constant 0 : index
      %get3A_153 = vector.load %arg25[%get3A_151, %get3A_152] : memref<544x128xf32, #tpu.memory_space<vmem>>, vector<512x128xf32>
      %swap3A_154 = arith.constant 0 : index
      %swap3A_155 = arith.constant 0 : index
      %swap3A_156 = vector.load %arg17[%swap3A_154, %swap3A_155] : memref<512x128xf32, #tpu.memory_space<vmem>>, vector<512x128xf32>
      tpu.vector_store %arg17[%swap3A_154, %swap3A_155], %get3A_153 {strides = array<i32>} : memref<512x128xf32, #tpu.memory_space<vmem>>, vector<512x128xf32>,
      %get3A_157 = arith.constant 0 : index
      %get3A_158 = arith.constant 0 : index
      %get3A_159 = vector.load %arg14[%get3A_157, %get3A_158] : memref<1x1xf32, #tpu.memory_space<vmem>>, vector<1x1xf32>
      %mul3A_160 = arith.constant 6.250000e-06 : f32
      %mul3A_161 = vector.broadcast %mul3A_160 : f32 to vector<1x1xf32>
      %mul3A_162 = arith.mulf %get3A_159, %mul3A_161 : vector<1x1xf32>
      %swap3A_163 = arith.constant 0 : index
      %swap3A_164 = arith.constant 0 : index
      %swap3A_165 = vector.load %arg14[%swap3A_163, %swap3A_164] : memref<1x1xf32, #tpu.memory_space<vmem>>, vector<1x1xf32>
      tpu.vector_store %arg14[%swap3A_163, %swap3A_164], %mul3A_162 {strides = array<i32>} : memref<1x1xf32, #tpu.memory_space<vmem>>, vector<1x1xf32>,
    } else {
    }
    return
  }
  func.func @transform_0(%arg0: i32) -> (i32, i32) {
    %c0_i32 = arith.constant 0 : i32
    %c0_i32_0 = arith.constant 0 : i32
    return %arg0, %c0_i32 : i32, i32
  }
  func.func @transform_1(%arg0: i32) -> (i32, i32) {
    %c0_i32 = arith.constant 0 : i32
    %c0_i32_0 = arith.constant 0 : i32
    return %arg0, %c0_i32 : i32, i32
  }
  func.func @transform_2(%arg0: i32) -> (i32, i32) {
    %c0_i32 = arith.constant 0 : i32
    %c0_i32_0 = arith.constant 0 : i32
    return %arg0, %c0_i32 : i32, i32
  }
  func.func @transform_3(%arg0: i32) -> (i32, i32) {
    %c0_i32 = arith.constant 0 : i32
    %c0_i32_0 = arith.constant 0 : i32
    return %arg0, %c0_i32 : i32, i32
  }
  func.func @transform_4(%arg0: i32) -> (i32, i32) {
    %c0_i32 = arith.constant 0 : i32
    %c0_i32_0 = arith.constant 0 : i32
    %c0_i32_1 = arith.constant 0 : i32
    return %c0_i32, %c0_i32_0 : i32, i32
  }
  func.func @transform_5(%arg0: i32) -> (i32, i32) {
    %c0_i32 = arith.constant 0 : i32
    %c0_i32_0 = arith.constant 0 : i32
    %c0_i32_1 = arith.constant 0 : i32
    return %c0_i32, %c0_i32_0 : i32, i32
  }
  func.func @transform_6(%arg0: i32) -> (i32, i32) {
    %c0_i32 = arith.constant 0 : i32
    %c0_i32_0 = arith.constant 0 : i32
    %c0_i32_1 = arith.constant 0 : i32
    return %c0_i32, %c0_i32_0 : i32, i32
  }
  func.func @transform_7(%arg0: i32) -> (i32, i32) {
    %c0_i32 = arith.constant 0 : i32
    %c0_i32_0 = arith.constant 0 : i32
    %c0_i32_1 = arith.constant 0 : i32
    return %c0_i32, %c0_i32_0 : i32, i32
  }
  func.func @transform_8(%arg0: i32) -> (i32, i32) {
    %c0_i32 = arith.constant 0 : i32
    %c0_i32_0 = arith.constant 0 : i32
    %c0_i32_1 = arith.constant 0 : i32
    return %c0_i32, %c0_i32_0 : i32, i32
  }
  func.func @transform_9(%arg0: i32) -> (i32, i32) {
    %c0_i32 = arith.constant 0 : i32
    %c0_i32_0 = arith.constant 0 : i32
    %c0_i32_1 = arith.constant 0 : i32
    return %c0_i32, %c0_i32_0 : i32, i32
  }
  func.func @transform_10(%arg0: i32) -> (i32, i32) {
    %c0_i32 = arith.constant 0 : i32
    %c0_i32_0 = arith.constant 0 : i32
    %c0_i32_1 = arith.constant 0 : i32
    return %c0_i32, %c0_i32_0 : i32, i32
  }
  func.func @transform_11(%arg0: i32) -> (i32, i32) {
    %c0_i32 = arith.constant 0 : i32
    %c0_i32_0 = arith.constant 0 : i32
    %c0_i32_1 = arith.constant 0 : i32
    return %c0_i32, %c0_i32_0 : i32, i32
  }
  func.func @transform_12(%arg0: i32) -> (i32, i32) {
    %c0_i32 = arith.constant 0 : i32
    %c0_i32_0 = arith.constant 0 : i32
    return %arg0, %c0_i32 : i32, i32
  }
  func.func @transform_13(%arg0: i32) -> (i32, i32) {
    %c0_i32 = arith.constant 0 : i32
    %c0_i32_0 = arith.constant 0 : i32
    %c0_i32_1 = arith.constant 0 : i32
    return %c0_i32, %c0_i32_0 : i32, i32
  }
  func.func @transform_14(%arg0: i32) -> (i32, i32) {
    %c0_i32 = arith.constant 0 : i32
    %c0_i32_0 = arith.constant 0 : i32
    %c0_i32_1 = arith.constant 0 : i32
    return %c0_i32, %c0_i32_0 : i32, i32
  }
  func.func @transform_15(%arg0: i32) -> (i32, i32) {
    %c0_i32 = arith.constant 0 : i32
    %c0_i32_0 = arith.constant 0 : i32
    %c0_i32_1 = arith.constant 0 : i32
    return %c0_i32, %c0_i32_0 : i32, i32
  }
  func.func @transform_16(%arg0: i32) -> (i32, i32) {
    %c0_i32 = arith.constant 0 : i32
    %c0_i32_0 = arith.constant 0 : i32
    %c0_i32_1 = arith.constant 0 : i32
    return %c0_i32, %c0_i32_0 : i32, i32
  }
}

module attributes {stable_mosaic.version = 14 : i64} {
  func.func @_s2s2_body(%arg0: i32, %arg1: memref<1280x128xf32, #tpu.memory_space<vmem>>, %arg2: memref<1280x128xf32, #tpu.memory_space<vmem>>, %arg3: memref<1280x1xi32, #tpu.memory_space<vmem>>, %arg4: memref<1280x1xf32, #tpu.memory_space<vmem>>, %arg5: memref<544x128xf32, #tpu.memory_space<vmem>>, %arg6: memref<544x128xf32, #tpu.memory_space<vmem>>, %arg7: memref<512x128xf32, #tpu.memory_space<vmem>>, %arg8: memref<512x1xf32, #tpu.memory_space<vmem>>, %arg9: memref<512x128xf32, #tpu.memory_space<vmem>>, %arg10: memref<1x512xf32, #tpu.memory_space<vmem>>, %arg11: memref<1x512xf32, #tpu.memory_space<vmem>>, %arg12: memref<128x512xf32, #tpu.memory_space<vmem>>, %arg13: memref<128x512xf32, #tpu.memory_space<vmem>>, %arg14: memref<128x512xf32, #tpu.memory_space<vmem>>, %arg15: memref<128x256xf32, #tpu.memory_space<vmem>>, %arg16: memref<128x256xf32, #tpu.memory_space<vmem>>, %arg17: memref<1x256xf32, #tpu.memory_space<vmem>>, %arg18: memref<256x128xf32, #tpu.memory_space<vmem>>, %arg19: memref<1x128xf32, #tpu.memory_space<vmem>>, %arg20: memref<128x64xf32, #tpu.memory_space<vmem>>, %arg21: memref<1x64xf32, #tpu.memory_space<vmem>>, %arg22: memref<512x64xf32, #tpu.memory_space<vmem>>, %arg23: memref<1x1xf32, #tpu.memory_space<vmem>>, %arg24: memref<544x128xf32, #tpu.memory_space<vmem>>, %arg25: memref<544x1xf32, #tpu.memory_space<vmem>>, %arg26: memref<544x1xf32, #tpu.memory_space<vmem>>, %arg27: memref<544x1xf32, #tpu.memory_space<vmem>>, %arg28: memref<544x128xf32, #tpu.memory_space<vmem>>, %arg29: memref<544x128xf32, #tpu.memory_space<vmem>>) attributes {dimension_semantics = [#tpu.dimension_semantics<arbitrary>], iteration_bounds = array<i64: 125>, scalar_prefetch = 0 : i64, scratch_operands = 6 : i64, tpu.core_type = #tpu.core_type<tc>, window_params = [{transform_indices = @transform_0, window_bounds = array<i64: 1280, 128>}, {transform_indices = @transform_1, window_bounds = array<i64: 1280, 128>}, {transform_indices = @transform_2, window_bounds = array<i64: 1280, 1>}, {transform_indices = @transform_3, window_bounds = array<i64: 1280, 1>}, {pipeline_mode = #tpu.pipeline_mode<synchronous>, transform_indices = @transform_4, window_bounds = array<i64: 544, 128>}, {pipeline_mode = #tpu.pipeline_mode<synchronous>, transform_indices = @transform_5, window_bounds = array<i64: 544, 128>}, {pipeline_mode = #tpu.pipeline_mode<synchronous>, transform_indices = @transform_6, window_bounds = array<i64: 512, 128>}, {pipeline_mode = #tpu.pipeline_mode<synchronous>, transform_indices = @transform_7, window_bounds = array<i64: 512, 1>}, {pipeline_mode = #tpu.pipeline_mode<synchronous>, transform_indices = @transform_8, window_bounds = array<i64: 512, 128>}, {pipeline_mode = #tpu.pipeline_mode<synchronous>, transform_indices = @transform_9, window_bounds = array<i64: 1, 512>}, {pipeline_mode = #tpu.pipeline_mode<synchronous>, transform_indices = @transform_10, window_bounds = array<i64: 1, 512>}, {pipeline_mode = #tpu.pipeline_mode<synchronous>, transform_indices = @transform_11, window_bounds = array<i64: 128, 512>}, {pipeline_mode = #tpu.pipeline_mode<synchronous>, transform_indices = @transform_12, window_bounds = array<i64: 128, 512>}, {pipeline_mode = #tpu.pipeline_mode<synchronous>, transform_indices = @transform_13, window_bounds = array<i64: 128, 512>}, {pipeline_mode = #tpu.pipeline_mode<synchronous>, transform_indices = @transform_14, window_bounds = array<i64: 128, 256>}, {pipeline_mode = #tpu.pipeline_mode<synchronous>, transform_indices = @transform_15, window_bounds = array<i64: 128, 256>}, {pipeline_mode = #tpu.pipeline_mode<synchronous>, transform_indices = @transform_16, window_bounds = array<i64: 1, 256>}, {pipeline_mode = #tpu.pipeline_mode<synchronous>, transform_indices = @transform_17, window_bounds = array<i64: 256, 128>}, {pipeline_mode = #tpu.pipeline_mode<synchronous>, transform_indices = @transform_18, window_bounds = array<i64: 1, 128>}, {pipeline_mode = #tpu.pipeline_mode<synchronous>, transform_indices = @transform_19, window_bounds = array<i64: 128, 64>}, {pipeline_mode = #tpu.pipeline_mode<synchronous>, transform_indices = @transform_20, window_bounds = array<i64: 1, 64>}, {pipeline_mode = #tpu.pipeline_mode<synchronous>, transform_indices = @transform_21, window_bounds = array<i64: 512, 64>}, {pipeline_mode = #tpu.pipeline_mode<synchronous>, transform_indices = @transform_22, window_bounds = array<i64: 1, 1>}]} {
    %eq3A = arith.constant 0 : i32
    %eq3A_0 = arith.cmpi eq, %arg0, %eq3A : i32
    %convert_element_type3A = arith.extui %eq3A_0 : i1 to i32
    %cond3A = arith.constant 0 : i32
    %cond3A_1 = arith.cmpi ne, %convert_element_type3A, %cond3A : i32
    scf.if %cond3A_1 {
      %get3A_56 = arith.constant 0 : index
      %get3A_57 = arith.constant 0 : index
      %get3A_58 = vector.load %arg10[%get3A_56, %get3A_57] : memref<1x512xf32, #tpu.memory_space<vmem>>, vector<1x512xf32>
      %get3A_59 = arith.constant 0 : index
      %get3A_60 = arith.constant 0 : index
      %get3A_61 = vector.load %arg11[%get3A_59, %get3A_60] : memref<1x512xf32, #tpu.memory_space<vmem>>, vector<1x512xf32>
      %add3A_62 = arith.addf %get3A_58, %get3A_61 : vector<1x512xf32>
      %slice3A = vector.extract_strided_slice %add3A_62 {offsets = [0, 0], sizes = [1, 128], strides = [1, 1]} : vector<1x512xf32> to vector<1x128xf32>
      %neg3A = arith.constant 0.000000e+00 : f32
      %neg3A_63 = vector.broadcast %neg3A : f32 to vector<1x128xf32>
      %neg3A_64 = arith.subf %neg3A_63, %slice3A : vector<1x128xf32>
      %exp3A = math.exp %neg3A_64 : vector<1x128xf32>
      %add3A_65 = arith.constant 1.000000e+00 : f32
      %add3A_66 = vector.broadcast %add3A_65 : f32 to vector<1x128xf32>
      %add3A_67 = arith.addf %add3A_66, %exp3A : vector<1x128xf32>
      %div3A_68 = arith.constant 1.000000e+00 : f32
      %div3A_69 = vector.broadcast %div3A_68 : f32 to vector<1x128xf32>
      %div3A_70 = arith.divf %div3A_69, %add3A_67 : vector<1x128xf32>
      %slice3A_71 = vector.extract_strided_slice %add3A_62 {offsets = [0, 256], sizes = [1, 128], strides = [1, 1]} : vector<1x512xf32> to vector<1x128xf32>
      %tanh3A = math.tanh %slice3A_71 : vector<1x128xf32>
      %slice3A_72 = vector.extract_strided_slice %add3A_62 {offsets = [0, 384], sizes = [1, 128], strides = [1, 1]} : vector<1x512xf32> to vector<1x128xf32>
      %neg3A_73 = arith.constant 0.000000e+00 : f32
      %neg3A_74 = vector.broadcast %neg3A_73 : f32 to vector<1x128xf32>
      %neg3A_75 = arith.subf %neg3A_74, %slice3A_72 : vector<1x128xf32>
      %exp3A_76 = math.exp %neg3A_75 : vector<1x128xf32>
      %add3A_77 = arith.constant 1.000000e+00 : f32
      %add3A_78 = vector.broadcast %add3A_77 : f32 to vector<1x128xf32>
      %add3A_79 = arith.addf %add3A_78, %exp3A_76 : vector<1x128xf32>
      %div3A_80 = arith.constant 1.000000e+00 : f32
      %div3A_81 = vector.broadcast %div3A_80 : f32 to vector<1x128xf32>
      %div3A_82 = arith.divf %div3A_81, %add3A_79 : vector<1x128xf32>
      %mul3A = arith.mulf %div3A_70, %tanh3A : vector<1x128xf32>
      %tanh3A_83 = math.tanh %mul3A : vector<1x128xf32>
      %mul3A_84 = arith.mulf %div3A_82, %tanh3A_83 : vector<1x128xf32>
      %get3A_85 = arith.constant 0 : index
      %get3A_86 = arith.constant 0 : index
      %get3A_87 = vector.load %arg12[%get3A_85, %get3A_86] : memref<128x512xf32, #tpu.memory_space<vmem>>, vector<128x512xf32>
      %dot_general3A = arith.constant dense<0.000000e+00> : vector<1x512xf32>
      %dot_general3A_88 = tpu.matmul %mul3A_84, %get3A_87, %dot_general3A {dimension_numbers = #tpu.dot_dimension_numbers<[1], [0], [0], [1], [0, 0, 1, 1], [], []>, transpose_lhs_hint = false} : vector<1x128xf32>, vector<128x512xf32>, vector<1x512xf32> -> vector<1x512xf32>
      %get3A_89 = arith.constant 0 : index
      %get3A_90 = arith.constant 0 : index
      %get3A_91 = vector.load %arg14[%get3A_89, %get3A_90] : memref<128x512xf32, #tpu.memory_space<vmem>>, vector<128x512xf32>
      %dot_general3A_92 = arith.constant dense<0.000000e+00> : vector<1x512xf32>
      %dot_general3A_93 = tpu.matmul %mul3A_84, %get3A_91, %dot_general3A_92 {dimension_numbers = #tpu.dot_dimension_numbers<[1], [0], [0], [1], [0, 0, 1, 1], [], []>, transpose_lhs_hint = false} : vector<1x128xf32>, vector<128x512xf32>, vector<1x512xf32> -> vector<1x512xf32>
      %add3A_94 = arith.addf %dot_general3A_88, %dot_general3A_93 : vector<1x512xf32>
      %get3A_95 = arith.constant 0 : index
      %get3A_96 = arith.constant 0 : index
      %get3A_97 = vector.load %arg10[%get3A_95, %get3A_96] : memref<1x512xf32, #tpu.memory_space<vmem>>, vector<1x512xf32>
      %add3A_98 = arith.addf %add3A_94, %get3A_97 : vector<1x512xf32>
      %get3A_99 = arith.constant 0 : index
      %get3A_100 = arith.constant 0 : index
      %get3A_101 = vector.load %arg11[%get3A_99, %get3A_100] : memref<1x512xf32, #tpu.memory_space<vmem>>, vector<1x512xf32>
      %add3A_102 = arith.addf %add3A_98, %get3A_101 : vector<1x512xf32>
      %get3A_103 = arith.constant 0 : index
      %get3A_104 = arith.constant 0 : index
      %get3A_105 = vector.load %arg7[%get3A_103, %get3A_104] : memref<512x128xf32, #tpu.memory_space<vmem>>, vector<512x128xf32>
      %get3A_106 = arith.constant 0 : index
      %get3A_107 = arith.constant 0 : index
      %get3A_108 = vector.load %arg13[%get3A_106, %get3A_107] : memref<128x512xf32, #tpu.memory_space<vmem>>, vector<128x512xf32>
      %dot_general3A_109 = arith.constant dense<0.000000e+00> : vector<512x512xf32>
      %dot_general3A_110 = tpu.matmul %get3A_105, %get3A_108, %dot_general3A_109 {dimension_numbers = #tpu.dot_dimension_numbers<[1], [0], [0], [1], [0, 0, 1, 1], [], []>, transpose_lhs_hint = false} : vector<512x128xf32>, vector<128x512xf32>, vector<512x512xf32> -> vector<512x512xf32>
      %add3A_111 = vector.broadcast %add3A_102 : vector<1x512xf32> to vector<512x512xf32>
      %add3A_112 = arith.addf %dot_general3A_110, %add3A_111 : vector<512x512xf32>
      %slice3A_113 = vector.extract_strided_slice %add3A_112 {offsets = [0, 0], sizes = [512, 128], strides = [1, 1]} : vector<512x512xf32> to vector<512x128xf32>
      %neg3A_114 = arith.constant 0.000000e+00 : f32
      %neg3A_115 = vector.broadcast %neg3A_114 : f32 to vector<512x128xf32>
      %neg3A_116 = arith.subf %neg3A_115, %slice3A_113 : vector<512x128xf32>
      %exp3A_117 = math.exp %neg3A_116 : vector<512x128xf32>
      %add3A_118 = arith.constant 1.000000e+00 : f32
      %add3A_119 = vector.broadcast %add3A_118 : f32 to vector<512x128xf32>
      %add3A_120 = arith.addf %add3A_119, %exp3A_117 : vector<512x128xf32>
      %div3A_121 = arith.constant 1.000000e+00 : f32
      %div3A_122 = vector.broadcast %div3A_121 : f32 to vector<512x128xf32>
      %div3A_123 = arith.divf %div3A_122, %add3A_120 : vector<512x128xf32>
      %slice3A_124 = vector.extract_strided_slice %add3A_112 {offsets = [0, 128], sizes = [512, 128], strides = [1, 1]} : vector<512x512xf32> to vector<512x128xf32>
      %neg3A_125 = arith.constant 0.000000e+00 : f32
      %neg3A_126 = vector.broadcast %neg3A_125 : f32 to vector<512x128xf32>
      %neg3A_127 = arith.subf %neg3A_126, %slice3A_124 : vector<512x128xf32>
      %exp3A_128 = math.exp %neg3A_127 : vector<512x128xf32>
      %add3A_129 = arith.constant 1.000000e+00 : f32
      %add3A_130 = vector.broadcast %add3A_129 : f32 to vector<512x128xf32>
      %add3A_131 = arith.addf %add3A_130, %exp3A_128 : vector<512x128xf32>
      %div3A_132 = arith.constant 1.000000e+00 : f32
      %div3A_133 = vector.broadcast %div3A_132 : f32 to vector<512x128xf32>
      %div3A_134 = arith.divf %div3A_133, %add3A_131 : vector<512x128xf32>
      %slice3A_135 = vector.extract_strided_slice %add3A_112 {offsets = [0, 256], sizes = [512, 128], strides = [1, 1]} : vector<512x512xf32> to vector<512x128xf32>
      %tanh3A_136 = math.tanh %slice3A_135 : vector<512x128xf32>
      %slice3A_137 = vector.extract_strided_slice %add3A_112 {offsets = [0, 384], sizes = [512, 128], strides = [1, 1]} : vector<512x512xf32> to vector<512x128xf32>
      %neg3A_138 = arith.constant 0.000000e+00 : f32
      %neg3A_139 = vector.broadcast %neg3A_138 : f32 to vector<512x128xf32>
      %neg3A_140 = arith.subf %neg3A_139, %slice3A_137 : vector<512x128xf32>
      %exp3A_141 = math.exp %neg3A_140 : vector<512x128xf32>
      %add3A_142 = arith.constant 1.000000e+00 : f32
      %add3A_143 = vector.broadcast %add3A_142 : f32 to vector<512x128xf32>
      %add3A_144 = arith.addf %add3A_143, %exp3A_141 : vector<512x128xf32>
      %div3A_145 = arith.constant 1.000000e+00 : f32
      %div3A_146 = vector.broadcast %div3A_145 : f32 to vector<512x128xf32>
      %div3A_147 = arith.divf %div3A_146, %add3A_144 : vector<512x128xf32>
      %mul3A_148 = vector.broadcast %mul3A : vector<1x128xf32> to vector<512x128xf32>
      %mul3A_149 = arith.mulf %div3A_134, %mul3A_148 : vector<512x128xf32>
      %mul3A_150 = arith.mulf %div3A_123, %tanh3A_136 : vector<512x128xf32>
      %add3A_151 = arith.addf %mul3A_149, %mul3A_150 : vector<512x128xf32>
      %tanh3A_152 = math.tanh %add3A_151 : vector<512x128xf32>
      %mul3A_153 = arith.mulf %div3A_147, %tanh3A_152 : vector<512x128xf32>
      %swap3A = arith.constant 0 : index
      %swap3A_154 = arith.constant 0 : index
      %swap3A_155 = vector.load %arg24[%swap3A, %swap3A_154] : memref<544x128xf32, #tpu.memory_space<vmem>>, vector<512x128xf32>
      tpu.vector_store %arg24[%swap3A, %swap3A_154], %mul3A_153 {strides = array<i32>} : memref<544x128xf32, #tpu.memory_space<vmem>>, vector<512x128xf32>,
      %broadcast_in_dim3A = arith.constant 0.000000e+00 : f32
      %broadcast_in_dim3A_156 = vector.broadcast %broadcast_in_dim3A : f32 to vector<32x128xf32>
      %swap3A_157 = arith.constant 512 : index
      %swap3A_158 = arith.constant 0 : index
      %swap3A_159 = vector.load %arg24[%swap3A_157, %swap3A_158] : memref<544x128xf32, #tpu.memory_space<vmem>>, vector<32x128xf32>
      tpu.vector_store %arg24[%swap3A_157, %swap3A_158], %broadcast_in_dim3A_156 {strides = array<i32>} : memref<544x128xf32, #tpu.memory_space<vmem>>, vector<32x128xf32>,
      %broadcast_in_dim3A_160 = arith.constant 0xFF800000 : f32
      %broadcast_in_dim3A_161 = vector.broadcast %broadcast_in_dim3A_160 : f32 to vector<544x1xf32>
      %swap3A_162 = arith.constant 0 : index
      %swap3A_163 = arith.constant 0 : index
      %swap3A_164 = vector.load %arg25[%swap3A_162, %swap3A_163] : memref<544x1xf32, #tpu.memory_space<vmem>>, vector<544x1xf32>
      tpu.vector_store %arg25[%swap3A_162, %swap3A_163], %broadcast_in_dim3A_161 {strides = array<i32>} : memref<544x1xf32, #tpu.memory_space<vmem>>, vector<544x1xf32>,
      %broadcast_in_dim3A_165 = arith.constant 0.000000e+00 : f32
      %broadcast_in_dim3A_166 = vector.broadcast %broadcast_in_dim3A_165 : f32 to vector<544x1xf32>
      %swap3A_167 = arith.constant 0 : index
      %swap3A_168 = arith.constant 0 : index
      %swap3A_169 = vector.load %arg26[%swap3A_167, %swap3A_168] : memref<544x1xf32, #tpu.memory_space<vmem>>, vector<544x1xf32>
      tpu.vector_store %arg26[%swap3A_167, %swap3A_168], %broadcast_in_dim3A_166 {strides = array<i32>} : memref<544x1xf32, #tpu.memory_space<vmem>>, vector<544x1xf32>,
      %broadcast_in_dim3A_170 = arith.constant 0.000000e+00 : f32
      %broadcast_in_dim3A_171 = vector.broadcast %broadcast_in_dim3A_170 : f32 to vector<544x1xf32>
      %swap3A_172 = arith.constant 0 : index
      %swap3A_173 = arith.constant 0 : index
      %swap3A_174 = vector.load %arg27[%swap3A_172, %swap3A_173] : memref<544x1xf32, #tpu.memory_space<vmem>>, vector<544x1xf32>
      tpu.vector_store %arg27[%swap3A_172, %swap3A_173], %broadcast_in_dim3A_171 {strides = array<i32>} : memref<544x1xf32, #tpu.memory_space<vmem>>, vector<544x1xf32>,
      %broadcast_in_dim3A_175 = arith.constant 0.000000e+00 : f32
      %broadcast_in_dim3A_176 = vector.broadcast %broadcast_in_dim3A_175 : f32 to vector<544x128xf32>
      %swap3A_177 = arith.constant 0 : index
      %swap3A_178 = arith.constant 0 : index
      %swap3A_179 = vector.load %arg28[%swap3A_177, %swap3A_178] : memref<544x128xf32, #tpu.memory_space<vmem>>, vector<544x128xf32>
      tpu.vector_store %arg28[%swap3A_177, %swap3A_178], %broadcast_in_dim3A_176 {strides = array<i32>} : memref<544x128xf32, #tpu.memory_space<vmem>>, vector<544x128xf32>,
      %broadcast_in_dim3A_180 = arith.constant 0.000000e+00 : f32
      %broadcast_in_dim3A_181 = vector.broadcast %broadcast_in_dim3A_180 : f32 to vector<544x128xf32>
      %swap3A_182 = arith.constant 0 : index
      %swap3A_183 = arith.constant 0 : index
      %swap3A_184 = vector.load %arg29[%swap3A_182, %swap3A_183] : memref<544x128xf32, #tpu.memory_space<vmem>>, vector<544x128xf32>
      tpu.vector_store %arg29[%swap3A_182, %swap3A_183], %broadcast_in_dim3A_181 {strides = array<i32>} : memref<544x128xf32, #tpu.memory_space<vmem>>, vector<544x128xf32>,
    } else {
    }
    %get3A = arith.constant 0 : index
    %get3A_2 = arith.constant 0 : index
    %get3A_3 = vector.load %arg1[%get3A, %get3A_2] : memref<1280x128xf32, #tpu.memory_space<vmem>>, vector<1280x128xf32>
    %get3A_4 = arith.constant 0 : index
    %get3A_5 = arith.constant 0 : index
    %get3A_6 = vector.load %arg2[%get3A_4, %get3A_5] : memref<1280x128xf32, #tpu.memory_space<vmem>>, vector<1280x128xf32>
    %get3A_7 = arith.constant 0 : index
    %get3A_8 = arith.constant 0 : index
    %get3A_9 = vector.load %arg4[%get3A_7, %get3A_8] : memref<1280x1xf32, #tpu.memory_space<vmem>>, vector<1280x1xf32>
    %sub3A = arith.constant 1.000000e+00 : f32
    %sub3A_10 = vector.broadcast %sub3A : f32 to vector<1280x1xf32>
    %sub3A_11 = arith.subf %sub3A_10, %get3A_9 : vector<1280x1xf32>
    %get3A_12 = arith.constant 0 : index
    %get3A_13 = arith.constant 0 : index
    %get3A_14 = vector.load %arg3[%get3A_12, %get3A_13] : memref<1280x1xi32, #tpu.memory_space<vmem>>, vector<1280x1xi32>
    %reduce_min3A = vector.shape_cast %get3A_14 : vector<1280x1xi32> to vector<1x1280x1xi32>
    %reduce_min3A_15 = arith.constant dense<2147483647> : vector<1xi32>
    %reduce_min3A_16 = vector.multi_reduction <minsi>, %reduce_min3A, %reduce_min3A_15 [1, 2] : vector<1x1280x1xi32> to vector<1xi32>
    %reduce_min3A_17 = vector.shape_cast %reduce_min3A_16 : vector<1xi32> to vector<1x1x1xi32>
    %reduce_min3A_18 = vector.extract %reduce_min3A_17[0, 0, 0] : i32 from vector<1x1x1xi32>
    %reduce_max3A = vector.shape_cast %get3A_14 : vector<1280x1xi32> to vector<1x1280x1xi32>
    %reduce_max3A_19 = arith.constant dense<-2147483648> : vector<1xi32>
    %reduce_max3A_20 = vector.multi_reduction <maxsi>, %reduce_max3A, %reduce_max3A_19 [1, 2] : vector<1x1280x1xi32> to vector<1xi32>
    %reduce_max3A_21 = vector.shape_cast %reduce_max3A_20 : vector<1xi32> to vector<1x1x1xi32>
    %reduce_max3A_22 = vector.extract %reduce_max3A_21[0, 0, 0] : i32 from vector<1x1x1xi32>
    %iota3A = tpu.iota {dimensions = array<i32: 1>} : vector<1x32xi32>
    %sub3A_23 = arith.subi %reduce_max3A_22, %reduce_min3A_18 : i32
    %jit3A = arith.constant 32 : i32
    %div3A = arith.divsi %sub3A_23, %jit3A : i32
    %sign3A = arith.constant 0 : i32
    %sign3A_24 = arith.cmpi sgt, %sub3A_23, %sign3A : i32
    %sign3A_25 = arith.extui %sign3A_24 : i1 to i32
    %sign3A_26 = arith.constant 0 : i32
    %sign3A_27 = arith.cmpi slt, %sub3A_23, %sign3A_26 : i32
    %sign3A_28 = arith.extui %sign3A_27 : i1 to i32
    %sign3A_29 = arith.subi %sign3A_25, %sign3A_28 : i32
    %sign3A_30 = arith.constant 0 : i32
    %sign3A_31 = arith.cmpi sgt, %jit3A, %sign3A_30 : i32
    %sign3A_32 = arith.extui %sign3A_31 : i1 to i32
    %sign3A_33 = arith.constant 0 : i32
    %sign3A_34 = arith.cmpi slt, %jit3A, %sign3A_33 : i32
    %sign3A_35 = arith.extui %sign3A_34 : i1 to i32
    %sign3A_36 = arith.subi %sign3A_32, %sign3A_35 : i32
    %ne3A = arith.cmpi ne, %sign3A_29, %sign3A_36 : i32
    %rem3A = arith.remsi %sub3A_23, %jit3A : i32
    %ne3A_37 = arith.constant 0 : i32
    %ne3A_38 = arith.cmpi ne, %rem3A, %ne3A_37 : i32
    %and3A = arith.andi %ne3A, %ne3A_38 : i1
    %sub3A_39 = arith.constant 1 : i32
    %sub3A_40 = arith.subi %div3A, %sub3A_39 : i32
    %select_n3A = arith.select %and3A, %sub3A_40, %div3A : i32
    %add3A = arith.constant 1 : i32
    %add3A_41 = arith.addi %select_n3A, %add3A : i32
    %while3A = arith.constant 0 : i32
    %while3A_42 = arith.constant 0 : i32
    %while3A_43 = arith.subi %add3A_41, %while3A_42 : i32
    %while3A_44 = arith.addi %while3A_42, %while3A_43 : i32
    %while3A_45 = arith.constant 1 : i32
    %while3A_46 = arith.divsi %while3A_43, %while3A_45 : i32
    %while3A_47 = arith.muli %while3A_46, %while3A_45 : i32
    %while3A_48 = arith.addi %while3A_42, %while3A_47 : i32
    %while3A_49 = arith.constant 1 : i32
    scf.for %while3A_56 = %while3A_42 to %while3A_48 step %while3A_49  : i32 {
      %mul3A = arith.constant 32 : i32
      %mul3A_57 = arith.muli %while3A_56, %mul3A : i32
      %add3A_58 = arith.addi %reduce_min3A_18, %mul3A_57 : i32
      %sub3A_59 = vector.broadcast %add3A_58 : i32 to vector<1280x1xi32>
      %sub3A_60 = arith.subi %get3A_14, %sub3A_59 : vector<1280x1xi32>
      %eq3A_61 = vector.broadcast %sub3A_60 : vector<1280x1xi32> to vector<1280x32xi32>
      %eq3A_62 = vector.broadcast %iota3A : vector<1x32xi32> to vector<1280x32xi32>
      %eq3A_63 = arith.cmpi eq, %eq3A_61, %eq3A_62 : vector<1280x32xi32>
      %convert_element_type3A_64 = arith.extui %eq3A_63 : vector<1280x32xi1> to vector<1280x32xi32>
      %convert_element_type3A_65 = arith.sitofp %convert_element_type3A_64 : vector<1280x32xi32> to vector<1280x32xf32>
      %get3A_66 = arith.index_cast %add3A_58 : i32 to index
      %get3A_67 = arith.constant 0 : index
      %get3A_68 = vector.load %arg5[%get3A_66, %get3A_67] : memref<544x128xf32, #tpu.memory_space<vmem>>, vector<32x128xf32>
      %dot_general3A = arith.constant dense<0.000000e+00> : vector<1280x128xf32>
      %dot_general3A_69 = tpu.matmul %convert_element_type3A_65, %get3A_68, %dot_general3A {dimension_numbers = #tpu.dot_dimension_numbers<[1], [0], [0], [1], [0, 0, 1, 1], [], []>, transpose_lhs_hint = false} : vector<1280x32xf32>, vector<32x128xf32>, vector<1280x128xf32> -> vector<1280x128xf32>
      %get3A_70 = arith.index_cast %add3A_58 : i32 to index
      %get3A_71 = arith.constant 0 : index
      %get3A_72 = vector.load %arg6[%get3A_70, %get3A_71] : memref<544x128xf32, #tpu.memory_space<vmem>>, vector<32x128xf32>
      %dot_general3A_73 = arith.constant dense<0.000000e+00> : vector<1280x128xf32>
      %dot_general3A_74 = tpu.matmul %convert_element_type3A_65, %get3A_72, %dot_general3A_73 {dimension_numbers = #tpu.dot_dimension_numbers<[1], [0], [0], [1], [0, 0, 1, 1], [], []>, transpose_lhs_hint = false} : vector<1280x32xf32>, vector<32x128xf32>, vector<1280x128xf32> -> vector<1280x128xf32>
      %get3A_75 = arith.index_cast %add3A_58 : i32 to index
      %get3A_76 = arith.constant 0 : index
      %get3A_77 = vector.load %arg24[%get3A_75, %get3A_76] : memref<544x128xf32, #tpu.memory_space<vmem>>, vector<32x128xf32>
      %dot_general3A_78 = arith.constant dense<0.000000e+00> : vector<1280x128xf32>
      %dot_general3A_79 = tpu.matmul %convert_element_type3A_65, %get3A_77, %dot_general3A_78 {dimension_numbers = #tpu.dot_dimension_numbers<[1], [0], [0], [1], [0, 0, 1, 1], [], []>, transpose_lhs_hint = false} : vector<1280x32xf32>, vector<32x128xf32>, vector<1280x128xf32> -> vector<1280x128xf32>
      %mul3A_80 = arith.mulf %get3A_3, %dot_general3A_79 : vector<1280x128xf32>
      %reduce_sum3A = arith.constant dense<0.000000e+00> : vector<1280xf32>
      %reduce_sum3A_81 = vector.multi_reduction <add>, %mul3A_80, %reduce_sum3A [1] : vector<1280x128xf32> to vector<1280xf32>
      %broadcast_in_dim3A = vector.shape_cast %reduce_sum3A_81 : vector<1280xf32> to vector<1280x1xf32>
      %mul3A_82 = arith.mulf %dot_general3A_69, %dot_general3A_79 : vector<1280x128xf32>
      %reduce_sum3A_83 = arith.constant dense<0.000000e+00> : vector<1280xf32>
      %reduce_sum3A_84 = vector.multi_reduction <add>, %mul3A_82, %reduce_sum3A_83 [1] : vector<1280x128xf32> to vector<1280xf32>
      %broadcast_in_dim3A_85 = vector.shape_cast %reduce_sum3A_84 : vector<1280xf32> to vector<1280x1xf32>
      %mul3A_86 = arith.mulf %dot_general3A_74, %dot_general3A_79 : vector<1280x128xf32>
      %mul3A_87 = arith.mulf %get3A_6, %mul3A_86 : vector<1280x128xf32>
      %reduce_sum3A_88 = arith.constant dense<0.000000e+00> : vector<1280xf32>
      %reduce_sum3A_89 = vector.multi_reduction <add>, %mul3A_87, %reduce_sum3A_88 [1] : vector<1280x128xf32> to vector<1280xf32>
      %broadcast_in_dim3A_90 = vector.shape_cast %reduce_sum3A_89 : vector<1280xf32> to vector<1280x1xf32>
      %mul3A_91 = arith.mulf %get3A_9, %broadcast_in_dim3A : vector<1280x1xf32>
      %add3A_92 = arith.addf %broadcast_in_dim3A_85, %broadcast_in_dim3A_90 : vector<1280x1xf32>
      %mul3A_93 = arith.mulf %sub3A_11, %add3A_92 : vector<1280x1xf32>
      %add3A_94 = arith.addf %mul3A_91, %mul3A_93 : vector<1280x1xf32>
      %ge3A = arith.constant 0 : i32
      %ge3A_95 = vector.broadcast %ge3A : i32 to vector<1280x1xi32>
      %ge3A_96 = arith.cmpi sge, %sub3A_60, %ge3A_95 : vector<1280x1xi32>
      %lt3A = arith.constant 32 : i32
      %lt3A_97 = vector.broadcast %lt3A : i32 to vector<1280x1xi32>
      %lt3A_98 = arith.cmpi slt, %sub3A_60, %lt3A_97 : vector<1280x1xi32>
      %and3A_99 = arith.andi %ge3A_96, %lt3A_98 : vector<1280x1xi1>
      %jit3A_100 = arith.constant 0xFF800000 : f32
      %broadcast_in_dim3A_101 = vector.broadcast %jit3A_100 : f32 to vector<1280x1xf32>
      %select_n3A_102 = arith.select %and3A_99, %add3A_94, %broadcast_in_dim3A_101 : vector<1280x1xi1>, vector<1280x1xf32>
      %reduce_max3A_103 = vector.shape_cast %select_n3A_102 : vector<1280x1xf32> to vector<1x1280x1xf32>
      %reduce_max3A_104 = arith.constant dense<0xFF800000> : vector<1xf32>
      %reduce_max3A_105 = vector.multi_reduction <maximumf>, %reduce_max3A_103, %reduce_max3A_104 [1, 2] : vector<1x1280x1xf32> to vector<1xf32>
      %reduce_max3A_106 = vector.shape_cast %reduce_max3A_105 : vector<1xf32> to vector<1x1x1xf32>
      %reduce_max3A_107 = vector.extract %reduce_max3A_106[0, 0, 0] : f32 from vector<1x1x1xf32>
      %eq3A_108 = arith.constant 0xFF800000 : f32
      %eq3A_109 = arith.cmpf oeq, %reduce_max3A_107, %eq3A_108 : f32
      %jit3A_110 = arith.constant 0.000000e+00 : f32
      %select_n3A_111 = arith.select %eq3A_109, %jit3A_110, %reduce_max3A_107 : f32
      %sub3A_112 = vector.broadcast %select_n3A_111 : f32 to vector<1280x1xf32>
      %sub3A_113 = arith.subf %add3A_94, %sub3A_112 : vector<1280x1xf32>
      %min3A = arith.constant 0.000000e+00 : f32
      %min3A_114 = vector.broadcast %min3A : f32 to vector<1280x1xf32>
      %min3A_115 = arith.minimumf %sub3A_113, %min3A_114 : vector<1280x1xf32>
      %exp3A = math.exp %min3A_115 : vector<1280x1xf32>
      %jit3A_116 = arith.constant 0.000000e+00 : f32
      %broadcast_in_dim3A_117 = vector.broadcast %jit3A_116 : f32 to vector<1280x1xf32>
      %select_n3A_118 = arith.select %and3A_99, %exp3A, %broadcast_in_dim3A_117 : vector<1280x1xi1>, vector<1280x1xf32>
      %mul3A_119 = arith.mulf %select_n3A_118, %sub3A_11 : vector<1280x1xf32>
      %dot_general3A_120 = arith.constant dense<0.000000e+00> : vector<32x1xf32>
      %dot_general3A_121 = tpu.matmul %convert_element_type3A_65, %select_n3A_118, %dot_general3A_120 {dimension_numbers = #tpu.dot_dimension_numbers<[0], [0], [1], [1], [0, 1, 1, 1], [], []>, transpose_lhs_hint = false} : vector<1280x32xf32>, vector<1280x1xf32>, vector<32x1xf32> -> vector<32x1xf32>
      %dot_general3A_122 = arith.constant dense<0.000000e+00> : vector<32x1xf32>
      %dot_general3A_123 = tpu.matmul %convert_element_type3A_65, %mul3A_119, %dot_general3A_122 {dimension_numbers = #tpu.dot_dimension_numbers<[0], [0], [1], [1], [0, 1, 1, 1], [], []>, transpose_lhs_hint = false} : vector<1280x32xf32>, vector<1280x1xf32>, vector<32x1xf32> -> vector<32x1xf32>
      %mul3A_124 = arith.mulf %select_n3A_118, %get3A_9 : vector<1280x1xf32>
      %mul3A_125 = vector.broadcast %mul3A_124 : vector<1280x1xf32> to vector<1280x128xf32>
      %mul3A_126 = arith.mulf %mul3A_125, %get3A_3 : vector<1280x128xf32>
      %dot_general3A_127 = arith.constant dense<0.000000e+00> : vector<32x128xf32>
      %dot_general3A_128 = tpu.matmul %convert_element_type3A_65, %mul3A_126, %dot_general3A_127 {dimension_numbers = #tpu.dot_dimension_numbers<[0], [0], [1], [1], [0, 1, 1, 1], [], []>, transpose_lhs_hint = false} : vector<1280x32xf32>, vector<1280x128xf32>, vector<32x128xf32> -> vector<32x128xf32>
      %mul3A_129 = vector.broadcast %mul3A_119 : vector<1280x1xf32> to vector<1280x128xf32>
      %mul3A_130 = arith.mulf %mul3A_129, %get3A_6 : vector<1280x128xf32>
      %dot_general3A_131 = arith.constant dense<0.000000e+00> : vector<32x128xf32>
      %dot_general3A_132 = tpu.matmul %convert_element_type3A_65, %mul3A_130, %dot_general3A_131 {dimension_numbers = #tpu.dot_dimension_numbers<[0], [0], [1], [1], [0, 1, 1, 1], [], []>, transpose_lhs_hint = false} : vector<1280x32xf32>, vector<1280x128xf32>, vector<32x128xf32> -> vector<32x128xf32>
      %gt3A = arith.constant 0.000000e+00 : f32
      %gt3A_133 = vector.broadcast %gt3A : f32 to vector<32x1xf32>
      %gt3A_134 = arith.cmpf ogt, %dot_general3A_121, %gt3A_133 : vector<32x1xf32>
      %get3A_135 = arith.index_cast %add3A_58 : i32 to index
      %get3A_136 = arith.constant 0 : index
      %get3A_137 = vector.load %arg25[%get3A_135, %get3A_136] : memref<544x1xf32, #tpu.memory_space<vmem>>, vector<32x1xf32>
      %max3A = vector.broadcast %select_n3A_111 : f32 to vector<32x1xf32>
      %max3A_138 = arith.maximumf %get3A_137, %max3A : vector<32x1xf32>
      %select_n3A_139 = arith.select %gt3A_134, %max3A_138, %get3A_137 : vector<32x1xi1>, vector<32x1xf32>
      %sub3A_140 = arith.subf %get3A_137, %select_n3A_139 : vector<32x1xf32>
      %exp3A_141 = math.exp %sub3A_140 : vector<32x1xf32>
      %jit3A_142 = arith.constant 1.000000e+00 : f32
      %broadcast_in_dim3A_143 = vector.broadcast %jit3A_142 : f32 to vector<32x1xf32>
      %select_n3A_144 = arith.select %gt3A_134, %exp3A_141, %broadcast_in_dim3A_143 : vector<32x1xi1>, vector<32x1xf32>
      %sub3A_145 = vector.broadcast %select_n3A_111 : f32 to vector<32x1xf32>
      %sub3A_146 = arith.subf %sub3A_145, %select_n3A_139 : vector<32x1xf32>
      %exp3A_147 = math.exp %sub3A_146 : vector<32x1xf32>
      %jit3A_148 = arith.constant 0.000000e+00 : f32
      %broadcast_in_dim3A_149 = vector.broadcast %jit3A_148 : f32 to vector<32x1xf32>
      %select_n3A_150 = arith.select %gt3A_134, %exp3A_147, %broadcast_in_dim3A_149 : vector<32x1xi1>, vector<32x1xf32>
      %get3A_151 = arith.index_cast %add3A_58 : i32 to index
      %get3A_152 = arith.constant 0 : index
      %get3A_153 = vector.load %arg26[%get3A_151, %get3A_152] : memref<544x1xf32, #tpu.memory_space<vmem>>, vector<32x1xf32>
      %mul3A_154 = arith.mulf %get3A_153, %select_n3A_144 : vector<32x1xf32>
      %mul3A_155 = arith.mulf %dot_general3A_121, %select_n3A_150 : vector<32x1xf32>
      %add3A_156 = arith.addf %mul3A_154, %mul3A_155 : vector<32x1xf32>
      %swap3A = arith.index_cast %add3A_58 : i32 to index
      %swap3A_157 = arith.constant 0 : index
      %swap3A_158 = vector.load %arg26[%swap3A, %swap3A_157] : memref<544x1xf32, #tpu.memory_space<vmem>>, vector<32x1xf32>
      tpu.vector_store %arg26[%swap3A, %swap3A_157], %add3A_156 {strides = array<i32>} : memref<544x1xf32, #tpu.memory_space<vmem>>, vector<32x1xf32>,
      %get3A_159 = arith.index_cast %add3A_58 : i32 to index
      %get3A_160 = arith.constant 0 : index
      %get3A_161 = vector.load %arg27[%get3A_159, %get3A_160] : memref<544x1xf32, #tpu.memory_space<vmem>>, vector<32x1xf32>
      %mul3A_162 = arith.mulf %get3A_161, %select_n3A_144 : vector<32x1xf32>
      %mul3A_163 = arith.mulf %dot_general3A_123, %select_n3A_150 : vector<32x1xf32>
      %add3A_164 = arith.addf %mul3A_162, %mul3A_163 : vector<32x1xf32>
      %swap3A_165 = arith.index_cast %add3A_58 : i32 to index
      %swap3A_166 = arith.constant 0 : index
      %swap3A_167 = vector.load %arg27[%swap3A_165, %swap3A_166] : memref<544x1xf32, #tpu.memory_space<vmem>>, vector<32x1xf32>
      tpu.vector_store %arg27[%swap3A_165, %swap3A_166], %add3A_164 {strides = array<i32>} : memref<544x1xf32, #tpu.memory_space<vmem>>, vector<32x1xf32>,
      %get3A_168 = arith.index_cast %add3A_58 : i32 to index
      %get3A_169 = arith.constant 0 : index
      %get3A_170 = vector.load %arg28[%get3A_168, %get3A_169] : memref<544x128xf32, #tpu.memory_space<vmem>>, vector<32x128xf32>
      %mul3A_171 = vector.broadcast %select_n3A_144 : vector<32x1xf32> to vector<32x128xf32>
      %mul3A_172 = arith.mulf %get3A_170, %mul3A_171 : vector<32x128xf32>
      %mul3A_173 = vector.broadcast %select_n3A_150 : vector<32x1xf32> to vector<32x128xf32>
      %mul3A_174 = arith.mulf %dot_general3A_128, %mul3A_173 : vector<32x128xf32>
      %add3A_175 = arith.addf %mul3A_172, %mul3A_174 : vector<32x128xf32>
      %swap3A_176 = arith.index_cast %add3A_58 : i32 to index
      %swap3A_177 = arith.constant 0 : index
      %swap3A_178 = vector.load %arg28[%swap3A_176, %swap3A_177] : memref<544x128xf32, #tpu.memory_space<vmem>>, vector<32x128xf32>
      tpu.vector_store %arg28[%swap3A_176, %swap3A_177], %add3A_175 {strides = array<i32>} : memref<544x128xf32, #tpu.memory_space<vmem>>, vector<32x128xf32>,
      %get3A_179 = arith.index_cast %add3A_58 : i32 to index
      %get3A_180 = arith.constant 0 : index
      %get3A_181 = vector.load %arg29[%get3A_179, %get3A_180] : memref<544x128xf32, #tpu.memory_space<vmem>>, vector<32x128xf32>
      %mul3A_182 = vector.broadcast %select_n3A_144 : vector<32x1xf32> to vector<32x128xf32>
      %mul3A_183 = arith.mulf %get3A_181, %mul3A_182 : vector<32x128xf32>
      %mul3A_184 = vector.broadcast %select_n3A_150 : vector<32x1xf32> to vector<32x128xf32>
      %mul3A_185 = arith.mulf %dot_general3A_132, %mul3A_184 : vector<32x128xf32>
      %add3A_186 = arith.addf %mul3A_183, %mul3A_185 : vector<32x128xf32>
      %swap3A_187 = arith.index_cast %add3A_58 : i32 to index
      %swap3A_188 = arith.constant 0 : index
      %swap3A_189 = vector.load %arg29[%swap3A_187, %swap3A_188] : memref<544x128xf32, #tpu.memory_space<vmem>>, vector<32x128xf32>
      tpu.vector_store %arg29[%swap3A_187, %swap3A_188], %add3A_186 {strides = array<i32>} : memref<544x128xf32, #tpu.memory_space<vmem>>, vector<32x128xf32>,
      %swap3A_190 = arith.index_cast %add3A_58 : i32 to index
      %swap3A_191 = arith.constant 0 : index
      %swap3A_192 = vector.load %arg25[%swap3A_190, %swap3A_191] : memref<544x1xf32, #tpu.memory_space<vmem>>, vector<32x1xf32>
      tpu.vector_store %arg25[%swap3A_190, %swap3A_191], %select_n3A_139 {strides = array<i32>} : memref<544x1xf32, #tpu.memory_space<vmem>>, vector<32x1xf32>,
    }
    %while3A_50 = arith.constant 1 : i32
    scf.for %while3A_56 = %while3A_48 to %while3A_44 step %while3A_50  : i32 {
      %mul3A = arith.constant 32 : i32
      %mul3A_57 = arith.muli %while3A_56, %mul3A : i32
      %add3A_58 = arith.addi %reduce_min3A_18, %mul3A_57 : i32
      %sub3A_59 = vector.broadcast %add3A_58 : i32 to vector<1280x1xi32>
      %sub3A_60 = arith.subi %get3A_14, %sub3A_59 : vector<1280x1xi32>
      %eq3A_61 = vector.broadcast %sub3A_60 : vector<1280x1xi32> to vector<1280x32xi32>
      %eq3A_62 = vector.broadcast %iota3A : vector<1x32xi32> to vector<1280x32xi32>
      %eq3A_63 = arith.cmpi eq, %eq3A_61, %eq3A_62 : vector<1280x32xi32>
      %convert_element_type3A_64 = arith.extui %eq3A_63 : vector<1280x32xi1> to vector<1280x32xi32>
      %convert_element_type3A_65 = arith.sitofp %convert_element_type3A_64 : vector<1280x32xi32> to vector<1280x32xf32>
      %get3A_66 = arith.index_cast %add3A_58 : i32 to index
      %get3A_67 = arith.constant 0 : index
      %get3A_68 = vector.load %arg5[%get3A_66, %get3A_67] : memref<544x128xf32, #tpu.memory_space<vmem>>, vector<32x128xf32>
      %dot_general3A = arith.constant dense<0.000000e+00> : vector<1280x128xf32>
      %dot_general3A_69 = tpu.matmul %convert_element_type3A_65, %get3A_68, %dot_general3A {dimension_numbers = #tpu.dot_dimension_numbers<[1], [0], [0], [1], [0, 0, 1, 1], [], []>, transpose_lhs_hint = false} : vector<1280x32xf32>, vector<32x128xf32>, vector<1280x128xf32> -> vector<1280x128xf32>
      %get3A_70 = arith.index_cast %add3A_58 : i32 to index
      %get3A_71 = arith.constant 0 : index
      %get3A_72 = vector.load %arg6[%get3A_70, %get3A_71] : memref<544x128xf32, #tpu.memory_space<vmem>>, vector<32x128xf32>
      %dot_general3A_73 = arith.constant dense<0.000000e+00> : vector<1280x128xf32>
      %dot_general3A_74 = tpu.matmul %convert_element_type3A_65, %get3A_72, %dot_general3A_73 {dimension_numbers = #tpu.dot_dimension_numbers<[1], [0], [0], [1], [0, 0, 1, 1], [], []>, transpose_lhs_hint = false} : vector<1280x32xf32>, vector<32x128xf32>, vector<1280x128xf32> -> vector<1280x128xf32>
      %get3A_75 = arith.index_cast %add3A_58 : i32 to index
      %get3A_76 = arith.constant 0 : index
      %get3A_77 = vector.load %arg24[%get3A_75, %get3A_76] : memref<544x128xf32, #tpu.memory_space<vmem>>, vector<32x128xf32>
      %dot_general3A_78 = arith.constant dense<0.000000e+00> : vector<1280x128xf32>
      %dot_general3A_79 = tpu.matmul %convert_element_type3A_65, %get3A_77, %dot_general3A_78 {dimension_numbers = #tpu.dot_dimension_numbers<[1], [0], [0], [1], [0, 0, 1, 1], [], []>, transpose_lhs_hint = false} : vector<1280x32xf32>, vector<32x128xf32>, vector<1280x128xf32> -> vector<1280x128xf32>
      %mul3A_80 = arith.mulf %get3A_3, %dot_general3A_79 : vector<1280x128xf32>
      %reduce_sum3A = arith.constant dense<0.000000e+00> : vector<1280xf32>
      %reduce_sum3A_81 = vector.multi_reduction <add>, %mul3A_80, %reduce_sum3A [1] : vector<1280x128xf32> to vector<1280xf32>
      %broadcast_in_dim3A = vector.shape_cast %reduce_sum3A_81 : vector<1280xf32> to vector<1280x1xf32>
      %mul3A_82 = arith.mulf %dot_general3A_69, %dot_general3A_79 : vector<1280x128xf32>
      %reduce_sum3A_83 = arith.constant dense<0.000000e+00> : vector<1280xf32>
      %reduce_sum3A_84 = vector.multi_reduction <add>, %mul3A_82, %reduce_sum3A_83 [1] : vector<1280x128xf32> to vector<1280xf32>
      %broadcast_in_dim3A_85 = vector.shape_cast %reduce_sum3A_84 : vector<1280xf32> to vector<1280x1xf32>
      %mul3A_86 = arith.mulf %dot_general3A_74, %dot_general3A_79 : vector<1280x128xf32>
      %mul3A_87 = arith.mulf %get3A_6, %mul3A_86 : vector<1280x128xf32>
      %reduce_sum3A_88 = arith.constant dense<0.000000e+00> : vector<1280xf32>
      %reduce_sum3A_89 = vector.multi_reduction <add>, %mul3A_87, %reduce_sum3A_88 [1] : vector<1280x128xf32> to vector<1280xf32>
      %broadcast_in_dim3A_90 = vector.shape_cast %reduce_sum3A_89 : vector<1280xf32> to vector<1280x1xf32>
      %mul3A_91 = arith.mulf %get3A_9, %broadcast_in_dim3A : vector<1280x1xf32>
      %add3A_92 = arith.addf %broadcast_in_dim3A_85, %broadcast_in_dim3A_90 : vector<1280x1xf32>
      %mul3A_93 = arith.mulf %sub3A_11, %add3A_92 : vector<1280x1xf32>
      %add3A_94 = arith.addf %mul3A_91, %mul3A_93 : vector<1280x1xf32>
      %ge3A = arith.constant 0 : i32
      %ge3A_95 = vector.broadcast %ge3A : i32 to vector<1280x1xi32>
      %ge3A_96 = arith.cmpi sge, %sub3A_60, %ge3A_95 : vector<1280x1xi32>
      %lt3A = arith.constant 32 : i32
      %lt3A_97 = vector.broadcast %lt3A : i32 to vector<1280x1xi32>
      %lt3A_98 = arith.cmpi slt, %sub3A_60, %lt3A_97 : vector<1280x1xi32>
      %and3A_99 = arith.andi %ge3A_96, %lt3A_98 : vector<1280x1xi1>
      %jit3A_100 = arith.constant 0xFF800000 : f32
      %broadcast_in_dim3A_101 = vector.broadcast %jit3A_100 : f32 to vector<1280x1xf32>
      %select_n3A_102 = arith.select %and3A_99, %add3A_94, %broadcast_in_dim3A_101 : vector<1280x1xi1>, vector<1280x1xf32>
      %reduce_max3A_103 = vector.shape_cast %select_n3A_102 : vector<1280x1xf32> to vector<1x1280x1xf32>
      %reduce_max3A_104 = arith.constant dense<0xFF800000> : vector<1xf32>
      %reduce_max3A_105 = vector.multi_reduction <maximumf>, %reduce_max3A_103, %reduce_max3A_104 [1, 2] : vector<1x1280x1xf32> to vector<1xf32>
      %reduce_max3A_106 = vector.shape_cast %reduce_max3A_105 : vector<1xf32> to vector<1x1x1xf32>
      %reduce_max3A_107 = vector.extract %reduce_max3A_106[0, 0, 0] : f32 from vector<1x1x1xf32>
      %eq3A_108 = arith.constant 0xFF800000 : f32
      %eq3A_109 = arith.cmpf oeq, %reduce_max3A_107, %eq3A_108 : f32
      %jit3A_110 = arith.constant 0.000000e+00 : f32
      %select_n3A_111 = arith.select %eq3A_109, %jit3A_110, %reduce_max3A_107 : f32
      %sub3A_112 = vector.broadcast %select_n3A_111 : f32 to vector<1280x1xf32>
      %sub3A_113 = arith.subf %add3A_94, %sub3A_112 : vector<1280x1xf32>
      %min3A = arith.constant 0.000000e+00 : f32
      %min3A_114 = vector.broadcast %min3A : f32 to vector<1280x1xf32>
      %min3A_115 = arith.minimumf %sub3A_113, %min3A_114 : vector<1280x1xf32>
      %exp3A = math.exp %min3A_115 : vector<1280x1xf32>
      %jit3A_116 = arith.constant 0.000000e+00 : f32
      %broadcast_in_dim3A_117 = vector.broadcast %jit3A_116 : f32 to vector<1280x1xf32>
      %select_n3A_118 = arith.select %and3A_99, %exp3A, %broadcast_in_dim3A_117 : vector<1280x1xi1>, vector<1280x1xf32>
      %mul3A_119 = arith.mulf %select_n3A_118, %sub3A_11 : vector<1280x1xf32>
      %dot_general3A_120 = arith.constant dense<0.000000e+00> : vector<32x1xf32>
      %dot_general3A_121 = tpu.matmul %convert_element_type3A_65, %select_n3A_118, %dot_general3A_120 {dimension_numbers = #tpu.dot_dimension_numbers<[0], [0], [1], [1], [0, 1, 1, 1], [], []>, transpose_lhs_hint = false} : vector<1280x32xf32>, vector<1280x1xf32>, vector<32x1xf32> -> vector<32x1xf32>
      %dot_general3A_122 = arith.constant dense<0.000000e+00> : vector<32x1xf32>
      %dot_general3A_123 = tpu.matmul %convert_element_type3A_65, %mul3A_119, %dot_general3A_122 {dimension_numbers = #tpu.dot_dimension_numbers<[0], [0], [1], [1], [0, 1, 1, 1], [], []>, transpose_lhs_hint = false} : vector<1280x32xf32>, vector<1280x1xf32>, vector<32x1xf32> -> vector<32x1xf32>
      %mul3A_124 = arith.mulf %select_n3A_118, %get3A_9 : vector<1280x1xf32>
      %mul3A_125 = vector.broadcast %mul3A_124 : vector<1280x1xf32> to vector<1280x128xf32>
      %mul3A_126 = arith.mulf %mul3A_125, %get3A_3 : vector<1280x128xf32>
      %dot_general3A_127 = arith.constant dense<0.000000e+00> : vector<32x128xf32>
      %dot_general3A_128 = tpu.matmul %convert_element_type3A_65, %mul3A_126, %dot_general3A_127 {dimension_numbers = #tpu.dot_dimension_numbers<[0], [0], [1], [1], [0, 1, 1, 1], [], []>, transpose_lhs_hint = false} : vector<1280x32xf32>, vector<1280x128xf32>, vector<32x128xf32> -> vector<32x128xf32>
      %mul3A_129 = vector.broadcast %mul3A_119 : vector<1280x1xf32> to vector<1280x128xf32>
      %mul3A_130 = arith.mulf %mul3A_129, %get3A_6 : vector<1280x128xf32>
      %dot_general3A_131 = arith.constant dense<0.000000e+00> : vector<32x128xf32>
      %dot_general3A_132 = tpu.matmul %convert_element_type3A_65, %mul3A_130, %dot_general3A_131 {dimension_numbers = #tpu.dot_dimension_numbers<[0], [0], [1], [1], [0, 1, 1, 1], [], []>, transpose_lhs_hint = false} : vector<1280x32xf32>, vector<1280x128xf32>, vector<32x128xf32> -> vector<32x128xf32>
      %gt3A = arith.constant 0.000000e+00 : f32
      %gt3A_133 = vector.broadcast %gt3A : f32 to vector<32x1xf32>
      %gt3A_134 = arith.cmpf ogt, %dot_general3A_121, %gt3A_133 : vector<32x1xf32>
      %get3A_135 = arith.index_cast %add3A_58 : i32 to index
      %get3A_136 = arith.constant 0 : index
      %get3A_137 = vector.load %arg25[%get3A_135, %get3A_136] : memref<544x1xf32, #tpu.memory_space<vmem>>, vector<32x1xf32>
      %max3A = vector.broadcast %select_n3A_111 : f32 to vector<32x1xf32>
      %max3A_138 = arith.maximumf %get3A_137, %max3A : vector<32x1xf32>
      %select_n3A_139 = arith.select %gt3A_134, %max3A_138, %get3A_137 : vector<32x1xi1>, vector<32x1xf32>
      %sub3A_140 = arith.subf %get3A_137, %select_n3A_139 : vector<32x1xf32>
      %exp3A_141 = math.exp %sub3A_140 : vector<32x1xf32>
      %jit3A_142 = arith.constant 1.000000e+00 : f32
      %broadcast_in_dim3A_143 = vector.broadcast %jit3A_142 : f32 to vector<32x1xf32>
      %select_n3A_144 = arith.select %gt3A_134, %exp3A_141, %broadcast_in_dim3A_143 : vector<32x1xi1>, vector<32x1xf32>
      %sub3A_145 = vector.broadcast %select_n3A_111 : f32 to vector<32x1xf32>
      %sub3A_146 = arith.subf %sub3A_145, %select_n3A_139 : vector<32x1xf32>
      %exp3A_147 = math.exp %sub3A_146 : vector<32x1xf32>
      %jit3A_148 = arith.constant 0.000000e+00 : f32
      %broadcast_in_dim3A_149 = vector.broadcast %jit3A_148 : f32 to vector<32x1xf32>
      %select_n3A_150 = arith.select %gt3A_134, %exp3A_147, %broadcast_in_dim3A_149 : vector<32x1xi1>, vector<32x1xf32>
      %get3A_151 = arith.index_cast %add3A_58 : i32 to index
      %get3A_152 = arith.constant 0 : index
      %get3A_153 = vector.load %arg26[%get3A_151, %get3A_152] : memref<544x1xf32, #tpu.memory_space<vmem>>, vector<32x1xf32>
      %mul3A_154 = arith.mulf %get3A_153, %select_n3A_144 : vector<32x1xf32>
      %mul3A_155 = arith.mulf %dot_general3A_121, %select_n3A_150 : vector<32x1xf32>
      %add3A_156 = arith.addf %mul3A_154, %mul3A_155 : vector<32x1xf32>
      %swap3A = arith.index_cast %add3A_58 : i32 to index
      %swap3A_157 = arith.constant 0 : index
      %swap3A_158 = vector.load %arg26[%swap3A, %swap3A_157] : memref<544x1xf32, #tpu.memory_space<vmem>>, vector<32x1xf32>
      tpu.vector_store %arg26[%swap3A, %swap3A_157], %add3A_156 {strides = array<i32>} : memref<544x1xf32, #tpu.memory_space<vmem>>, vector<32x1xf32>,
      %get3A_159 = arith.index_cast %add3A_58 : i32 to index
      %get3A_160 = arith.constant 0 : index
      %get3A_161 = vector.load %arg27[%get3A_159, %get3A_160] : memref<544x1xf32, #tpu.memory_space<vmem>>, vector<32x1xf32>
      %mul3A_162 = arith.mulf %get3A_161, %select_n3A_144 : vector<32x1xf32>
      %mul3A_163 = arith.mulf %dot_general3A_123, %select_n3A_150 : vector<32x1xf32>
      %add3A_164 = arith.addf %mul3A_162, %mul3A_163 : vector<32x1xf32>
      %swap3A_165 = arith.index_cast %add3A_58 : i32 to index
      %swap3A_166 = arith.constant 0 : index
      %swap3A_167 = vector.load %arg27[%swap3A_165, %swap3A_166] : memref<544x1xf32, #tpu.memory_space<vmem>>, vector<32x1xf32>
      tpu.vector_store %arg27[%swap3A_165, %swap3A_166], %add3A_164 {strides = array<i32>} : memref<544x1xf32, #tpu.memory_space<vmem>>, vector<32x1xf32>,
      %get3A_168 = arith.index_cast %add3A_58 : i32 to index
      %get3A_169 = arith.constant 0 : index
      %get3A_170 = vector.load %arg28[%get3A_168, %get3A_169] : memref<544x128xf32, #tpu.memory_space<vmem>>, vector<32x128xf32>
      %mul3A_171 = vector.broadcast %select_n3A_144 : vector<32x1xf32> to vector<32x128xf32>
      %mul3A_172 = arith.mulf %get3A_170, %mul3A_171 : vector<32x128xf32>
      %mul3A_173 = vector.broadcast %select_n3A_150 : vector<32x1xf32> to vector<32x128xf32>
      %mul3A_174 = arith.mulf %dot_general3A_128, %mul3A_173 : vector<32x128xf32>
      %add3A_175 = arith.addf %mul3A_172, %mul3A_174 : vector<32x128xf32>
      %swap3A_176 = arith.index_cast %add3A_58 : i32 to index
      %swap3A_177 = arith.constant 0 : index
      %swap3A_178 = vector.load %arg28[%swap3A_176, %swap3A_177] : memref<544x128xf32, #tpu.memory_space<vmem>>, vector<32x128xf32>
      tpu.vector_store %arg28[%swap3A_176, %swap3A_177], %add3A_175 {strides = array<i32>} : memref<544x128xf32, #tpu.memory_space<vmem>>, vector<32x128xf32>,
      %get3A_179 = arith.index_cast %add3A_58 : i32 to index
      %get3A_180 = arith.constant 0 : index
      %get3A_181 = vector.load %arg29[%get3A_179, %get3A_180] : memref<544x128xf32, #tpu.memory_space<vmem>>, vector<32x128xf32>
      %mul3A_182 = vector.broadcast %select_n3A_144 : vector<32x1xf32> to vector<32x128xf32>
      %mul3A_183 = arith.mulf %get3A_181, %mul3A_182 : vector<32x128xf32>
      %mul3A_184 = vector.broadcast %select_n3A_150 : vector<32x1xf32> to vector<32x128xf32>
      %mul3A_185 = arith.mulf %dot_general3A_132, %mul3A_184 : vector<32x128xf32>
      %add3A_186 = arith.addf %mul3A_183, %mul3A_185 : vector<32x128xf32>
      %swap3A_187 = arith.index_cast %add3A_58 : i32 to index
      %swap3A_188 = arith.constant 0 : index
      %swap3A_189 = vector.load %arg29[%swap3A_187, %swap3A_188] : memref<544x128xf32, #tpu.memory_space<vmem>>, vector<32x128xf32>
      tpu.vector_store %arg29[%swap3A_187, %swap3A_188], %add3A_186 {strides = array<i32>} : memref<544x128xf32, #tpu.memory_space<vmem>>, vector<32x128xf32>,
      %swap3A_190 = arith.index_cast %add3A_58 : i32 to index
      %swap3A_191 = arith.constant 0 : index
      %swap3A_192 = vector.load %arg25[%swap3A_190, %swap3A_191] : memref<544x1xf32, #tpu.memory_space<vmem>>, vector<32x1xf32>
      tpu.vector_store %arg25[%swap3A_190, %swap3A_191], %select_n3A_139 {strides = array<i32>} : memref<544x1xf32, #tpu.memory_space<vmem>>, vector<32x1xf32>,
    }
    %eq3A_51 = arith.constant 124 : i32
    %eq3A_52 = arith.cmpi eq, %arg0, %eq3A_51 : i32
    %convert_element_type3A_53 = arith.extui %eq3A_52 : i1 to i32
    %cond3A_54 = arith.constant 0 : i32
    %cond3A_55 = arith.cmpi ne, %convert_element_type3A_53, %cond3A_54 : i32
    scf.if %cond3A_55 {
      %get3A_56 = arith.constant 0 : index
      %get3A_57 = arith.constant 0 : index
      %get3A_58 = vector.load %arg28[%get3A_56, %get3A_57] : memref<544x128xf32, #tpu.memory_space<vmem>>, vector<512x128xf32>
      %get3A_59 = arith.constant 0 : index
      %get3A_60 = arith.constant 0 : index
      %get3A_61 = vector.load %arg27[%get3A_59, %get3A_60] : memref<544x1xf32, #tpu.memory_space<vmem>>, vector<512x1xf32>
      %get3A_62 = arith.constant 0 : index
      %get3A_63 = arith.constant 0 : index
      %get3A_64 = vector.load %arg5[%get3A_62, %get3A_63] : memref<544x128xf32, #tpu.memory_space<vmem>>, vector<512x128xf32>
      %mul3A = vector.broadcast %get3A_61 : vector<512x1xf32> to vector<512x128xf32>
      %mul3A_65 = arith.mulf %mul3A, %get3A_64 : vector<512x128xf32>
      %add3A_66 = arith.addf %get3A_58, %mul3A_65 : vector<512x128xf32>
      %get3A_67 = arith.constant 0 : index
      %get3A_68 = arith.constant 0 : index
      %get3A_69 = vector.load %arg29[%get3A_67, %get3A_68] : memref<544x128xf32, #tpu.memory_space<vmem>>, vector<512x128xf32>
      %get3A_70 = arith.constant 0 : index
      %get3A_71 = arith.constant 0 : index
      %get3A_72 = vector.load %arg6[%get3A_70, %get3A_71] : memref<544x128xf32, #tpu.memory_space<vmem>>, vector<512x128xf32>
      %mul3A_73 = arith.mulf %get3A_69, %get3A_72 : vector<512x128xf32>
      %add3A_74 = arith.addf %add3A_66, %mul3A_73 : vector<512x128xf32>
      %get3A_75 = arith.constant 0 : index
      %get3A_76 = arith.constant 0 : index
      %get3A_77 = vector.load %arg26[%get3A_75, %get3A_76] : memref<544x1xf32, #tpu.memory_space<vmem>>, vector<512x1xf32>
      %add3A_78 = arith.constant 1.000000e-16 : f32
      %add3A_79 = vector.broadcast %add3A_78 : f32 to vector<512x1xf32>
      %add3A_80 = arith.addf %get3A_77, %add3A_79 : vector<512x1xf32>
      %div3A_81 = vector.broadcast %add3A_80 : vector<512x1xf32> to vector<512x128xf32>
      %div3A_82 = arith.divf %add3A_74, %div3A_81 : vector<512x128xf32>
      %get3A_83 = arith.constant 0 : index
      %get3A_84 = arith.constant 0 : index
      %get3A_85 = vector.load %arg24[%get3A_83, %get3A_84] : memref<544x128xf32, #tpu.memory_space<vmem>>, vector<512x128xf32>
      %get3A_86 = arith.constant 0 : index
      %get3A_87 = arith.constant 0 : index
      %get3A_88 = vector.load %arg15[%get3A_86, %get3A_87] : memref<128x256xf32, #tpu.memory_space<vmem>>, vector<128x256xf32>
      %dot_general3A = arith.constant dense<0.000000e+00> : vector<512x256xf32>
      %dot_general3A_89 = tpu.matmul %get3A_85, %get3A_88, %dot_general3A {dimension_numbers = #tpu.dot_dimension_numbers<[1], [0], [0], [1], [0, 0, 1, 1], [], []>, transpose_lhs_hint = false} : vector<512x128xf32>, vector<128x256xf32>, vector<512x256xf32> -> vector<512x256xf32>
      %get3A_90 = arith.constant 0 : index
      %get3A_91 = arith.constant 0 : index
      %get3A_92 = vector.load %arg16[%get3A_90, %get3A_91] : memref<128x256xf32, #tpu.memory_space<vmem>>, vector<128x256xf32>
      %dot_general3A_93 = arith.constant dense<0.000000e+00> : vector<512x256xf32>
      %dot_general3A_94 = tpu.matmul %div3A_82, %get3A_92, %dot_general3A_93 {dimension_numbers = #tpu.dot_dimension_numbers<[1], [0], [0], [1], [0, 0, 1, 1], [], []>, transpose_lhs_hint = false} : vector<512x128xf32>, vector<128x256xf32>, vector<512x256xf32> -> vector<512x256xf32>
      %add3A_95 = arith.addf %dot_general3A_89, %dot_general3A_94 : vector<512x256xf32>
      %get3A_96 = arith.constant 0 : index
      %get3A_97 = arith.constant 0 : index
      %get3A_98 = vector.load %arg17[%get3A_96, %get3A_97] : memref<1x256xf32, #tpu.memory_space<vmem>>, vector<1x256xf32>
      %add3A_99 = vector.broadcast %get3A_98 : vector<1x256xf32> to vector<512x256xf32>
      %add3A_100 = arith.addf %add3A_95, %add3A_99 : vector<512x256xf32>
      %max3A = arith.constant 0.000000e+00 : f32
      %max3A_101 = vector.broadcast %max3A : f32 to vector<512x256xf32>
      %max3A_102 = arith.maximumf %add3A_100, %max3A_101 : vector<512x256xf32>
      %get3A_103 = arith.constant 0 : index
      %get3A_104 = arith.constant 0 : index
      %get3A_105 = vector.load %arg18[%get3A_103, %get3A_104] : memref<256x128xf32, #tpu.memory_space<vmem>>, vector<256x128xf32>
      %dot_general3A_106 = arith.constant dense<0.000000e+00> : vector<512x128xf32>
      %dot_general3A_107 = tpu.matmul %max3A_102, %get3A_105, %dot_general3A_106 {dimension_numbers = #tpu.dot_dimension_numbers<[1], [0], [0], [1], [0, 0, 1, 1], [], []>, transpose_lhs_hint = false} : vector<512x256xf32>, vector<256x128xf32>, vector<512x128xf32> -> vector<512x128xf32>
      %get3A_108 = arith.constant 0 : index
      %get3A_109 = arith.constant 0 : index
      %get3A_110 = vector.load %arg19[%get3A_108, %get3A_109] : memref<1x128xf32, #tpu.memory_space<vmem>>, vector<1x128xf32>
      %add3A_111 = vector.broadcast %get3A_110 : vector<1x128xf32> to vector<512x128xf32>
      %add3A_112 = arith.addf %dot_general3A_107, %add3A_111 : vector<512x128xf32>
      %max3A_113 = arith.constant 0.000000e+00 : f32
      %max3A_114 = vector.broadcast %max3A_113 : f32 to vector<512x128xf32>
      %max3A_115 = arith.maximumf %add3A_112, %max3A_114 : vector<512x128xf32>
      %get3A_116 = arith.constant 0 : index
      %get3A_117 = arith.constant 0 : index
      %get3A_118 = vector.load %arg20[%get3A_116, %get3A_117] : memref<128x64xf32, #tpu.memory_space<vmem>>, vector<128x64xf32>
      %dot_general3A_119 = arith.constant dense<0.000000e+00> : vector<512x64xf32>
      %dot_general3A_120 = tpu.matmul %max3A_115, %get3A_118, %dot_general3A_119 {dimension_numbers = #tpu.dot_dimension_numbers<[1], [0], [0], [1], [0, 0, 1, 1], [], []>, transpose_lhs_hint = false} : vector<512x128xf32>, vector<128x64xf32>, vector<512x64xf32> -> vector<512x64xf32>
      %get3A_121 = arith.constant 0 : index
      %get3A_122 = arith.constant 0 : index
      %get3A_123 = vector.load %arg21[%get3A_121, %get3A_122] : memref<1x64xf32, #tpu.memory_space<vmem>>, vector<1x64xf32>
      %add3A_124 = vector.broadcast %get3A_123 : vector<1x64xf32> to vector<512x64xf32>
      %add3A_125 = arith.addf %dot_general3A_120, %add3A_124 : vector<512x64xf32>
      %swap3A = arith.constant 0 : index
      %swap3A_126 = arith.constant 0 : index
      %swap3A_127 = vector.load %arg22[%swap3A, %swap3A_126] : memref<512x64xf32, #tpu.memory_space<vmem>>, vector<512x64xf32>
      tpu.vector_store %arg22[%swap3A, %swap3A_126], %add3A_125 {strides = array<i32>} : memref<512x64xf32, #tpu.memory_space<vmem>>, vector<512x64xf32>,
      %get3A_128 = arith.constant 0 : index
      %get3A_129 = arith.constant 0 : index
      %get3A_130 = vector.load %arg6[%get3A_128, %get3A_129] : memref<544x128xf32, #tpu.memory_space<vmem>>, vector<512x128xf32>
      %add3A_131 = arith.constant 1.000000e-07 : f32
      %add3A_132 = vector.broadcast %add3A_131 : f32 to vector<512x128xf32>
      %add3A_133 = arith.addf %get3A_130, %add3A_132 : vector<512x128xf32>
      %add3A_134 = arith.constant 1.000000e-07 : f32
      %add3A_135 = vector.broadcast %add3A_134 : f32 to vector<512x128xf32>
      %add3A_136 = arith.addf %get3A_130, %add3A_135 : vector<512x128xf32>
      %mul3A_137 = arith.mulf %add3A_133, %add3A_136 : vector<512x128xf32>
      %mul3A_138 = arith.mulf %get3A_130, %get3A_130 : vector<512x128xf32>
      %div3A_139 = arith.divf %mul3A_138, %mul3A_137 : vector<512x128xf32>
      %reduce_sum3A = arith.constant dense<0.000000e+00> : vector<512xf32>
      %reduce_sum3A_140 = vector.multi_reduction <add>, %div3A_139, %reduce_sum3A [1] : vector<512x128xf32> to vector<512xf32>
      %broadcast_in_dim3A = vector.shape_cast %reduce_sum3A_140 : vector<512xf32> to vector<512x1xf32>
      %div3A_141 = arith.constant 1.280000e+02 : f32
      %div3A_142 = vector.broadcast %div3A_141 : f32 to vector<512x1xf32>
      %div3A_143 = arith.divf %broadcast_in_dim3A, %div3A_142 : vector<512x1xf32>
      %get3A_144 = arith.constant 0 : index
      %get3A_145 = arith.constant 0 : index
      %get3A_146 = vector.load %arg8[%get3A_144, %get3A_145] : memref<512x1xf32, #tpu.memory_space<vmem>>, vector<512x1xf32>
      %mul3A_147 = arith.constant 5.000000e-01 : f32
      %mul3A_148 = vector.broadcast %mul3A_147 : f32 to vector<512x1xf32>
      %mul3A_149 = arith.mulf %mul3A_148, %get3A_146 : vector<512x1xf32>
      %mul3A_150 = arith.mulf %mul3A_149, %div3A_143 : vector<512x1xf32>
      %get3A_151 = arith.constant 0 : index
      %get3A_152 = arith.constant 0 : index
      %get3A_153 = vector.load %arg9[%get3A_151, %get3A_152] : memref<512x128xf32, #tpu.memory_space<vmem>>, vector<512x128xf32>
      %div3A_154 = arith.divf %get3A_153, %mul3A_137 : vector<512x128xf32>
      %add3A_155 = vector.broadcast %mul3A_150 : vector<512x1xf32> to vector<512x128xf32>
      %add3A_156 = arith.addf %add3A_155, %div3A_154 : vector<512x128xf32>
      %reduce_sum3A_157 = vector.shape_cast %add3A_156 : vector<512x128xf32> to vector<1x512x128xf32>
      %reduce_sum3A_158 = arith.constant dense<0.000000e+00> : vector<1xf32>
      %reduce_sum3A_159 = vector.multi_reduction <add>, %reduce_sum3A_157, %reduce_sum3A_158 [1, 2] : vector<1x512x128xf32> to vector<1xf32>
      %reduce_sum3A_160 = vector.shape_cast %reduce_sum3A_159 : vector<1xf32> to vector<1x1x1xf32>
      %reduce_sum3A_161 = vector.extract %reduce_sum3A_160[0, 0, 0] : f32 from vector<1x1x1xf32>
      %broadcast_in_dim3A_162 = vector.broadcast %reduce_sum3A_161 : f32 to vector<1x1xf32>
      %div3A_163 = arith.constant 6.553600e+04 : f32
      %div3A_164 = vector.broadcast %div3A_163 : f32 to vector<1x1xf32>
      %div3A_165 = arith.divf %broadcast_in_dim3A_162, %div3A_164 : vector<1x1xf32>
      %swap3A_166 = arith.constant 0 : index
      %swap3A_167 = arith.constant 0 : index
      %swap3A_168 = vector.load %arg23[%swap3A_166, %swap3A_167] : memref<1x1xf32, #tpu.memory_space<vmem>>, vector<1x1xf32>
      tpu.vector_store %arg23[%swap3A_166, %swap3A_167], %div3A_165 {strides = array<i32>} : memref<1x1xf32, #tpu.memory_space<vmem>>, vector<1x1xf32>,
    } else {
    }
    return
  }
  func.func @transform_0(%arg0: i32) -> (i32, i32) {
    %c0_i32 = arith.constant 0 : i32
    %c0_i32_0 = arith.constant 0 : i32
    return %arg0, %c0_i32 : i32, i32
  }
  func.func @transform_1(%arg0: i32) -> (i32, i32) {
    %c0_i32 = arith.constant 0 : i32
    %c0_i32_0 = arith.constant 0 : i32
    return %arg0, %c0_i32 : i32, i32
  }
  func.func @transform_2(%arg0: i32) -> (i32, i32) {
    %c0_i32 = arith.constant 0 : i32
    %c0_i32_0 = arith.constant 0 : i32
    return %arg0, %c0_i32 : i32, i32
  }
  func.func @transform_3(%arg0: i32) -> (i32, i32) {
    %c0_i32 = arith.constant 0 : i32
    %c0_i32_0 = arith.constant 0 : i32
    return %arg0, %c0_i32 : i32, i32
  }
  func.func @transform_4(%arg0: i32) -> (i32, i32) {
    %c0_i32 = arith.constant 0 : i32
    %c0_i32_0 = arith.constant 0 : i32
    %c0_i32_1 = arith.constant 0 : i32
    return %c0_i32, %c0_i32_0 : i32, i32
  }
  func.func @transform_5(%arg0: i32) -> (i32, i32) {
    %c0_i32 = arith.constant 0 : i32
    %c0_i32_0 = arith.constant 0 : i32
    %c0_i32_1 = arith.constant 0 : i32
    return %c0_i32, %c0_i32_0 : i32, i32
  }
  func.func @transform_6(%arg0: i32) -> (i32, i32) {
    %c0_i32 = arith.constant 0 : i32
    %c0_i32_0 = arith.constant 0 : i32
    %c0_i32_1 = arith.constant 0 : i32
    return %c0_i32, %c0_i32_0 : i32, i32
  }
  func.func @transform_7(%arg0: i32) -> (i32, i32) {
    %c0_i32 = arith.constant 0 : i32
    %c0_i32_0 = arith.constant 0 : i32
    %c0_i32_1 = arith.constant 0 : i32
    return %c0_i32, %c0_i32_0 : i32, i32
  }
  func.func @transform_8(%arg0: i32) -> (i32, i32) {
    %c0_i32 = arith.constant 0 : i32
    %c0_i32_0 = arith.constant 0 : i32
    %c0_i32_1 = arith.constant 0 : i32
    return %c0_i32, %c0_i32_0 : i32, i32
  }
  func.func @transform_9(%arg0: i32) -> (i32, i32) {
    %c0_i32 = arith.constant 0 : i32
    %c0_i32_0 = arith.constant 0 : i32
    %c0_i32_1 = arith.constant 0 : i32
    return %c0_i32, %c0_i32_0 : i32, i32
  }
  func.func @transform_10(%arg0: i32) -> (i32, i32) {
    %c0_i32 = arith.constant 0 : i32
    %c0_i32_0 = arith.constant 0 : i32
    %c0_i32_1 = arith.constant 0 : i32
    return %c0_i32, %c0_i32_0 : i32, i32
  }
  func.func @transform_11(%arg0: i32) -> (i32, i32) {
    %c0_i32 = arith.constant 0 : i32
    %c0_i32_0 = arith.constant 0 : i32
    %c0_i32_1 = arith.constant 0 : i32
    return %c0_i32, %c0_i32_0 : i32, i32
  }
  func.func @transform_12(%arg0: i32) -> (i32, i32) {
    %c0_i32 = arith.constant 0 : i32
    %c0_i32_0 = arith.constant 0 : i32
    %c0_i32_1 = arith.constant 0 : i32
    return %c0_i32, %c0_i32_0 : i32, i32
  }
  func.func @transform_13(%arg0: i32) -> (i32, i32) {
    %c0_i32 = arith.constant 0 : i32
    %c0_i32_0 = arith.constant 0 : i32
    %c0_i32_1 = arith.constant 0 : i32
    return %c0_i32, %c0_i32_0 : i32, i32
  }
  func.func @transform_14(%arg0: i32) -> (i32, i32) {
    %c0_i32 = arith.constant 0 : i32
    %c0_i32_0 = arith.constant 0 : i32
    %c0_i32_1 = arith.constant 0 : i32
    return %c0_i32, %c0_i32_0 : i32, i32
  }
  func.func @transform_15(%arg0: i32) -> (i32, i32) {
    %c0_i32 = arith.constant 0 : i32
    %c0_i32_0 = arith.constant 0 : i32
    %c0_i32_1 = arith.constant 0 : i32
    return %c0_i32, %c0_i32_0 : i32, i32
  }
  func.func @transform_16(%arg0: i32) -> (i32, i32) {
    %c0_i32 = arith.constant 0 : i32
    %c0_i32_0 = arith.constant 0 : i32
    %c0_i32_1 = arith.constant 0 : i32
    return %c0_i32, %c0_i32_0 : i32, i32
  }
  func.func @transform_17(%arg0: i32) -> (i32, i32) {
    %c0_i32 = arith.constant 0 : i32
    %c0_i32_0 = arith.constant 0 : i32
    %c0_i32_1 = arith.constant 0 : i32
    return %c0_i32, %c0_i32_0 : i32, i32
  }
  func.func @transform_18(%arg0: i32) -> (i32, i32) {
    %c0_i32 = arith.constant 0 : i32
    %c0_i32_0 = arith.constant 0 : i32
    %c0_i32_1 = arith.constant 0 : i32
    return %c0_i32, %c0_i32_0 : i32, i32
  }
  func.func @transform_19(%arg0: i32) -> (i32, i32) {
    %c0_i32 = arith.constant 0 : i32
    %c0_i32_0 = arith.constant 0 : i32
    %c0_i32_1 = arith.constant 0 : i32
    return %c0_i32, %c0_i32_0 : i32, i32
  }
  func.func @transform_20(%arg0: i32) -> (i32, i32) {
    %c0_i32 = arith.constant 0 : i32
    %c0_i32_0 = arith.constant 0 : i32
    %c0_i32_1 = arith.constant 0 : i32
    return %c0_i32, %c0_i32_0 : i32, i32
  }
  func.func @transform_21(%arg0: i32) -> (i32, i32) {
    %c0_i32 = arith.constant 0 : i32
    %c0_i32_0 = arith.constant 0 : i32
    %c0_i32_1 = arith.constant 0 : i32
    return %c0_i32, %c0_i32_0 : i32, i32
  }
  func.func @transform_22(%arg0: i32) -> (i32, i32) {
    %c0_i32 = arith.constant 0 : i32
    %c0_i32_0 = arith.constant 0 : i32
    %c0_i32_1 = arith.constant 0 : i32
    return %c0_i32, %c0_i32_0 : i32, i32
  }
}

</mosaic_0001>

<sc_bundles>
// kernel: kernel.6.cloned.1.call-start
scs
__scs_entry_jumppad:
0x0: {  	(pc) =	sbr.rel $0x88, $3  }
0x1: {  	(tag) =	ssettag $0x0;
	lr =	simm.s32 $0x1  }
0x2: {  	[smem:$0x3F8F] =	sst lr;
	_ =	strace $0xD0000000  }
0x3: {  	_ = 	snop  }
0x4: {  	_ = 	snop  }
0x5: {  	_ = 	snop  }
0x6: {  	_ = 	snop  }
0x7: {  	_ = 	snop  }
__scs_overlays_trampoline_lowered:
0x8: {  	[smem:$0x3F9E] =	sst s0  }
0x9: {  	[smem:$0x3F9F] =	sst s1  }
0xa: {  	[smem:$0x3FA0] =	sst s2  }
0xb: {  	[smem:$0x3FA1] =	sst s3  }
0xc: {  	[smem:$0x3FA2] =	sst s4  }
0xd: {  	[smem:$0x3FA3] =	sst s5  }
0xe: {  	[smem:$0x3FA4] =	sst s6  }
0xf: {  	[smem:$0x3FA5] =	sst s7  }
0x10: {  	[smem:$0x3FA6] =	sst s8  }
0x11: {  	[smem:$0x3FA7] =	sst s9;
	s0 =	simm.s32 @!p0 $0x0  }
0x12: {  	s1 =	sld [smem:$0x3F8D];
	s0 =	simm.s32 @p0 $0x1  }
0x13: {  	[smem:$0x3FA8] =	sst s0;
	s0 =	simm.s32 @!p1 $0x0  }
0x14: {  	s2 =	sld [smem:$0x3F8C];
	s0 =	simm.s32 @p1 $0x1  }
0x15: {  	[smem:$0x3FA9] =	sst s0;
	s0 =	simm.s32 @!p2 $0x0  }
0x16: {  	s3 =	sld [smem:$0x3FDB];
	s0 =	simm.s32 @p2 $0x1  }
0x17: {  	s4 =	simm.s32 $0x1BF5;
	[smem:$0x3FAB] =	sst s0  }
0x18: {  	s0 =	sld [smem:$0x3F8E];
	_ =	swait.ge [sflag:s4], $0x0  }
0x19: {  	s7 =	sld [smem:$0x3F8F]  }
0x1a: {  	s8 =	sadd.s32 $0xFFFFE003, lr  }
0x1b: {  	s9 =	sadd.s32 $0xFFFFFEF7, lr;
	s5 =	simm.s32 $0xFFFFFFFF;
	p2 =	slt.u32 s8, $0xFFFFF086  }
0x1c: {  	p1 =	slt.u32 s9, $0xF7A;
	s5 =	simm.s32 @!p2 $0x0  }
0x1d: {  	s5 =	simm.s32 @p1 $0x1;
	p0 =	seq.s32 s7, s2  }
0x1e: {  	s7 =	smul.u32 @!p0 $0xF7A, s2;
	p2 =	seq.s32 @!p0 s5, $0x0  }
0x1f: {  	s9 =	smul.u32 $0xF7A, s1;
	s8 =	simm.s32 @!p0 $0x1BF5;
	p2 =	por !p2, p0  }
0x20: {  	[sflag:s8] =	ssyncset.s32 @!p0 $0xFFFFF086;
	s6 =	sadd.s32 @!p0 s3, s7;
	s7 =	simm.s32 @!p0 $0x108  }
0x21: {  	s3 =	sadd.s32 s3, s9;
	s6 =	sadd.s32 @!p0 $0x88, s6;
	s7 =	simm.s32 @p2 $0x1082  }
0x22: {  	[simem:s7], [sflag:s8] =	dma.local @!p0 [hbm:s6], $0xF7A  }
0x23: {  	s9 =	sor.u32 $0xD0000000, s2;
	s6 =	simm.s32 $0x108;
	_ =	swait.ge @!p0 [sflag:s8], $0x0  }
0x24: {  	s3 =	sadd.s32 $0x88, s3;
	s6 =	simm.s32 @!p1 $0x1082;
	[sflag:s4] =	ssyncset.s32 $0xFFFFF086  }
0x25: {  	[simem:s6], [sflag:s4] =	dma.local [hbm:s3], $0xF7A  }
0x26: {  	[smem:$0x3F8F] =	sst s1;
	(tag) =	ssettag s2;
	_ =	strace s9  }
0x27: {  	s1 =	sld [smem:$0x3F9F]  }
0x28: {  	s2 =	sld [smem:$0x3FA0]  }
0x29: {  	s4 =	sld [smem:$0x3FA2]  }
0x2a: {  	p0 =	seq.s32 s5, $0x0;
	s5 =	sld [smem:$0x3FA3]  }
0x2b: {  	s6 =	sld [smem:$0x3FA4]  }
0x2c: {  	s7 =	sld [smem:$0x3FA5]  }
0x2d: {  	s3 =	simm.s32 $0x108;
	s8 =	sld [smem:$0x3FA6]  }
0x2e: {  	s3 =	simm.s32 @!p0 $0x1082;
	s9 =	sld [smem:$0x3FA7]  }
0x2f: {  	lr =	sadd.s32 s0, s3;
	s0 =	sld [smem:$0x3F9E]  }
0x30: {  	s3 =	sld [smem:$0x3FA1]  }
0x31: {  	[smem:$0x3FAA] =	sst s10  }
0x32: {  	s10 =	sld [smem:$0x3FA8];
	_ =	sdelay $0x3  }
0x33: {  	p0 =	seq.s32 s10, $0x1;
	s10 =	sld [smem:$0x3FAA];
	_ =	sdelay $0x3  }
0x34: {  	[smem:$0x3FAA] =	sst s10  }
0x35: {  	s10 =	sld [smem:$0x3FA9];
	_ =	sdelay $0x3  }
0x36: {  	p1 =	seq.s32 s10, $0x1;
	s10 =	sld [smem:$0x3FAA];
	_ =	sdelay $0x3  }
0x37: {  	[smem:$0x3FAA] =	sst s10  }
0x38: {  	s10 =	sld [smem:$0x3FAB]  }
0x39: {  	_ = 	snop;
	(pc) =	sbr.ind lr, $3  }
0x3a: {  	_ = 	snop  }
0x3b: {  	_ = 	snop  }
0x3c: {  	p2 =	seq.s32 s10, $0x1;
	s10 =	sld [smem:$0x3FAA]  }
0x3d: {  	_ =	shalt  }
0x3e: {  	_ =	shalt  }
0x3f: {  	_ =	shalt  }
0x40: {  	_ =	shalt  }
0x41: {  	_ =	shalt  }
0x42: {  	_ =	shalt  }
0x43: {  	_ =	shalt  }
0x44: {  	_ =	shalt  }
0x45: {  	_ =	shalt  }
0x46: {  	_ =	shalt  }
0x47: {  	_ =	shalt  }
0x48: {  	_ =	shalt  }
0x49: {  	_ =	shalt  }
0x4a: {  	_ =	shalt  }
0x4b: {  	_ =	shalt  }
0x4c: {  	_ =	shalt  }
0x4d: {  	_ =	shalt  }
0x4e: {  	_ =	shalt  }
0x4f: {  	_ =	shalt  }
0x50: {  	_ =	shalt  }
0x51: {  	_ =	shalt  }
0x52: {  	_ =	shalt  }
0x53: {  	_ =	shalt  }
0x54: {  	_ =	shalt  }
0x55: {  	_ =	shalt  }
0x56: {  	_ =	shalt  }
0x57: {  	_ =	shalt  }
0x58: {  	_ =	shalt  }
0x59: {  	_ =	shalt  }
0x5a: {  	_ =	shalt  }
0x5b: {  	_ =	shalt  }
0x5c: {  	_ =	shalt  }
0x5d: {  	_ =	shalt  }
0x5e: {  	_ =	shalt  }
0x5f: {  	_ =	shalt  }
0x60: {  	_ =	shalt  }
0x61: {  	_ =	shalt  }
0x62: {  	_ =	shalt  }
0x63: {  	_ =	shalt  }
0x64: {  	_ =	shalt  }
0x65: {  	_ =	shalt  }
0x66: {  	_ =	shalt  }
0x67: {  	_ =	shalt  }
0x68: {  	_ =	shalt  }
0x69: {  	_ =	shalt  }
0x6a: {  	_ =	shalt  }
0x6b: {  	_ =	shalt  }
0x6c: {  	_ =	shalt  }
0x6d: {  	_ =	shalt  }
0x6e: {  	_ =	shalt  }
0x6f: {  	_ =	shalt  }
0x70: {  	_ =	shalt  }
0x71: {  	_ =	shalt  }
0x72: {  	_ =	shalt  }
0x73: {  	_ =	shalt  }
0x74: {  	_ =	shalt  }
0x75: {  	_ =	shalt  }
0x76: {  	_ =	shalt  }
0x77: {  	_ =	shalt  }
0x78: {  	_ =	shalt  }
0x79: {  	_ =	shalt  }
0x7a: {  	_ =	shalt  }
0x7b: {  	_ =	shalt  }
0x7c: {  	_ =	shalt  }
0x7d: {  	_ =	shalt  }
0x7e: {  	_ =	shalt  }
0x7f: {  	_ =	shalt  }
0x80: {  	_ =	shalt  }
0x81: {  	_ =	shalt  }
0x82: {  	_ =	shalt  }
0x83: {  	_ =	shalt  }
0x84: {  	_ =	shalt  }
0x85: {  	_ =	shalt  }
0x86: {  	_ =	shalt  }
0x87: {  	_ =	shalt  }
.Lfunc_end0:
.L_simem_size_0:
called_computation_lowered:
.L_overlay_start_0:
0x88: {  	s2 =	sld [smem:$0x3FD9]  }
0x89: {  	s3 =	sld [smem:$0x3FFE];
	_ =	sdelay $0x1  }
0x8a: {  	s1 =	srdreg.scid  }
0x8b: {  	s0 =	sand.u32 $0x1, s1  }
0x8c: {  	s17 =	sshll.u32 s0, $0xA;
	s2 =	sadd.s32 s3, s2  }
0x8d: {  	s2 =	sadd.s32 s2, s17  }
0x8e: {  	[smem:$0x3FB6] =	sst s2  }
0x8f: {  	_ = 	snop  }
0x90: {  	s2 =	sld [smem:$0x3FC8];
	(tm) =	ssettm $0x1  }
0x91: {  	s18 =	sld [smem:$0x3FFB];
	_ =	sdelay $0x3  }
0x92: {  	_ =	strace s18  }
0x93: {  	s3 =	sld [smem:$0x3FFC];
	_ =	sdelay $0x3  }
0x94: {  	_ =	strace s3  }
0x95: {  	s3 =	sld [smem:$0x3FFD];
	_ =	sdelay $0x3  }
0x96: {  	_ =	strace s3  }
0x97: {  	_ =	strace $0x8FFFFFFF  }
0x98: {  	s19 =	sld [smem:$0x3FDB];
	_ =	sdelay $0x1  }
0x99: {  	s4 =	simm.s32 $_scs_section_size  }
0x9a: {  	s5 =	simm.s32 $_size__tile_overlayer_lowered;
	s6 =	simm.s32 $_tile_overlayer_lowered  }
0x9b: {  	s22 =	simm.s32 $0x1BFF;
	s21 =	sshll.u32 s6, $0x1;
	s3 =	sadd.s32 s4, s19  }
0x9c: {  	s7 =	simm.s32 $0x0;
	s20 =	sshll.u32 s5, $0x1;
	s5 =	sadd.s32 s21, s3  }
0x9d: {  	[timem:s7], [sflag:s22] =	dma.local [hbm:s5], s20  }
0x9e: {  	_ =	swait.ge [sflag:s22], s20  }
0x9f: {  	s4 =	ssub.s32 $0x0, s20;
	[sflag:s22] =	ssyncset.done $0x0  }
0xa0: {  	[sflag:s22] =	ssyncadd.s32 s4;
	_ =	sdelay $0x1  }
0xa1: {  	s23 =	simm.s32 $0x1B8B  }
0xa2: {  	_ =	swait.ge [sflag:s23], $0x1  }
0xa3: {  	[sflag:s23] =	ssyncset.done $0x0  }
0xa4: {  	s25 =	simm.s32 $0x1B8E;
	s24 =	sld [smem:$0x3FFE];
	[sflag:s23] =	ssyncadd.s32 $0xFFFFFFFF  }
0xa5: {  	s26 =	simm.s32 $execute0_lowered;
	[smem:$0x3FD2] =	sst s25  }
0xa6: {  	s5 =	sshll.u32 s26, $0x1;
	_ =	strace $0x80000046;
	[dreg:$0x1] =	wrdreg $0xFFFFFFFF  }
0xa7: {  	s28 =	simm.s32 $_size_execute0_lowered;
	s3 =	sadd.s32 s3, s5;
	[dreg:$0x0] =	wrdreg $0x0  }
0xa8: {  	s5 =	sshll.u32 s28, $0x1;
	[dreg:$0x2] =	wrdreg s3  }
0xa9: {  	[dreg:$0x3] =	wrdreg s5  }
0xaa: {  	[dreg:$0x4] =	wrdreg $0xC0  }
0xab: {  	_ =	task [dreg:s7], $0x5FFFF  }
0xac: {  	[dreg:$0x1] =	wrdreg $0xFFFFFFFF  }
0xad: {  	[dreg:$0x0] =	wrdreg $0x60  }
0xae: {  	[dreg:$0x2] =	wrdreg s2  }
0xaf: {  	[dreg:$0x3] =	wrdreg s24  }
0xb0: {  	[dreg:$0x4] =	wrdreg $0x116800  }
0xb1: {  	[dreg:$0x5] =	wrdreg $0x9  }
0xb2: {  	_ =	task.clear_ibuf [dreg:s7], $0x6FFFF;
	_ =	strace $0x90000046  }
0xb3: {  	s29 =	simm.s32 $0x9;
	_ =	strace $0x80000048  }
0xb4: {  	_ =	swait.ge [sflag:s29], $0x1  }
0xb5: {  	[sflag:s29] =	ssyncadd.s32 $0xFFFFFFFF  }
0xb6: {  	_ =	strace $0x90000048  }
0xb7: {  	_ =	sfence  }
0xb8: {  	s30 =	sld [smem:$0x0];
	_ =	sdelay $0x2  }
0xb9: {  	s31 =	sshll.u32 s1, $0xD;
	s1 =	sshrl.u32 s1, $0x2  }
0xba: {  	s3 =	sand.u32 $0x4000, s31;
	s1 =	sadd.s32 s1, s30  }
0xbb: {  	s0 =	sor.u32 s3, s0;
	s1 =	sshll.u32 s1, $0x11  }
0xbc: {  	s0 =	sor.u32 s1, s0  }
0xbd: {  	s0 =	sadd.s32 $0x8F2B, s0  }
0xbe: {  	[sflag:s0] =	ssyncadd.remote.s32 $0x1  }
0xbf: {  	_ =	sfence.sel $0xFFFF  }
0xc0: {  	[dreg:$0x0] =	wrdreg $0xFFFFFFFF;
	(pc) =	sbr.abs _section_cstart, $3  }
0xc1: {  	[dreg:$0x1] =	wrdreg $0xFFFFFFFF  }
0xc2: {  	_ =	task.clear_ibuf [dreg:s7], $0x2FFFF;
	_ =	strace $0x9FFFFFFF  }
0xc3: {  	(tm) =	ssettm $0x7FFFFFFF  }
tec
execute0_lowered:
.L_overlay_start_1:
0x0: {  	(tag) =	ssettag $0x1  }
0x1: {  	s6 =	rddreg [dreg:$0x0]  }
0x2: {  	s5 =	rddreg [dreg:$0x1]  }
0x3: {  	s1 =	rddreg [dreg:$0x2]  }
0x4: {  	s0 =	rddreg [dreg:$0x3]  }
0x5: {  	s2 =	simm.s32 $0x0;
	s3 =	srdreg.scid;
	v0 =	vlaneseq.u32;
	s12 =	simm.s32 $0x11500  }
0x6: {  	v1 =	vimm.f32 $0.0e+00;
	s13 =	simm.s32 $0x4000;
	s14 =	simm.s32 $0x11580;
	s15 =	simm.s32 $0x8000;
	v33 =	vimm.f32 $1.000000000e+00;
	v2 =	vor.u32 $0x10, v0  }
0x7: {  	s16 =	simm.s32 $0x11600;
	s17 =	simm.s32 $0xC000;
	s18 =	simm.s32 $0x0;
	v3 =	vor.u32 $0x20, v0;
	v4 =	vor.u32 $0x30, v0;
	v5 =	vor.u32 $0x40, v0  }
0x8: {  	[smem:$0x7FF] =	sst s2;
	s7 =	sand.u32 $0x1, s3;
	v6 =	vor.u32 $0x50, v0;
	s4 =	sadd.s32 $0x3C00, s5;
	v7 =	vor.u32 $0x60, v0;
	v8 =	vor.u32 $0x70, v0  }
0x9: {  	s3 =	stileid.u32;
	v9 =	vor.u32 $0x80, v0;
	v10 =	vor.u32 $0x90, v0;
	v11 =	vor.u32 $0xA0, v0;
	s5 =	sadd.s32 $0x5C00, s5;
	_ =	strace $0x80000047  }
0xa: {  	v12 =	vor.u32 $0xB0, v0;
	v13 =	vor.u32 $0xC0, v0;
	v14 =	vor.u32 $0xD0, v0;
	s8 =	ssub.s32 $0x2, s7;
	s9 =	sshll.u32 s7, $0x4;
	p0 =	seq.s32 s3, $0x0  }
0xb: {  	v15 =	vor.u32 $0xE0, v0;
	v16 =	vor.u32 $0xF0, v0;
	v17 =	vor.u32 $0x100, v0;
	p1 =	seq.s32 s7, $0x1;
	s31 =	sor.u32 s7, s3;
	s10 =	sshrl.u32 s8, $0x1  }
.Ltmp0:
0xc: {  	v18 =	vor.u32 $0x110, v0;
	v19 =	vor.u32 $0x120, v0;
	v20 =	vor.u32 $0x130, v0;
	s11 =	sor.u32 s3, s9;
	p0 =	por !p0, !p1;
	(pc) =	sbr.rel .LBB2_1-.Ltmp0, $4  }
0xd: {  	v21 =	vor.u32 $0x140, v0;
	v22 =	vor.u32 $0x150, v0;
	v23 =	vor.u32 $0x160, v0;
	p3 =	sne.s32 s31, $0x0;
	s9 =	smul.u32 $0x270, s11;
	s8 =	ssub.s32 s8, s10  }
0xe: {  	v24 =	vor.u32 $0x170, v0;
	v25 =	vor.u32 $0x180, v0;
	v26 =	vor.u32 $0x190, v0;
	p1 =	por !p0, !p0;
	p0 =	sne.s32 s3, $0x0;
	p2 =	sne.s32 s11, $0x1F  }
0xf: {  	v27 =	vor.u32 $0x1A0, v0;
	v28 =	vor.u32 $0x1B0, v0;
	v29 =	vor.u32 $0x1C0, v0;
	s10 =	simm.s32 $0x80;
	s11 =	simm.s32 $0x11480;
	s7 =	smax.u32 s8, $0x1  }
0x10: {  	v30 =	vor.u32 $0x1D0, v0;
	v31 =	vor.u32 $0x1E0, v0;
	v32 =	vor.u32 $0x1F0, v0;
	s8 =	simm.s32 $0x10000;
	s6 =	sadd.s32 s6, s9;
	s9 =	simm.s32 $0x1  }
.LBB2_8:
0x11: {  	[tilespmem:s21+$0x0] =	vst.add.f32.msk $0xffff, v33  }
0x12: {  	s19 =	sor.u32 $0x70, s22;
	[tilespmem:s20+$0x0] =	vst.add.f32.msk $0xffff, v33  }
0x13: {  	[tilespmem:s19+$0x0] =	vst.add.f32.msk $0xffff, v33  }
.LBB2_9:
0x14: {  	[bflag:$0x0] =	sbarrier.arrive $0xFFFF  }
0x15: {  	[spmem:s1] =	stream.indirect.scatter.add.f32 [tilespmem:s2], [sflag:$0x1], $0x80, s11, s10, $0xb8;
	[tilespmem:$0x12680] =	vst v63  }
0x16: {  	_ =	swait.ge [sflag:s9], $0x4000  }
0x17: {  	[sflag:s9] =	ssyncset.done $0x0  }
0x18: {  	[sflag:s9] =	ssyncadd.s32 $0xFFFFC000  }
0x19: {  	[spmem:s1] =	stream.indirect.scatter.add.f32 [tilespmem:s13], [sflag:$0x1], $0x80, s12, s10, $0xb8;
	[tilespmem:$0x12680] =	vst v63  }
0x1a: {  	_ =	swait.ge [sflag:s9], $0x4000  }
0x1b: {  	[sflag:s9] =	ssyncset.done $0x0  }
0x1c: {  	[sflag:s9] =	ssyncadd.s32 $0xFFFFC000  }
0x1d: {  	[spmem:s1] =	stream.indirect.scatter.add.f32 [tilespmem:s15], [sflag:$0x1], $0x80, s14, s10, $0xb8;
	[tilespmem:$0x12680] =	vst v63  }
0x1e: {  	_ =	swait.ge [sflag:s9], $0x4000  }
0x1f: {  	[sflag:s9] =	ssyncset.done $0x0  }
0x20: {  	[sflag:s9] =	ssyncadd.s32 $0xFFFFC000  }
0x21: {  	[spmem:s1] =	stream.indirect.scatter.add.f32 [tilespmem:s17], [sflag:$0x1], $0x80, s16, s10, $0xb8;
	[tilespmem:$0x12680] =	vst v63  }
0x22: {  	_ =	swait.ge [sflag:s9], $0x4000  }
0x23: {  	[sflag:s9] =	ssyncset.done $0x0  }
0x24: {  	s19 =	sshll.u32 @!p3 s3, $0x6;
	[sflag:s9] =	ssyncadd.s32 $0xFFFFC000  }
0x25: {  	s20 =	sshrl.u32 @!p3 s1, $0x3;
	s19 =	sor.u32 @!p3 $0x1C01, s19;
	[bflag:$0x0] =	sbarrier.arrive $0xFFFF  }
0x26: {  	[hbm:s4], [sflag:s19] =	dma.local @!p3 [spmem:s20], $0x2000  }
0x27: {  	s19 =	simm.s32 @!p3 $0x1  }
0x28: {  	s18 =	sadd.s32 $0x1, s18;
	_ =	swait.ge @!p3 [sflag:s19], $0x2000  }
0x29: {  	p4 =	sne.s32 s18, s7;
	[sflag:s19] =	ssyncset.done @!p3 $0x0  }
0x2a: {  	s20 =	simm.s32 @p1 $0x1C01;
	[sflag:s19] =	ssyncadd.s32 @!p3 $0xFFFFE000;
	s19 =	sshrl.u32 @p1 s1, $0x3  }
0x2b: {  	[hbm:s5], [sflag:s20] =	dma.local @p1 [spmem:s19], $0x2000  }
.Ltmp1:
0x2c: {  	_ = 	snop;
	(pc) =	sbr.rel @!p4 .LBB2_10-.Ltmp1, $4  }
0x2d: {  	s19 =	simm.s32 @p1 $0x1  }
0x2e: {  	_ =	swait.ge @p1 [sflag:s19], $0x2000  }
0x2f: {  	[sflag:s19] =	ssyncset.done @p1 $0x0  }
0x30: {  	[sflag:s19] =	ssyncadd.s32 @p1 $0xFFFFE000  }
.LBB2_1:
0x31: {  	s19 =	simm.s32 $0x0;
	s20 =	simm.s32 $0x200  }
.LBB2_2:
0x32: {  	p4 =	sne.s32 s20, $0x3FE00;
	[tilespmem:s19+$0x70] =	vst v1  }
0x33: {  	[tilespmem:s19+$0x0] =	vst v1  }
0x34: {  	[tilespmem:s19+$0x10] =	vst v1  }
.Ltmp2:
0x35: {  	[tilespmem:s19+$0x20] =	vst v1;
	(pc) =	sbr.rel @p4 .LBB2_2-.Ltmp2, $4  }
0x36: {  	[tilespmem:s19+$0x30] =	vst v1  }
0x37: {  	[tilespmem:s19+$0x40] =	vst v1  }
0x38: {  	[tilespmem:s19+$0x50] =	vst v1  }
0x39: {  	[tilespmem:s19+$0x60] =	vst v1;
	s19 =	sshra.s32 s20, $0x2;
	s20 =	sadd.s32 $0x200, s20  }
0x3a: {  	[tilespmem:s19+$0x70] =	vst v1  }
0x3b: {  	[tilespmem:s19+$0x0] =	vst v1  }
0x3c: {  	[tilespmem:s19+$0x10] =	vst v1  }
0x3d: {  	[tilespmem:s19+$0x20] =	vst v1  }
0x3e: {  	[tilespmem:s19+$0x30] =	vst v1  }
0x3f: {  	[tilespmem:s19+$0x40] =	vst v1  }
0x40: {  	[tilespmem:s19+$0x50] =	vst v1  }
0x41: {  	[tilespmem:s19+$0x60] =	vst v1  }
0x42: {  	[tilespmem:$0x11480] =	vst v0  }
0x43: {  	[tilespmem:$0x11490] =	vst v2  }
0x44: {  	[tilespmem:$0x114A0] =	vst v3  }
0x45: {  	[tilespmem:$0x114B0] =	vst v4  }
0x46: {  	[tilespmem:$0x114C0] =	vst v5  }
0x47: {  	[tilespmem:$0x114D0] =	vst v6  }
0x48: {  	[tilespmem:$0x114E0] =	vst v7  }
0x49: {  	[tilespmem:$0x114F0] =	vst v8  }
0x4a: {  	[tilespmem:$0x11500] =	vst v9  }
0x4b: {  	[tilespmem:$0x11510] =	vst v10  }
0x4c: {  	[tilespmem:$0x11520] =	vst v11  }
0x4d: {  	[tilespmem:$0x11530] =	vst v12  }
0x4e: {  	[tilespmem:$0x11540] =	vst v13  }
0x4f: {  	[tilespmem:$0x11550] =	vst v14  }
0x50: {  	[tilespmem:$0x11560] =	vst v15  }
0x51: {  	[tilespmem:$0x11570] =	vst v16  }
0x52: {  	[tilespmem:$0x11580] =	vst v17  }
0x53: {  	[tilespmem:$0x11590] =	vst v18  }
0x54: {  	[tilespmem:$0x115A0] =	vst v19  }
0x55: {  	[tilespmem:$0x115B0] =	vst v20  }
0x56: {  	[tilespmem:$0x115C0] =	vst v21  }
0x57: {  	[tilespmem:$0x115D0] =	vst v22  }
0x58: {  	[tilespmem:$0x115E0] =	vst v23  }
0x59: {  	[tilespmem:$0x115F0] =	vst v24  }
0x5a: {  	[tilespmem:$0x11600] =	vst v25  }
0x5b: {  	[tilespmem:$0x11610] =	vst v26  }
0x5c: {  	[tilespmem:$0x11620] =	vst v27  }
0x5d: {  	[tilespmem:$0x11630] =	vst v28  }
0x5e: {  	[tilespmem:$0x11640] =	vst v29  }
0x5f: {  	[tilespmem:$0x11650] =	vst v30  }
0x60: {  	[tilespmem:$0x11660] =	vst v31  }
0x61: {  	s19 =	simm.s32 @!p0 $0x0;
	[tilespmem:$0x11670] =	vst v32  }
0x62: {  	[spmem:s1] =	stream.linear.scatter @!p0 [tilespmem:s19], [sflag:$0x1], $0x10000, $0x38;
	[tilespmem:$0x12680] =	vst v63  }
0x63: {  	s19 =	simm.s32 @!p0 $0x1  }
0x64: {  	_ =	swait.ge @!p0 [sflag:s19], $0x10000  }
0x65: {  	[sflag:s19] =	ssyncset.done @!p0 $0x0  }
0x66: {  	[sflag:s19] =	ssyncadd.s32 @!p0 $0xFFFF0000  }
0x67: {  	s26 =	simm.s32 $0x0;
	[bflag:$0x0] =	sbarrier.arrive $0xFFFF  }
0x68: {  	[tilespmem:s8], [sflag:$0x1] =	stream.linear.gather [hbm4b:s6+s26], $0x1480, $0x38;
	[tilespmem:$0x12680] =	vst v63  }
0x69: {  	_ =	swait.ge [sflag:s9], $0x1480  }
0x6a: {  	[sflag:s9] =	ssyncset.done $0x0  }
0x6b: {  	s28 =	simm.s32 $0x0;
	[sflag:s9] =	ssyncadd.s32 $0xFFFFEB80  }
0x6c: {  	v34 =	vld [tilespmem:s28+$0x10000];
	_ =	sdelay $0x4  }
0x6d: {  	v34 =	vshll.u32 v34, $0x9  }
0x6e: {  	v34 =	vshra.s32 v34, $0x2  }
0x6f: {  	(v2sf) =	vpush v34, $0x2  }
0x70: {  	(v2sf) =	vpush v34, $0x0  }
0x71: {  	(v2sf) =	vpush v34, $0x1  }
0x72: {  	(v2sf) =	vpush v34, $0x3  }
0x73: {  	(v2sf) =	vpush v34, $0x4  }
0x74: {  	(v2sf) =	vpush v34, $0x5  }
0x75: {  	(v2sf) =	vpush v34, $0x6  }
0x76: {  	(v2sf) =	vpush v34, $0x7  }
0x77: {  	(v2sf) =	vpush v34, $0x9  }
0x78: {  	(v2sf) =	vpush v34, $0x8  }
0x79: {  	(v2sf) =	vpush v34, $0xA  }
0x7a: {  	(v2sf) =	vpush v34, $0xB  }
0x7b: {  	(v2sf) =	vpush v34, $0xC  }
0x7c: {  	(v2sf) =	vpush v34, $0xD  }
0x7d: {  	(v2sf) =	vpush v34, $0xE  }
0x7e: {  	s29 =	spop (v2sf);
	(v2sf) =	vpush v34, $0xF  }
0x7f: {  	s20 =	spop (v2sf)  }
0x80: {  	s21 =	spop (v2sf)  }
0x81: {  	[tilespmem:s20+$0x0] =	vst.add.f32.msk $0xffff, v33;
	s30 =	sor.u32 $0x10, s21;
	s31 =	spop (v2sf)  }
0x82: {  	s19 =	sor.u32 $0x20, s29;
	[tilespmem:s30+$0x0] =	vst.add.f32.msk $0xffff, v33;
	s22 =	spop (v2sf)  }
0x83: {  	s21 =	sor.u32 $0x30, s31;
	[tilespmem:s19+$0x0] =	vst.add.f32.msk $0xffff, v33;
	s23 =	spop (v2sf)  }
0x84: {  	s20 =	sor.u32 $0x40, s22;
	[tilespmem:s21+$0x0] =	vst.add.f32.msk $0xffff, v33;
	s24 =	spop (v2sf)  }
0x85: {  	s19 =	sor.u32 $0x50, s23;
	[tilespmem:s20+$0x0] =	vst.add.f32.msk $0xffff, v33;
	s25 =	spop (v2sf)  }
0x86: {  	s21 =	sor.u32 $0x60, s24;
	[tilespmem:s19+$0x0] =	vst.add.f32.msk $0xffff, v33;
	s26 =	spop (v2sf)  }
0x87: {  	s20 =	sor.u32 $0x70, s25;
	[tilespmem:s21+$0x0] =	vst.add.f32.msk $0xffff, v33;
	s28 =	spop (v2sf)  }
0x88: {  	[tilespmem:s20+$0x0] =	vst.add.f32.msk $0xffff, v33;
	s29 =	spop (v2sf)  }
0x89: {  	s19 =	sor.u32 $0x10, s26;
	[tilespmem:s28+$0x0] =	vst.add.f32.msk $0xffff, v33;
	s30 =	spop (v2sf)  }
0x8a: {  	s20 =	sor.u32 $0x20, s29;
	[tilespmem:s19+$0x0] =	vst.add.f32.msk $0xffff, v33;
	s22 =	spop (v2sf)  }
0x8b: {  	s21 =	sor.u32 $0x30, s30;
	[tilespmem:s20+$0x0] =	vst.add.f32.msk $0xffff, v33;
	s31 =	spop (v2sf)  }
0x8c: {  	s19 =	simm.s32 $0x40;
	s22 =	sor.u32 $0x40, s22;
	[tilespmem:s21+$0x0] =	vst.add.f32.msk $0xffff, v33;
	s23 =	spop (v2sf)  }
0x8d: {  	s21 =	sor.u32 $0x50, s31;
	[tilespmem:s22+$0x0] =	vst.add.f32.msk $0xffff, v33;
	s20 =	sor.u32 $0x60, s23;
	s22 =	spop (v2sf)  }
.LBB2_4:
0x8e: {  	p4 =	sne.s32 s19, $0x4DC0  }
0x8f: {  	[tilespmem:s21+$0x0] =	vst.add.f32.msk $0xffff, v33;
	s21 =	sor.u32 $0x70, s22;
	s22 =	smov.u32 s19;
	s19 =	sadd.s32 $0x40, s19  }
0x90: {  	[tilespmem:s20+$0x0] =	vst.add.f32.msk $0xffff, v33  }
0x91: {  	s20 =	sshra.s32 s22, $0x2;
	[tilespmem:s21+$0x0] =	vst.add.f32.msk $0xffff, v33  }
0x92: {  	v34 =	vld [tilespmem:s20+$0x10000];
	_ =	sdelay $0x4  }
0x93: {  	v34 =	vshll.u32 v34, $0x9  }
0x94: {  	v34 =	vshra.s32 v34, $0x2  }
0x95: {  	(v2sf) =	vpush v34, $0x2  }
0x96: {  	(v2sf) =	vpush v34, $0x0  }
0x97: {  	(v2sf) =	vpush v34, $0x1  }
0x98: {  	(v2sf) =	vpush v34, $0x3  }
0x99: {  	(v2sf) =	vpush v34, $0x4  }
0x9a: {  	(v2sf) =	vpush v34, $0x5  }
0x9b: {  	(v2sf) =	vpush v34, $0x6  }
0x9c: {  	(v2sf) =	vpush v34, $0x7  }
0x9d: {  	(v2sf) =	vpush v34, $0x9  }
0x9e: {  	(v2sf) =	vpush v34, $0x8  }
0x9f: {  	(v2sf) =	vpush v34, $0xA  }
0xa0: {  	(v2sf) =	vpush v34, $0xB  }
0xa1: {  	(v2sf) =	vpush v34, $0xC  }
0xa2: {  	(v2sf) =	vpush v34, $0xD  }
0xa3: {  	(v2sf) =	vpush v34, $0xE  }
0xa4: {  	s20 =	spop (v2sf);
	(v2sf) =	vpush v34, $0xF  }
0xa5: {  	s21 =	spop (v2sf)  }
0xa6: {  	[tilespmem:s21+$0x0] =	vst.add.f32.msk $0xffff, v33;
	s21 =	spop (v2sf)  }
0xa7: {  	s20 =	sor.u32 $0x20, s20;
	s21 =	sor.u32 $0x10, s21;
	s22 =	spop (v2sf)  }
0xa8: {  	[tilespmem:s21+$0x0] =	vst.add.f32.msk $0xffff, v33;
	s21 =	sor.u32 $0x30, s22;
	s22 =	spop (v2sf)  }
0xa9: {  	[tilespmem:s20+$0x0] =	vst.add.f32.msk $0xffff, v33;
	s20 =	sor.u32 $0x40, s22;
	s22 =	spop (v2sf)  }
0xaa: {  	[tilespmem:s21+$0x0] =	vst.add.f32.msk $0xffff, v33;
	s21 =	sor.u32 $0x50, s22;
	s22 =	spop (v2sf)  }
0xab: {  	[tilespmem:s20+$0x0] =	vst.add.f32.msk $0xffff, v33;
	s20 =	sor.u32 $0x60, s22;
	s22 =	spop (v2sf)  }
0xac: {  	[tilespmem:s21+$0x0] =	vst.add.f32.msk $0xffff, v33;
	s21 =	sor.u32 $0x70, s22;
	s22 =	spop (v2sf)  }
0xad: {  	[tilespmem:s20+$0x0] =	vst.add.f32.msk $0xffff, v33;
	s20 =	spop (v2sf)  }
0xae: {  	[tilespmem:s21+$0x0] =	vst.add.f32.msk $0xffff, v33;
	s21 =	sor.u32 $0x10, s22;
	s22 =	spop (v2sf)  }
.Ltmp3:
0xaf: {  	[tilespmem:s20+$0x0] =	vst.add.f32.msk $0xffff, v33;
	s20 =	sor.u32 $0x20, s22;
	s22 =	spop (v2sf);
	(pc) =	sbr.rel @p4 .LBB2_4-.Ltmp3, $4  }
0xb0: {  	[tilespmem:s21+$0x0] =	vst.add.f32.msk $0xffff, v33;
	s21 =	sor.u32 $0x30, s22;
	s22 =	spop (v2sf)  }
0xb1: {  	[tilespmem:s20+$0x0] =	vst.add.f32.msk $0xffff, v33;
	s20 =	sor.u32 $0x40, s22;
	s22 =	spop (v2sf)  }
0xb2: {  	[tilespmem:s21+$0x0] =	vst.add.f32.msk $0xffff, v33;
	s21 =	sor.u32 $0x50, s22;
	s22 =	spop (v2sf)  }
0xb3: {  	[tilespmem:s20+$0x0] =	vst.add.f32.msk $0xffff, v33;
	s20 =	sor.u32 $0x60, s22;
	s22 =	spop (v2sf)  }
.Ltmp4:
0xb4: {  	(pc) =	sbr.rel @p2 .LBB2_9-.Ltmp4, $4  }
0xb5: {  	_ = 	snop  }
0xb6: {  	[tilespmem:s21+$0x0] =	vst.add.f32.msk $0xffff, v33  }
0xb7: {  	s19 =	sor.u32 $0x70, s22;
	[tilespmem:s20+$0x0] =	vst.add.f32.msk $0xffff, v33  }
0xb8: {  	[tilespmem:s19+$0x0] =	vst.add.f32.msk $0xffff, v33  }
0xb9: {  	s19 =	simm.s32 $0x0  }
0xba: {  	v34 =	vld [tilespmem:s19+$0x11380];
	_ =	sdelay $0x4  }
0xbb: {  	v34 =	vshll.u32 v34, $0x9  }
0xbc: {  	v34 =	vshra.s32 v34, $0x2  }
0xbd: {  	(v2sf) =	vpush v34, $0x2  }
0xbe: {  	(v2sf) =	vpush v34, $0x0  }
0xbf: {  	(v2sf) =	vpush v34, $0x1  }
0xc0: {  	(v2sf) =	vpush v34, $0x3  }
0xc1: {  	(v2sf) =	vpush v34, $0x4  }
0xc2: {  	(v2sf) =	vpush v34, $0x5  }
0xc3: {  	(v2sf) =	vpush v34, $0x6  }
0xc4: {  	(v2sf) =	vpush v34, $0x7  }
0xc5: {  	(v2sf) =	vpush v34, $0x9  }
0xc6: {  	(v2sf) =	vpush v34, $0x8  }
0xc7: {  	(v2sf) =	vpush v34, $0xA  }
0xc8: {  	(v2sf) =	vpush v34, $0xB  }
0xc9: {  	(v2sf) =	vpush v34, $0xC  }
0xca: {  	(v2sf) =	vpush v34, $0xD  }
0xcb: {  	(v2sf) =	vpush v34, $0xE  }
0xcc: {  	s29 =	spop (v2sf);
	(v2sf) =	vpush v34, $0xF  }
0xcd: {  	s20 =	spop (v2sf)  }
0xce: {  	s21 =	spop (v2sf)  }
0xcf: {  	[tilespmem:s20+$0x0] =	vst.add.f32.msk $0xffff, v33;
	s30 =	sor.u32 $0x10, s21;
	s31 =	spop (v2sf)  }
0xd0: {  	s19 =	sor.u32 $0x20, s29;
	[tilespmem:s30+$0x0] =	vst.add.f32.msk $0xffff, v33;
	s22 =	spop (v2sf)  }
0xd1: {  	s21 =	sor.u32 $0x30, s31;
	[tilespmem:s19+$0x0] =	vst.add.f32.msk $0xffff, v33;
	s23 =	spop (v2sf)  }
0xd2: {  	s20 =	sor.u32 $0x40, s22;
	[tilespmem:s21+$0x0] =	vst.add.f32.msk $0xffff, v33;
	s24 =	spop (v2sf)  }
0xd3: {  	s19 =	sor.u32 $0x50, s23;
	[tilespmem:s20+$0x0] =	vst.add.f32.msk $0xffff, v33;
	s25 =	spop (v2sf)  }
0xd4: {  	s21 =	sor.u32 $0x60, s24;
	[tilespmem:s19+$0x0] =	vst.add.f32.msk $0xffff, v33;
	s26 =	spop (v2sf)  }
0xd5: {  	s20 =	sor.u32 $0x70, s25;
	[tilespmem:s21+$0x0] =	vst.add.f32.msk $0xffff, v33;
	s28 =	spop (v2sf)  }
0xd6: {  	[tilespmem:s20+$0x0] =	vst.add.f32.msk $0xffff, v33;
	s29 =	spop (v2sf)  }
0xd7: {  	s19 =	sor.u32 $0x10, s26;
	[tilespmem:s28+$0x0] =	vst.add.f32.msk $0xffff, v33;
	s30 =	spop (v2sf)  }
0xd8: {  	s20 =	sor.u32 $0x20, s29;
	[tilespmem:s19+$0x0] =	vst.add.f32.msk $0xffff, v33;
	s22 =	spop (v2sf)  }
0xd9: {  	s21 =	sor.u32 $0x30, s30;
	[tilespmem:s20+$0x0] =	vst.add.f32.msk $0xffff, v33;
	s31 =	spop (v2sf)  }
0xda: {  	s19 =	simm.s32 $0x40;
	s22 =	sor.u32 $0x40, s22;
	[tilespmem:s21+$0x0] =	vst.add.f32.msk $0xffff, v33;
	s23 =	spop (v2sf)  }
0xdb: {  	s21 =	sor.u32 $0x50, s31;
	[tilespmem:s22+$0x0] =	vst.add.f32.msk $0xffff, v33;
	s20 =	sor.u32 $0x60, s23;
	s22 =	spop (v2sf)  }
.LBB2_7:
0xdc: {  	p4 =	sne.s32 s19, $0x3C0  }
0xdd: {  	[tilespmem:s21+$0x0] =	vst.add.f32.msk $0xffff, v33;
	s21 =	sor.u32 $0x70, s22;
	s22 =	smov.u32 s19;
	s19 =	sadd.s32 $0x40, s19  }
0xde: {  	[tilespmem:s20+$0x0] =	vst.add.f32.msk $0xffff, v33  }
0xdf: {  	s20 =	sshra.s32 s22, $0x2;
	[tilespmem:s21+$0x0] =	vst.add.f32.msk $0xffff, v33  }
0xe0: {  	v34 =	vld [tilespmem:s20+$0x11380];
	_ =	sdelay $0x4  }
0xe1: {  	v34 =	vshll.u32 v34, $0x9  }
0xe2: {  	v34 =	vshra.s32 v34, $0x2  }
0xe3: {  	(v2sf) =	vpush v34, $0x2  }
0xe4: {  	(v2sf) =	vpush v34, $0x0  }
0xe5: {  	(v2sf) =	vpush v34, $0x1  }
0xe6: {  	(v2sf) =	vpush v34, $0x3  }
0xe7: {  	(v2sf) =	vpush v34, $0x4  }
0xe8: {  	(v2sf) =	vpush v34, $0x5  }
0xe9: {  	(v2sf) =	vpush v34, $0x6  }
0xea: {  	(v2sf) =	vpush v34, $0x7  }
0xeb: {  	(v2sf) =	vpush v34, $0x9  }
0xec: {  	(v2sf) =	vpush v34, $0x8  }
0xed: {  	(v2sf) =	vpush v34, $0xA  }
0xee: {  	(v2sf) =	vpush v34, $0xB  }
0xef: {  	(v2sf) =	vpush v34, $0xC  }
0xf0: {  	(v2sf) =	vpush v34, $0xD  }
0xf1: {  	(v2sf) =	vpush v34, $0xE  }
0xf2: {  	s20 =	spop (v2sf);
	(v2sf) =	vpush v34, $0xF  }
0xf3: {  	s21 =	spop (v2sf)  }
0xf4: {  	[tilespmem:s21+$0x0] =	vst.add.f32.msk $0xffff, v33;
	s21 =	spop (v2sf)  }
0xf5: {  	s20 =	sor.u32 $0x20, s20;
	s21 =	sor.u32 $0x10, s21;
	s22 =	spop (v2sf)  }
0xf6: {  	[tilespmem:s21+$0x0] =	vst.add.f32.msk $0xffff, v33;
	s21 =	sor.u32 $0x30, s22;
	s22 =	spop (v2sf)  }
0xf7: {  	[tilespmem:s20+$0x0] =	vst.add.f32.msk $0xffff, v33;
	s20 =	sor.u32 $0x40, s22;
	s22 =	spop (v2sf)  }
0xf8: {  	[tilespmem:s21+$0x0] =	vst.add.f32.msk $0xffff, v33;
	s21 =	sor.u32 $0x50, s22;
	s22 =	spop (v2sf)  }
0xf9: {  	[tilespmem:s20+$0x0] =	vst.add.f32.msk $0xffff, v33;
	s20 =	sor.u32 $0x60, s22;
	s22 =	spop (v2sf)  }
0xfa: {  	[tilespmem:s21+$0x0] =	vst.add.f32.msk $0xffff, v33;
	s21 =	sor.u32 $0x70, s22;
	s22 =	spop (v2sf)  }
0xfb: {  	[tilespmem:s20+$0x0] =	vst.add.f32.msk $0xffff, v33;
	s20 =	spop (v2sf)  }
0xfc: {  	[tilespmem:s21+$0x0] =	vst.add.f32.msk $0xffff, v33;
	s21 =	sor.u32 $0x10, s22;
	s22 =	spop (v2sf)  }
.Ltmp5:
0xfd: {  	[tilespmem:s20+$0x0] =	vst.add.f32.msk $0xffff, v33;
	s20 =	sor.u32 $0x20, s22;
	s22 =	spop (v2sf);
	(pc) =	sbr.rel @p4 .LBB2_7-.Ltmp5, $4  }
0xfe: {  	[tilespmem:s21+$0x0] =	vst.add.f32.msk $0xffff, v33;
	s21 =	sor.u32 $0x30, s22;
	s22 =	spop (v2sf)  }
0xff: {  	[tilespmem:s20+$0x0] =	vst.add.f32.msk $0xffff, v33;
	s20 =	sor.u32 $0x40, s22;
	s22 =	spop (v2sf)  }
0x100: {  	[tilespmem:s21+$0x0] =	vst.add.f32.msk $0xffff, v33;
	s21 =	sor.u32 $0x50, s22;
	s22 =	spop (v2sf)  }
0x101: {  	[tilespmem:s20+$0x0] =	vst.add.f32.msk $0xffff, v33;
	s20 =	sor.u32 $0x60, s22;
	s22 =	spop (v2sf)  }
.Ltmp6:
0x102: {  	_ = 	snop;
	(pc) =	sbr.rel .LBB2_8-.Ltmp6, $1  }
0x103: {  	_ =	sdelay $0x3  }
.LBB2_10:
0x104: {  	_ =	sfence.sel $0x180000  }
0x105: {  	[bflag:$0x0] =	sbarrier.arrive $0xFFFF  }
0x106: {  	_ =	strace $0x90000047  }
0x107: {  	s0 =	sadd.s32 @!p0 $0x100000, s0;
	[bflag:$0x2] =	sbarrier.arrive $0xFFFF  }
0x108: {  	[sflag:s0] =	ssyncadd.tile.s32 @!p0 $0x1;
	_ =	shalt  }
.Lfunc_end2:
_tile_overlayer_lowered:
.L_overlay_start_2:
0x109: {  	(tag) =	ssettag $0x2  }
0x10a: {  	s0 =	rddreg [dreg:$0x0];
	s2 =	stileid.u32  }
0x10b: {  	s1 =	rddreg [dreg:$0x1];
	p0 =	sne.s32 s2, $0x0  }
0x10c: {  	s3 =	rddreg [dreg:$0x2];
	[bflag:$0x3] =	sbarrier.arrive $0xFFFF;
	s2 =	simm.s32 @!p0 $0x1C01  }
0x10d: {  	[timem:s3], [sflag:s2] =	dma.local @!p0 [hbm:s0], s1  }
0x10e: {  	s0 =	simm.s32 @!p0 $0x1  }
0x10f: {  	_ =	swait.ge @!p0 [sflag:s0], s1  }
0x110: {  	s1 =	ssub.s32 @!p0 $0x0, s1;
	[sflag:s0] =	ssyncset.done @!p0 $0x0  }
0x111: {  	[sflag:s0] =	ssyncadd.s32 @!p0 s1  }
0x112: {  	[bflag:$0x3] =	sbarrier.arrive $0xFFFF  }
0x113: {  	_ =	shalt  }

</sc_bundles>
